<compile_context>
chip_gen: v7x
topology: tpu7x:2x2x1
jax: 0.10.2.dev20260603
libtpu: 0.0.44.dev20260713+nightly
codegen_flags: <defaults>
</compile_context>

<pallas_src>
import jax
import jax.numpy as jnp
from jax import lax
from jax.experimental import pallas as pl
from jax.experimental.pallas import tpu as pltpu
from jax.experimental.pallas import tpu_sc as plsc

N = 10000
E = 320000
DIN = 128
H = 64
P = 128
CW = 16
NC, NS = 2, 16
NW = NC * NS
EPW = E // NW
K = 125
NITER = EPW // K
RPT = 624
RTAIL = N - NS * RPT
RB = 1000



def _segsum_body(p_hbm, idx_hbm, zeros_hbm, agg_out,
                 idx0_v, idx1_v, rows0_v, rows1_v, agg_sh,
                 isem0, isem1, gsem0, gsem1):
    c = lax.axis_index("c")
    s = lax.axis_index("s")
    wid = c * NS + s

    pltpu.sync_copy(zeros_hbm.at[pl.ds(s * RPT, RPT)],
                    agg_sh.at[pl.ds(s * RPT, RPT)])
    @pl.when(s == NS - 1)
    def _():
        pltpu.sync_copy(zeros_hbm.at[pl.ds(NS * RPT, RTAIL)],
                        agg_sh.at[pl.ds(NS * RPT, RTAIL)])
    plsc.subcore_barrier()

    def idx(j, buf, sem):
        return pltpu.make_async_copy(idx_hbm.at[wid, j], buf, sem)

    def gather(j, rows, buf, sem):
        return pltpu.make_async_copy(p_hbm.at[buf.at[0]], rows, sem)

    def scatter(j, rows, buf):
        pltpu.sync_copy(rows, agg_sh.at[buf.at[1]], add=True)

    idx(0, idx0_v, isem0).start()
    idx(1, idx1_v, isem1).start()
    idx(0, idx0_v, isem0).wait()
    gather(0, rows0_v, idx0_v, gsem0).start()
    idx(1, idx1_v, isem1).wait()
    gather(1, rows1_v, idx1_v, gsem1).start()

    def step(j, rows, buf, isem, gsem):
        gather(j, rows, buf, gsem).wait()
        scatter(j, rows, buf)
        @pl.when(j + 2 < NITER)
        def _():
            idx(j + 2, buf, isem).start()
            idx(j + 2, buf, isem).wait()
            gather(j + 2, rows, buf, gsem).start()

    def body(j, _):
        @pl.when(j % 2 == 0)
        def _():
            step(j, rows0_v, idx0_v, isem0, gsem0)
        @pl.when(j % 2 == 1)
        def _():
            step(j, rows1_v, idx1_v, isem1, gsem1)
        return ()

    lax.fori_loop(0, NITER, body, ())
    plsc.subcore_barrier()

    pltpu.sync_copy(agg_sh.at[pl.ds(s * RPT, RPT)],
                    agg_out.at[pl.ds(c * N + s * RPT, RPT)])
    @pl.when(s == NS - 1)
    def _():
        pltpu.sync_copy(agg_sh.at[pl.ds(NS * RPT, RTAIL)],
                        agg_out.at[pl.ds(c * N + NS * RPT, RTAIL)])


_SC_MESH = plsc.VectorSubcoreMesh(core_axis_name="c", subcore_axis_name="s")

_segsum = pl.kernel(
    _segsum_body,
    out_type=jax.ShapeDtypeStruct((NC * N, P), jnp.float32),
    mesh=_SC_MESH,
    scratch_types=[
        pltpu.VMEM((2, K), jnp.int32),
        pltpu.VMEM((2, K), jnp.int32),
        pltpu.VMEM((K, P), jnp.float32),
        pltpu.VMEM((K, P), jnp.float32),
        pltpu.VMEM_SHARED((N, P), jnp.float32),
        pltpu.SemaphoreType.DMA,
        pltpu.SemaphoreType.DMA,
        pltpu.SemaphoreType.DMA,
        pltpu.SemaphoreType.DMA,
    ],
)



def _tc0_body(x_ref, wl_ref, wr_ref, bl_ref, p_ref, r_ref):
    xb = x_ref[...]
    pj = jnp.dot(xb, wl_ref[...], preferred_element_type=jnp.float32)
    p_ref[...] = jnp.concatenate(
        [pj, jnp.ones((RB, P - H), jnp.float32)], axis=1)
    r_ref[...] = (jnp.dot(xb, wr_ref[...], preferred_element_type=jnp.float32)
                  + bl_ref[...])


_tc0 = pl.pallas_call(
    _tc0_body,
    grid=(N // RB,),
    in_specs=[
        pl.BlockSpec((RB, DIN), lambda i: (i, 0)),
        pl.BlockSpec((DIN, H), lambda i: (0, 0)),
        pl.BlockSpec((DIN, H), lambda i: (0, 0)),
        pl.BlockSpec((1, H), lambda i: (0, 0)),
    ],
    out_specs=[
        pl.BlockSpec((RB, P), lambda i: (i, 0)),
        pl.BlockSpec((RB, H), lambda i: (i, 0)),
    ],
    out_shape=[
        jax.ShapeDtypeStruct((N, P), jnp.float32),
        jax.ShapeDtypeStruct((N, H), jnp.float32),
    ],
)


def _tcmid_body(a0_ref, a1_ref, c0_ref, c1_ref, r_ref, wl_ref, wr_ref, bl_ref,
                p_ref, r2_ref):
    cnt = c0_ref[...][:, :1] + c1_ref[...][:, :1]
    inv = 1.0 / jnp.maximum(cnt, 1.0)
    agg = a0_ref[...][:, :H] + a1_ref[...][:, :H]
    h = jnp.maximum(agg * inv + r_ref[...], 0.0)
    pj = jnp.dot(h, wl_ref[...], preferred_element_type=jnp.float32)
    p_ref[...] = jnp.concatenate(
        [pj, jnp.zeros((RB, P - H), jnp.float32)], axis=1)
    r2_ref[...] = (jnp.dot(h, wr_ref[...], preferred_element_type=jnp.float32)
                   + bl_ref[...])


_tcmid = pl.pallas_call(
    _tcmid_body,
    grid=(N // RB,),
    in_specs=[
        pl.BlockSpec((RB, P), lambda i: (i, 0)),
        pl.BlockSpec((RB, P), lambda i: (i, 0)),
        pl.BlockSpec((RB, CW), lambda i: (i, 0)),
        pl.BlockSpec((RB, CW), lambda i: (i, 0)),
        pl.BlockSpec((RB, H), lambda i: (i, 0)),
        pl.BlockSpec((H, H), lambda i: (0, 0)),
        pl.BlockSpec((H, H), lambda i: (0, 0)),
        pl.BlockSpec((1, H), lambda i: (0, 0)),
    ],
    out_specs=[
        pl.BlockSpec((RB, P), lambda i: (i, 0)),
        pl.BlockSpec((RB, H), lambda i: (i, 0)),
    ],
    out_shape=[
        jax.ShapeDtypeStruct((N, P), jnp.float32),
        jax.ShapeDtypeStruct((N, H), jnp.float32),
    ],
)


def _tcfin_body(a0_ref, a1_ref, c0_ref, c1_ref, r_ref, wc1_ref, bc1_ref,
                wc2_ref, bc2_ref, out_ref):
    cnt = c0_ref[...][:, :1] + c1_ref[...][:, :1]
    inv = 1.0 / jnp.maximum(cnt, 1.0)
    agg = a0_ref[...][:, :H] + a1_ref[...][:, :H]
    h = jnp.maximum(agg * inv + r_ref[...], 0.0)
    z = jnp.maximum(jnp.dot(h, wc1_ref[...],
                            preferred_element_type=jnp.float32) + bc1_ref[...],
                    0.0)
    sc = jnp.sum(z * wc2_ref[...], axis=1, keepdims=True) + bc2_ref[...]
    out_ref[...] = 1.0 / (1.0 + jnp.exp(-sc))


_tcfin = pl.pallas_call(
    _tcfin_body,
    grid=(N // RB,),
    in_specs=[
        pl.BlockSpec((RB, P), lambda i: (i, 0)),
        pl.BlockSpec((RB, P), lambda i: (i, 0)),
        pl.BlockSpec((RB, CW), lambda i: (i, 0)),
        pl.BlockSpec((RB, CW), lambda i: (i, 0)),
        pl.BlockSpec((RB, H), lambda i: (i, 0)),
        pl.BlockSpec((H, H // 2), lambda i: (0, 0)),
        pl.BlockSpec((1, H // 2), lambda i: (0, 0)),
        pl.BlockSpec((1, H // 2), lambda i: (0, 0)),
        pl.BlockSpec((1, 1), lambda i: (0, 0)),
    ],
    out_specs=pl.BlockSpec((RB, 1), lambda i: (i, 0)),
    out_shape=jax.ShapeDtypeStruct((N, 1), jnp.float32),
)



def kernel(x, edge_index, Wl1, bl1, Wr1, Wl2, bl2, Wr2, Wl3, bl3, Wr3,
           Wl4, bl4, Wr4, Wc1, bc1, Wc2, bc2):
    idx = jnp.stack([edge_index[0].reshape(NW, NITER, K),
                     edge_index[1].reshape(NW, NITER, K)], axis=2)
    zeros = jnp.zeros((N, P), jnp.float32)

    p1, r1 = _tc0(x, Wl1.T, Wr1.T, bl1.reshape(1, H))
    agg1 = _segsum(p1, idx, zeros)
    c0, c1 = agg1[:N, H:H + CW], agg1[N:, H:H + CW]
    p2, r2 = _tcmid(agg1[:N], agg1[N:], c0, c1, r1,
                    Wl2.T, Wr2.T, bl2.reshape(1, H))
    agg2 = _segsum(p2, idx, zeros)
    p3, r3 = _tcmid(agg2[:N], agg2[N:], c0, c1, r2,
                    Wl3.T, Wr3.T, bl3.reshape(1, H))
    agg3 = _segsum(p3, idx, zeros)
    p4, r4 = _tcmid(agg3[:N], agg3[N:], c0, c1, r3,
                    Wl4.T, Wr4.T, bl4.reshape(1, H))
    agg4 = _segsum(p4, idx, zeros)
    score = _tcfin(agg4[:N], agg4[N:], c0, c1, r4,
                   Wc1.T, bc1.reshape(1, H // 2), Wc2, bc2.reshape(1, 1))
    return score.squeeze(-1)

# --- scband reference (transcript-rebuilt; emitter-appended) ---
"""Pipeline reference for scband-fraud-detection-gnn-17231408792329 (READ-ONLY COPY).

The authoritative reference and input builder live on the scoring server;
editing this copy changes nothing except your own understanding.
"""

import jax, jax.numpy as jnp
import numpy as np

N_NODES = 10000
N_EDGES = 320000
D_IN = 128
H = 64


def _sage_conv(x, src, dst, Wl, bl, Wr, n_nodes):
    # PyG SAGEConv (mean aggr): out = lin_l(mean_{j in N(i)} x_j) + lin_r(x_i)
    msg = x[src]
    agg = jax.ops.segment_sum(msg, dst, num_segments=n_nodes)
    cnt = jax.ops.segment_sum(jnp.ones((src.shape[0],), dtype=x.dtype), dst, num_segments=n_nodes)
    mean = agg / jnp.maximum(cnt, 1.0)[:, None]
    return mean @ Wl.T + bl + x @ Wr.T


def setup_inputs(seed: int = 0) -> dict:
    key = jax.random.key(seed)
    ks = jax.random.split(key, 24)
    x = jax.random.normal(ks[0], (N_NODES, D_IN), dtype=jnp.float32)
    edge_index = jax.random.randint(ks[1], (2, N_EDGES), 0, N_NODES, dtype=jnp.int32)
    s_in = 1.0 / np.sqrt(D_IN)
    s_h = 1.0 / np.sqrt(H)
    params = {
        # GraphSAGE block 1: SAGEConv(D_IN->H), SAGEConv(H->H)
        'Wl1': jax.random.normal(ks[2], (H, D_IN), dtype=jnp.float32) * s_in,
        'bl1': jnp.zeros((H,), dtype=jnp.float32),
        'Wr1': jax.random.normal(ks[3], (H, D_IN), dtype=jnp.float32) * s_in,
        'Wl2': jax.random.normal(ks[4], (H, H), dtype=jnp.float32) * s_h,
        'bl2': jnp.zeros((H,), dtype=jnp.float32),
        'Wr2': jax.random.normal(ks[5], (H, H), dtype=jnp.float32) * s_h,
        # GraphSAGE block 2: SAGEConv(H->H), SAGEConv(H->H)
        'Wl3': jax.random.normal(ks[6], (H, H), dtype=jnp.float32) * s_h,
        'bl3': jnp.zeros((H,), dtype=jnp.float32),
        'Wr3': jax.random.normal(ks[7], (H, H), dtype=jnp.float32) * s_h,
        'Wl4': jax.random.normal(ks[8], (H, H), dtype=jnp.float32) * s_h,
        'bl4': jnp.zeros((H,), dtype=jnp.float32),
        'Wr4': jax.random.normal(ks[9], (H, H), dtype=jnp.float32) * s_h,
        # fraud_classifier: Linear(H, H//2) -> ReLU -> Linear(H//2, 1) -> Sigmoid
        'Wc1': jax.random.normal(ks[10], (H // 2, H), dtype=jnp.float32) * s_h,
        'bc1': jnp.zeros((H // 2,), dtype=jnp.float32),
        'Wc2': jax.random.normal(ks[11], (1, H // 2), dtype=jnp.float32) * (1.0 / np.sqrt(H // 2)),
        'bc2': jnp.zeros((1,), dtype=jnp.float32),
    }
    return {'x': x, 'edge_index': edge_index, **params}


def reference(x, edge_index, Wl1, bl1, Wr1, Wl2, bl2, Wr2, Wl3, bl3, Wr3, Wl4, bl4, Wr4, Wc1, bc1, Wc2, bc2):
    src = edge_index[0]
    dst = edge_index[1]
    n = x.shape[0]
    # Block 1 (GraphSAGE, num_layers=2: act between convs, none after last)
    h = jax.nn.relu(_sage_conv(x, src, dst, Wl1, bl1, Wr1, n))
    h = _sage_conv(h, src, dst, Wl2, bl2, Wr2, n)
    h = jax.nn.relu(h)  # outer relu in FraudDetectionGNN (dropout is no-op in eval)
    # Block 2
    h = jax.nn.relu(_sage_conv(h, src, dst, Wl3, bl3, Wr3, n))
    h = _sage_conv(h, src, dst, Wl4, bl4, Wr4, n)
    h = jax.nn.relu(h)
    # Classifier
    z = jax.nn.relu(h @ Wc1.T + bc1)
    score = jax.nn.sigmoid(z @ Wc2.T + bc2)
    return score.squeeze(-1)

if __name__ == "__main__":
    import jax
    _d = setup_inputs()
    print(jax.jit(kernel)(*tuple(_d.values())))

</pallas_src>

<mosaic_0001>
#map = affine_map<(d0, d1) -> (0, 0)>
#map1 = affine_map<(d0, d1) -> (0, 0, 0, 0)>
module attributes {stable_mosaic.version = 14 : i64} {
  func.func @_segsum_body(%arg0: i32, %arg1: i32, %arg2: memref<10000x128xf32, #tpu.memory_space<hbm>>, %arg3: memref<32x80x2x125xi32, #tpu.memory_space<hbm>>, %arg4: memref<10000x128xf32, #tpu.memory_space<hbm>>, %arg5: memref<20000x128xf32, #tpu.memory_space<hbm>>, %arg6: memref<2x125xi32, #tpu.memory_space<vmem>>, %arg7: memref<2x125xi32, #tpu.memory_space<vmem>>, %arg8: memref<125x128xf32, #tpu.memory_space<vmem>>, %arg9: memref<125x128xf32, #tpu.memory_space<vmem>>, %arg10: memref<10000x128xf32, #tpu.memory_space<vmem_shared>>, %arg11: memref<!tpu.dma_semaphore, #tpu.memory_space<semaphore_mem>>, %arg12: memref<!tpu.dma_semaphore, #tpu.memory_space<semaphore_mem>>, %arg13: memref<!tpu.dma_semaphore, #tpu.memory_space<semaphore_mem>>, %arg14: memref<!tpu.dma_semaphore, #tpu.memory_space<semaphore_mem>>) attributes {dimension_semantics = [#tpu.dimension_semantics<core_parallel>, #tpu.dimension_semantics<subcore_parallel>], iteration_bounds = array<i64: 2, 16>, scalar_prefetch = 0 : i64, scratch_operands = 9 : i64, tpu.core_type = #tpu.core_type<sc_vector_subcore>, window_params = [{transform_indices = #map}, {transform_indices = #map1}, {transform_indices = #map}, {transform_indices = #map}]} {
    %mul3A = arith.constant 16 : i32
    %mul3A_0 = arith.muli %arg0, %mul3A : i32
    %add3A = arith.addi %mul3A_0, %arg1 : i32
    %mul3A_1 = arith.constant 624 : i32
    %mul3A_2 = arith.muli %arg1, %mul3A_1 : i32
    %mul3A_3 = arith.constant 624 : i32
    %mul3A_4 = arith.muli %arg1, %mul3A_3 : i32
    "tpu.region"() ({
      %run_scoped3A = tpu.sem_alloc : memref<!tpu.dma_semaphore, #tpu.memory_space<semaphore_mem>>
      %dma_start3A_72 = arith.constant 0 : i32
      %dma_start3A_73 = tpu.memref_slice %arg10[%mul3A_4, %dma_start3A_72] : memref<10000x128xf32, #tpu.memory_space<vmem_shared>> -> memref<624x128xf32, #tpu.memory_space<vmem_shared>>
      %dma_start3A_74 = arith.constant 0 : i32
      %dma_start3A_75 = tpu.memref_slice %arg4[%mul3A_2, %dma_start3A_74] : memref<10000x128xf32, #tpu.memory_space<hbm>> -> memref<624x128xf32, #tpu.memory_space<hbm>>
      tpu.enqueue_dma source(%dma_start3A_75 : memref<624x128xf32, #tpu.memory_space<hbm>>) target(%dma_start3A_73 : memref<624x128xf32, #tpu.memory_space<vmem_shared>>) target_semaphore(%run_scoped3A : memref<!tpu.dma_semaphore, #tpu.memory_space<semaphore_mem>>)
      %dma_wait3A_76 = arith.constant 0 : i32
      %dma_wait3A_77 = tpu.memref_slice %arg10[%mul3A_4, %dma_wait3A_76] : memref<10000x128xf32, #tpu.memory_space<vmem_shared>> -> memref<624x128xf32, #tpu.memory_space<vmem_shared>>
      %dma_wait3A_78 = arith.constant 0 : i32
      %dma_wait3A_79 = tpu.memref_slice %arg4[%mul3A_2, %dma_wait3A_78] : memref<10000x128xf32, #tpu.memory_space<hbm>> -> memref<624x128xf32, #tpu.memory_space<hbm>>
      tpu.wait_dma2 semaphore(%run_scoped3A : memref<!tpu.dma_semaphore, #tpu.memory_space<semaphore_mem>>) src(%dma_wait3A_79 : memref<624x128xf32, #tpu.memory_space<hbm>>) dst(%dma_wait3A_77 : memref<624x128xf32, #tpu.memory_space<vmem_shared>>)
      tpu.yield
    }) : () -> ()
    %eq3A = arith.constant 15 : i32
    %eq3A_5 = arith.cmpi eq, %arg1, %eq3A : i32
    %convert_element_type3A = arith.extui %eq3A_5 : i1 to i32
    %cond3A = arith.constant 0 : i32
    %cond3A_6 = arith.cmpi ne, %convert_element_type3A, %cond3A : i32
    scf.if %cond3A_6 {
      "tpu.region"() ({
        %run_scoped3A = tpu.sem_alloc : memref<!tpu.dma_semaphore, #tpu.memory_space<semaphore_mem>>
        %dma_start3A_72 = arith.constant 9984 : i32
        %dma_start3A_73 = arith.constant 0 : i32
        %dma_start3A_74 = tpu.memref_slice %arg10[%dma_start3A_72, %dma_start3A_73] : memref<10000x128xf32, #tpu.memory_space<vmem_shared>> -> memref<16x128xf32, #tpu.memory_space<vmem_shared>>
        %dma_start3A_75 = arith.constant 9984 : i32
        %dma_start3A_76 = arith.constant 0 : i32
        %dma_start3A_77 = tpu.memref_slice %arg4[%dma_start3A_75, %dma_start3A_76] : memref<10000x128xf32, #tpu.memory_space<hbm>> -> memref<16x128xf32, #tpu.memory_space<hbm>>
        tpu.enqueue_dma source(%dma_start3A_77 : memref<16x128xf32, #tpu.memory_space<hbm>>) target(%dma_start3A_74 : memref<16x128xf32, #tpu.memory_space<vmem_shared>>) target_semaphore(%run_scoped3A : memref<!tpu.dma_semaphore, #tpu.memory_space<semaphore_mem>>)
        %dma_wait3A_78 = arith.constant 9984 : i32
        %dma_wait3A_79 = arith.constant 0 : i32
        %dma_wait3A_80 = tpu.memref_slice %arg10[%dma_wait3A_78, %dma_wait3A_79] : memref<10000x128xf32, #tpu.memory_space<vmem_shared>> -> memref<16x128xf32, #tpu.memory_space<vmem_shared>>
        %dma_wait3A_81 = arith.constant 9984 : i32
        %dma_wait3A_82 = arith.constant 0 : i32
        %dma_wait3A_83 = tpu.memref_slice %arg4[%dma_wait3A_81, %dma_wait3A_82] : memref<10000x128xf32, #tpu.memory_space<hbm>> -> memref<16x128xf32, #tpu.memory_space<hbm>>
        tpu.wait_dma2 semaphore(%run_scoped3A : memref<!tpu.dma_semaphore, #tpu.memory_space<semaphore_mem>>) src(%dma_wait3A_83 : memref<16x128xf32, #tpu.memory_space<hbm>>) dst(%dma_wait3A_80 : memref<16x128xf32, #tpu.memory_space<vmem_shared>>)
        tpu.yield
      }) : () -> ()
    } else {
    }
    %barrier3A = arith.constant 0 : index
    tpu.barrier barrier_id(%barrier3A)
    %dma_start3A = arith.constant 0 : i32
    %dma_start3A_7 = arith.constant 0 : i32
    %dma_start3A_8 = arith.constant 0 : i32
    %dma_start3A_9 = tpu.memref_slice %arg3[%add3A, %dma_start3A, %dma_start3A_7, %dma_start3A_8] : memref<32x80x2x125xi32, #tpu.memory_space<hbm>> -> memref<1x1x2x125xi32, #tpu.memory_space<hbm>>
    %dma_start3A_10 = tpu.memref_squeeze %dma_start3A_9 : memref<1x1x2x125xi32, #tpu.memory_space<hbm>> -> memref<2x125xi32, #tpu.memory_space<hbm>>
    %dma_start3A_11 = arith.constant 0 : i32
    %dma_start3A_12 = arith.constant 0 : i32
    %dma_start3A_13 = tpu.memref_slice %arg3[%add3A, %dma_start3A, %dma_start3A_11, %dma_start3A_12] : memref<32x80x2x125xi32, #tpu.memory_space<hbm>> -> memref<1x1x2x125xi32, #tpu.memory_space<hbm>>
    %dma_start3A_14 = tpu.memref_squeeze %dma_start3A_13 : memref<1x1x2x125xi32, #tpu.memory_space<hbm>> -> memref<2x125xi32, #tpu.memory_space<hbm>>
    tpu.enqueue_dma source(%dma_start3A_14 : memref<2x125xi32, #tpu.memory_space<hbm>>) target(%arg6 : memref<2x125xi32, #tpu.memory_space<vmem>>) target_semaphore(%arg11 : memref<!tpu.dma_semaphore, #tpu.memory_space<semaphore_mem>>)
    %dma_start3A_15 = arith.constant 1 : i32
    %dma_start3A_16 = arith.constant 0 : i32
    %dma_start3A_17 = arith.constant 0 : i32
    %dma_start3A_18 = tpu.memref_slice %arg3[%add3A, %dma_start3A_15, %dma_start3A_16, %dma_start3A_17] : memref<32x80x2x125xi32, #tpu.memory_space<hbm>> -> memref<1x1x2x125xi32, #tpu.memory_space<hbm>>
    %dma_start3A_19 = tpu.memref_squeeze %dma_start3A_18 : memref<1x1x2x125xi32, #tpu.memory_space<hbm>> -> memref<2x125xi32, #tpu.memory_space<hbm>>
    %dma_start3A_20 = arith.constant 0 : i32
    %dma_start3A_21 = arith.constant 0 : i32
    %dma_start3A_22 = tpu.memref_slice %arg3[%add3A, %dma_start3A_15, %dma_start3A_20, %dma_start3A_21] : memref<32x80x2x125xi32, #tpu.memory_space<hbm>> -> memref<1x1x2x125xi32, #tpu.memory_space<hbm>>
    %dma_start3A_23 = tpu.memref_squeeze %dma_start3A_22 : memref<1x1x2x125xi32, #tpu.memory_space<hbm>> -> memref<2x125xi32, #tpu.memory_space<hbm>>
    tpu.enqueue_dma source(%dma_start3A_23 : memref<2x125xi32, #tpu.memory_space<hbm>>) target(%arg7 : memref<2x125xi32, #tpu.memory_space<vmem>>) target_semaphore(%arg12 : memref<!tpu.dma_semaphore, #tpu.memory_space<semaphore_mem>>)
    %dma_wait3A = arith.constant 0 : i32
    %dma_wait3A_24 = arith.constant 0 : i32
    %dma_wait3A_25 = arith.constant 0 : i32
    %dma_wait3A_26 = tpu.memref_slice %arg3[%add3A, %dma_wait3A, %dma_wait3A_24, %dma_wait3A_25] : memref<32x80x2x125xi32, #tpu.memory_space<hbm>> -> memref<1x1x2x125xi32, #tpu.memory_space<hbm>>
    %dma_wait3A_27 = tpu.memref_squeeze %dma_wait3A_26 : memref<1x1x2x125xi32, #tpu.memory_space<hbm>> -> memref<2x125xi32, #tpu.memory_space<hbm>>
    %dma_wait3A_28 = arith.constant 0 : i32
    %dma_wait3A_29 = arith.constant 0 : i32
    %dma_wait3A_30 = tpu.memref_slice %arg3[%add3A, %dma_wait3A, %dma_wait3A_28, %dma_wait3A_29] : memref<32x80x2x125xi32, #tpu.memory_space<hbm>> -> memref<1x1x2x125xi32, #tpu.memory_space<hbm>>
    %dma_wait3A_31 = tpu.memref_squeeze %dma_wait3A_30 : memref<1x1x2x125xi32, #tpu.memory_space<hbm>> -> memref<2x125xi32, #tpu.memory_space<hbm>>
    tpu.wait_dma2 semaphore(%arg11 : memref<!tpu.dma_semaphore, #tpu.memory_space<semaphore_mem>>) src(%dma_wait3A_31 : memref<2x125xi32, #tpu.memory_space<hbm>>) dst(%arg6 : memref<2x125xi32, #tpu.memory_space<vmem>>)
    %dma_start3A_32 = arith.constant 0 : i32
    %dma_start3A_33 = arith.constant 0 : i32
    %dma_start3A_34 = tpu.memref_slice %arg6[%dma_start3A_32, %dma_start3A_33] : memref<2x125xi32, #tpu.memory_space<vmem>> -> memref<1x125xi32, #tpu.memory_space<vmem>>
    %dma_start3A_35 = tpu.memref_squeeze %dma_start3A_34 : memref<1x125xi32, #tpu.memory_space<vmem>> -> memref<125xi32, #tpu.memory_space<vmem>>
    %dma_start3A_36 = arith.constant 0 : i32
    %dma_start3A_37 = arith.constant 0 : i32
    %dma_start3A_38 = tpu.memref_slice %arg2[%dma_start3A_36, %dma_start3A_37] : memref<10000x128xf32, #tpu.memory_space<hbm>> -> memref<10000x128xf32, #tpu.memory_space<hbm>>
    tpu.enqueue_indirect_dma source(%dma_start3A_38 : memref<10000x128xf32, #tpu.memory_space<hbm>>) target(%arg8 : memref<125x128xf32, #tpu.memory_space<vmem>>) offsets(%dma_start3A_35 : memref<125xi32, #tpu.memory_space<vmem>>) semaphore(%arg13 : memref<!tpu.dma_semaphore, #tpu.memory_space<semaphore_mem>>)
    %dma_wait3A_39 = arith.constant 1 : i32
    %dma_wait3A_40 = arith.constant 0 : i32
    %dma_wait3A_41 = arith.constant 0 : i32
    %dma_wait3A_42 = tpu.memref_slice %arg3[%add3A, %dma_wait3A_39, %dma_wait3A_40, %dma_wait3A_41] : memref<32x80x2x125xi32, #tpu.memory_space<hbm>> -> memref<1x1x2x125xi32, #tpu.memory_space<hbm>>
    %dma_wait3A_43 = tpu.memref_squeeze %dma_wait3A_42 : memref<1x1x2x125xi32, #tpu.memory_space<hbm>> -> memref<2x125xi32, #tpu.memory_space<hbm>>
    %dma_wait3A_44 = arith.constant 0 : i32
    %dma_wait3A_45 = arith.constant 0 : i32
    %dma_wait3A_46 = tpu.memref_slice %arg3[%add3A, %dma_wait3A_39, %dma_wait3A_44, %dma_wait3A_45] : memref<32x80x2x125xi32, #tpu.memory_space<hbm>> -> memref<1x1x2x125xi32, #tpu.memory_space<hbm>>
    %dma_wait3A_47 = tpu.memref_squeeze %dma_wait3A_46 : memref<1x1x2x125xi32, #tpu.memory_space<hbm>> -> memref<2x125xi32, #tpu.memory_space<hbm>>
    tpu.wait_dma2 semaphore(%arg12 : memref<!tpu.dma_semaphore, #tpu.memory_space<semaphore_mem>>) src(%dma_wait3A_47 : memref<2x125xi32, #tpu.memory_space<hbm>>) dst(%arg7 : memref<2x125xi32, #tpu.memory_space<vmem>>)
    %dma_start3A_48 = arith.constant 0 : i32
    %dma_start3A_49 = arith.constant 0 : i32
    %dma_start3A_50 = tpu.memref_slice %arg7[%dma_start3A_48, %dma_start3A_49] : memref<2x125xi32, #tpu.memory_space<vmem>> -> memref<1x125xi32, #tpu.memory_space<vmem>>
    %dma_start3A_51 = tpu.memref_squeeze %dma_start3A_50 : memref<1x125xi32, #tpu.memory_space<vmem>> -> memref<125xi32, #tpu.memory_space<vmem>>
    %dma_start3A_52 = arith.constant 0 : i32
    %dma_start3A_53 = arith.constant 0 : i32
    %dma_start3A_54 = tpu.memref_slice %arg2[%dma_start3A_52, %dma_start3A_53] : memref<10000x128xf32, #tpu.memory_space<hbm>> -> memref<10000x128xf32, #tpu.memory_space<hbm>>
    tpu.enqueue_indirect_dma source(%dma_start3A_54 : memref<10000x128xf32, #tpu.memory_space<hbm>>) target(%arg9 : memref<125x128xf32, #tpu.memory_space<vmem>>) offsets(%dma_start3A_51 : memref<125xi32, #tpu.memory_space<vmem>>) semaphore(%arg14 : memref<!tpu.dma_semaphore, #tpu.memory_space<semaphore_mem>>)
    %scan3A = arith.constant 0 : i32
    %scan3A_55 = arith.constant 80 : i32
    %scan3A_56 = arith.addi %scan3A, %scan3A_55 : i32
    %scan3A_57 = arith.constant 1 : i32
    scf.for %scan3A_72 = %scan3A to %scan3A_56 step %scan3A_57  : i32 {
      %jit3A = arith.constant 2 : i32
      %eq3A_73 = arith.constant 0 : i32
      %eq3A_74 = arith.cmpi eq, %jit3A, %eq3A_73 : i32
      %jit3A_75 = arith.constant 1 : i32
      %select_n3A = arith.select %eq3A_74, %jit3A_75, %jit3A : i32
      %rem3A = arith.remsi %scan3A_72, %select_n3A : i32
      %ne3A = arith.constant 0 : i32
      %ne3A_76 = arith.cmpi ne, %rem3A, %ne3A : i32
      %lt3A = arith.constant 0 : i32
      %lt3A_77 = arith.cmpi slt, %rem3A, %lt3A : i32
      %lt3A_78 = arith.constant 0 : i32
      %lt3A_79 = arith.cmpi slt, %select_n3A, %lt3A_78 : i32
      %ne3A_80 = arith.xori %lt3A_77, %lt3A_79 : i1
      %and3A = arith.andi %ne3A_80, %ne3A_76 : i1
      %add3A_81 = arith.addi %rem3A, %select_n3A : i32
      %select_n3A_82 = arith.select %and3A, %add3A_81, %rem3A : i32
      %eq3A_83 = arith.constant 0 : i32
      %eq3A_84 = arith.cmpi eq, %select_n3A_82, %eq3A_83 : i32
      %convert_element_type3A_85 = arith.extui %eq3A_84 : i1 to i32
      %cond3A_86 = arith.constant 0 : i32
      %cond3A_87 = arith.cmpi ne, %convert_element_type3A_85, %cond3A_86 : i32
      scf.if %cond3A_87 {
        %dma_wait3A_109 = arith.constant 0 : i32
        %dma_wait3A_110 = arith.constant 0 : i32
        %dma_wait3A_111 = tpu.memref_slice %arg6[%dma_wait3A_109, %dma_wait3A_110] : memref<2x125xi32, #tpu.memory_space<vmem>> -> memref<1x125xi32, #tpu.memory_space<vmem>>
        %dma_wait3A_112 = tpu.memref_squeeze %dma_wait3A_111 : memref<1x125xi32, #tpu.memory_space<vmem>> -> memref<125xi32, #tpu.memory_space<vmem>>
        %dma_wait3A_113 = arith.constant 0 : i32
        %dma_wait3A_114 = arith.constant 0 : i32
        %dma_wait3A_115 = tpu.memref_slice %arg2[%dma_wait3A_113, %dma_wait3A_114] : memref<10000x128xf32, #tpu.memory_space<hbm>> -> memref<10000x128xf32, #tpu.memory_space<hbm>>
        tpu.wait_indirect_dma semaphore(%arg13 : memref<!tpu.dma_semaphore, #tpu.memory_space<semaphore_mem>>) src(%dma_wait3A_115 : memref<10000x128xf32, #tpu.memory_space<hbm>>) dst(%arg8 : memref<125x128xf32, #tpu.memory_space<vmem>>)
        %run_scoped3A = arith.constant 1 : i32
        "tpu.region"() ({
          %run_scoped3A_123 = tpu.sem_alloc : memref<!tpu.dma_semaphore, #tpu.memory_space<semaphore_mem>>
          %dma_start3A_124 = arith.constant 0 : i32
          %dma_start3A_125 = tpu.memref_slice %arg6[%run_scoped3A, %dma_start3A_124] : memref<2x125xi32, #tpu.memory_space<vmem>> -> memref<1x125xi32, #tpu.memory_space<vmem>>
          %dma_start3A_126 = tpu.memref_squeeze %dma_start3A_125 : memref<1x125xi32, #tpu.memory_space<vmem>> -> memref<125xi32, #tpu.memory_space<vmem>>
          %dma_start3A_127 = arith.constant 0 : i32
          %dma_start3A_128 = arith.constant 0 : i32
          %dma_start3A_129 = tpu.memref_slice %arg10[%dma_start3A_127, %dma_start3A_128] : memref<10000x128xf32, #tpu.memory_space<vmem_shared>> -> memref<10000x128xf32, #tpu.memory_space<vmem_shared>>
          tpu.enqueue_indirect_dma source(%arg8 : memref<125x128xf32, #tpu.memory_space<vmem>>) target(%dma_start3A_129 : memref<10000x128xf32, #tpu.memory_space<vmem_shared>>) offsets(%dma_start3A_126 : memref<125xi32, #tpu.memory_space<vmem>>) semaphore(%run_scoped3A_123 : memref<!tpu.dma_semaphore, #tpu.memory_space<semaphore_mem>>) {add = true}
          %dma_wait3A_130 = arith.constant 0 : i32
          %dma_wait3A_131 = tpu.memref_slice %arg6[%run_scoped3A, %dma_wait3A_130] : memref<2x125xi32, #tpu.memory_space<vmem>> -> memref<1x125xi32, #tpu.memory_space<vmem>>
          %dma_wait3A_132 = tpu.memref_squeeze %dma_wait3A_131 : memref<1x125xi32, #tpu.memory_space<vmem>> -> memref<125xi32, #tpu.memory_space<vmem>>
          %dma_wait3A_133 = arith.constant 0 : i32
          %dma_wait3A_134 = arith.constant 0 : i32
          %dma_wait3A_135 = tpu.memref_slice %arg10[%dma_wait3A_133, %dma_wait3A_134] : memref<10000x128xf32, #tpu.memory_space<vmem_shared>> -> memref<10000x128xf32, #tpu.memory_space<vmem_shared>>
          tpu.wait_indirect_dma semaphore(%run_scoped3A_123 : memref<!tpu.dma_semaphore, #tpu.memory_space<semaphore_mem>>) src(%arg8 : memref<125x128xf32, #tpu.memory_space<vmem>>) dst(%dma_wait3A_135 : memref<10000x128xf32, #tpu.memory_space<vmem_shared>>)
          tpu.yield
        }) : () -> ()
        %add3A_116 = arith.constant 2 : i32
        %add3A_117 = arith.addi %scan3A_72, %add3A_116 : i32
        %lt3A_118 = arith.constant 80 : i32
        %lt3A_119 = arith.cmpi slt, %add3A_117, %lt3A_118 : i32
        %convert_element_type3A_120 = arith.extui %lt3A_119 : i1 to i32
        %cond3A_121 = arith.constant 0 : i32
        %cond3A_122 = arith.cmpi ne, %convert_element_type3A_120, %cond3A_121 : i32
        scf.if %cond3A_122 {
          %add3A_123 = arith.constant 2 : i32
          %add3A_124 = arith.addi %scan3A_72, %add3A_123 : i32
          %dma_start3A_125 = arith.constant 0 : i32
          %dma_start3A_126 = arith.constant 0 : i32
          %dma_start3A_127 = tpu.memref_slice %arg3[%add3A, %add3A_124, %dma_start3A_125, %dma_start3A_126] : memref<32x80x2x125xi32, #tpu.memory_space<hbm>> -> memref<1x1x2x125xi32, #tpu.memory_space<hbm>>
          %dma_start3A_128 = tpu.memref_squeeze %dma_start3A_127 : memref<1x1x2x125xi32, #tpu.memory_space<hbm>> -> memref<2x125xi32, #tpu.memory_space<hbm>>
          %dma_start3A_129 = arith.constant 0 : i32
          %dma_start3A_130 = arith.constant 0 : i32
          %dma_start3A_131 = tpu.memref_slice %arg3[%add3A, %add3A_124, %dma_start3A_129, %dma_start3A_130] : memref<32x80x2x125xi32, #tpu.memory_space<hbm>> -> memref<1x1x2x125xi32, #tpu.memory_space<hbm>>
          %dma_start3A_132 = tpu.memref_squeeze %dma_start3A_131 : memref<1x1x2x125xi32, #tpu.memory_space<hbm>> -> memref<2x125xi32, #tpu.memory_space<hbm>>
          tpu.enqueue_dma source(%dma_start3A_132 : memref<2x125xi32, #tpu.memory_space<hbm>>) target(%arg6 : memref<2x125xi32, #tpu.memory_space<vmem>>) target_semaphore(%arg11 : memref<!tpu.dma_semaphore, #tpu.memory_space<semaphore_mem>>)
          %add3A_133 = arith.constant 2 : i32
          %add3A_134 = arith.addi %scan3A_72, %add3A_133 : i32
          %dma_wait3A_135 = arith.constant 0 : i32
          %dma_wait3A_136 = arith.constant 0 : i32
          %dma_wait3A_137 = tpu.memref_slice %arg3[%add3A, %add3A_134, %dma_wait3A_135, %dma_wait3A_136] : memref<32x80x2x125xi32, #tpu.memory_space<hbm>> -> memref<1x1x2x125xi32, #tpu.memory_space<hbm>>
          %dma_wait3A_138 = tpu.memref_squeeze %dma_wait3A_137 : memref<1x1x2x125xi32, #tpu.memory_space<hbm>> -> memref<2x125xi32, #tpu.memory_space<hbm>>
          %dma_wait3A_139 = arith.constant 0 : i32
          %dma_wait3A_140 = arith.constant 0 : i32
          %dma_wait3A_141 = tpu.memref_slice %arg3[%add3A, %add3A_134, %dma_wait3A_139, %dma_wait3A_140] : memref<32x80x2x125xi32, #tpu.memory_space<hbm>> -> memref<1x1x2x125xi32, #tpu.memory_space<hbm>>
          %dma_wait3A_142 = tpu.memref_squeeze %dma_wait3A_141 : memref<1x1x2x125xi32, #tpu.memory_space<hbm>> -> memref<2x125xi32, #tpu.memory_space<hbm>>
          tpu.wait_dma2 semaphore(%arg11 : memref<!tpu.dma_semaphore, #tpu.memory_space<semaphore_mem>>) src(%dma_wait3A_142 : memref<2x125xi32, #tpu.memory_space<hbm>>) dst(%arg6 : memref<2x125xi32, #tpu.memory_space<vmem>>)
          %add3A_143 = arith.constant 2 : i32
          %add3A_144 = arith.addi %scan3A_72, %add3A_143 : i32
          %dma_start3A_145 = arith.constant 0 : i32
          %dma_start3A_146 = arith.constant 0 : i32
          %dma_start3A_147 = tpu.memref_slice %arg6[%dma_start3A_145, %dma_start3A_146] : memref<2x125xi32, #tpu.memory_space<vmem>> -> memref<1x125xi32, #tpu.memory_space<vmem>>
          %dma_start3A_148 = tpu.memref_squeeze %dma_start3A_147 : memref<1x125xi32, #tpu.memory_space<vmem>> -> memref<125xi32, #tpu.memory_space<vmem>>
          %dma_start3A_149 = arith.constant 0 : i32
          %dma_start3A_150 = arith.constant 0 : i32
          %dma_start3A_151 = tpu.memref_slice %arg2[%dma_start3A_149, %dma_start3A_150] : memref<10000x128xf32, #tpu.memory_space<hbm>> -> memref<10000x128xf32, #tpu.memory_space<hbm>>
          tpu.enqueue_indirect_dma source(%dma_start3A_151 : memref<10000x128xf32, #tpu.memory_space<hbm>>) target(%arg8 : memref<125x128xf32, #tpu.memory_space<vmem>>) offsets(%dma_start3A_148 : memref<125xi32, #tpu.memory_space<vmem>>) semaphore(%arg13 : memref<!tpu.dma_semaphore, #tpu.memory_space<semaphore_mem>>)
        } else {
        }
      } else {
      }
      %jit3A_88 = arith.constant 2 : i32
      %eq3A_89 = arith.constant 0 : i32
      %eq3A_90 = arith.cmpi eq, %jit3A_88, %eq3A_89 : i32
      %jit3A_91 = arith.constant 1 : i32
      %select_n3A_92 = arith.select %eq3A_90, %jit3A_91, %jit3A_88 : i32
      %rem3A_93 = arith.remsi %scan3A_72, %select_n3A_92 : i32
      %ne3A_94 = arith.constant 0 : i32
      %ne3A_95 = arith.cmpi ne, %rem3A_93, %ne3A_94 : i32
      %lt3A_96 = arith.constant 0 : i32
      %lt3A_97 = arith.cmpi slt, %rem3A_93, %lt3A_96 : i32
      %lt3A_98 = arith.constant 0 : i32
      %lt3A_99 = arith.cmpi slt, %select_n3A_92, %lt3A_98 : i32
      %ne3A_100 = arith.xori %lt3A_97, %lt3A_99 : i1
      %and3A_101 = arith.andi %ne3A_100, %ne3A_95 : i1
      %add3A_102 = arith.addi %rem3A_93, %select_n3A_92 : i32
      %select_n3A_103 = arith.select %and3A_101, %add3A_102, %rem3A_93 : i32
      %eq3A_104 = arith.constant 1 : i32
      %eq3A_105 = arith.cmpi eq, %select_n3A_103, %eq3A_104 : i32
      %convert_element_type3A_106 = arith.extui %eq3A_105 : i1 to i32
      %cond3A_107 = arith.constant 0 : i32
      %cond3A_108 = arith.cmpi ne, %convert_element_type3A_106, %cond3A_107 : i32
      scf.if %cond3A_108 {
        %dma_wait3A_109 = arith.constant 0 : i32
        %dma_wait3A_110 = arith.constant 0 : i32
        %dma_wait3A_111 = tpu.memref_slice %arg7[%dma_wait3A_109, %dma_wait3A_110] : memref<2x125xi32, #tpu.memory_space<vmem>> -> memref<1x125xi32, #tpu.memory_space<vmem>>
        %dma_wait3A_112 = tpu.memref_squeeze %dma_wait3A_111 : memref<1x125xi32, #tpu.memory_space<vmem>> -> memref<125xi32, #tpu.memory_space<vmem>>
        %dma_wait3A_113 = arith.constant 0 : i32
        %dma_wait3A_114 = arith.constant 0 : i32
        %dma_wait3A_115 = tpu.memref_slice %arg2[%dma_wait3A_113, %dma_wait3A_114] : memref<10000x128xf32, #tpu.memory_space<hbm>> -> memref<10000x128xf32, #tpu.memory_space<hbm>>
        tpu.wait_indirect_dma semaphore(%arg14 : memref<!tpu.dma_semaphore, #tpu.memory_space<semaphore_mem>>) src(%dma_wait3A_115 : memref<10000x128xf32, #tpu.memory_space<hbm>>) dst(%arg9 : memref<125x128xf32, #tpu.memory_space<vmem>>)
        %run_scoped3A = arith.constant 1 : i32
        "tpu.region"() ({
          %run_scoped3A_123 = tpu.sem_alloc : memref<!tpu.dma_semaphore, #tpu.memory_space<semaphore_mem>>
          %dma_start3A_124 = arith.constant 0 : i32
          %dma_start3A_125 = tpu.memref_slice %arg7[%run_scoped3A, %dma_start3A_124] : memref<2x125xi32, #tpu.memory_space<vmem>> -> memref<1x125xi32, #tpu.memory_space<vmem>>
          %dma_start3A_126 = tpu.memref_squeeze %dma_start3A_125 : memref<1x125xi32, #tpu.memory_space<vmem>> -> memref<125xi32, #tpu.memory_space<vmem>>
          %dma_start3A_127 = arith.constant 0 : i32
          %dma_start3A_128 = arith.constant 0 : i32
          %dma_start3A_129 = tpu.memref_slice %arg10[%dma_start3A_127, %dma_start3A_128] : memref<10000x128xf32, #tpu.memory_space<vmem_shared>> -> memref<10000x128xf32, #tpu.memory_space<vmem_shared>>
          tpu.enqueue_indirect_dma source(%arg9 : memref<125x128xf32, #tpu.memory_space<vmem>>) target(%dma_start3A_129 : memref<10000x128xf32, #tpu.memory_space<vmem_shared>>) offsets(%dma_start3A_126 : memref<125xi32, #tpu.memory_space<vmem>>) semaphore(%run_scoped3A_123 : memref<!tpu.dma_semaphore, #tpu.memory_space<semaphore_mem>>) {add = true}
          %dma_wait3A_130 = arith.constant 0 : i32
          %dma_wait3A_131 = tpu.memref_slice %arg7[%run_scoped3A, %dma_wait3A_130] : memref<2x125xi32, #tpu.memory_space<vmem>> -> memref<1x125xi32, #tpu.memory_space<vmem>>
          %dma_wait3A_132 = tpu.memref_squeeze %dma_wait3A_131 : memref<1x125xi32, #tpu.memory_space<vmem>> -> memref<125xi32, #tpu.memory_space<vmem>>
          %dma_wait3A_133 = arith.constant 0 : i32
          %dma_wait3A_134 = arith.constant 0 : i32
          %dma_wait3A_135 = tpu.memref_slice %arg10[%dma_wait3A_133, %dma_wait3A_134] : memref<10000x128xf32, #tpu.memory_space<vmem_shared>> -> memref<10000x128xf32, #tpu.memory_space<vmem_shared>>
          tpu.wait_indirect_dma semaphore(%run_scoped3A_123 : memref<!tpu.dma_semaphore, #tpu.memory_space<semaphore_mem>>) src(%arg9 : memref<125x128xf32, #tpu.memory_space<vmem>>) dst(%dma_wait3A_135 : memref<10000x128xf32, #tpu.memory_space<vmem_shared>>)
          tpu.yield
        }) : () -> ()
        %add3A_116 = arith.constant 2 : i32
        %add3A_117 = arith.addi %scan3A_72, %add3A_116 : i32
        %lt3A_118 = arith.constant 80 : i32
        %lt3A_119 = arith.cmpi slt, %add3A_117, %lt3A_118 : i32
        %convert_element_type3A_120 = arith.extui %lt3A_119 : i1 to i32
        %cond3A_121 = arith.constant 0 : i32
        %cond3A_122 = arith.cmpi ne, %convert_element_type3A_120, %cond3A_121 : i32
        scf.if %cond3A_122 {
          %add3A_123 = arith.constant 2 : i32
          %add3A_124 = arith.addi %scan3A_72, %add3A_123 : i32
          %dma_start3A_125 = arith.constant 0 : i32
          %dma_start3A_126 = arith.constant 0 : i32
          %dma_start3A_127 = tpu.memref_slice %arg3[%add3A, %add3A_124, %dma_start3A_125, %dma_start3A_126] : memref<32x80x2x125xi32, #tpu.memory_space<hbm>> -> memref<1x1x2x125xi32, #tpu.memory_space<hbm>>
          %dma_start3A_128 = tpu.memref_squeeze %dma_start3A_127 : memref<1x1x2x125xi32, #tpu.memory_space<hbm>> -> memref<2x125xi32, #tpu.memory_space<hbm>>
          %dma_start3A_129 = arith.constant 0 : i32
          %dma_start3A_130 = arith.constant 0 : i32
          %dma_start3A_131 = tpu.memref_slice %arg3[%add3A, %add3A_124, %dma_start3A_129, %dma_start3A_130] : memref<32x80x2x125xi32, #tpu.memory_space<hbm>> -> memref<1x1x2x125xi32, #tpu.memory_space<hbm>>
          %dma_start3A_132 = tpu.memref_squeeze %dma_start3A_131 : memref<1x1x2x125xi32, #tpu.memory_space<hbm>> -> memref<2x125xi32, #tpu.memory_space<hbm>>
          tpu.enqueue_dma source(%dma_start3A_132 : memref<2x125xi32, #tpu.memory_space<hbm>>) target(%arg7 : memref<2x125xi32, #tpu.memory_space<vmem>>) target_semaphore(%arg12 : memref<!tpu.dma_semaphore, #tpu.memory_space<semaphore_mem>>)
          %add3A_133 = arith.constant 2 : i32
          %add3A_134 = arith.addi %scan3A_72, %add3A_133 : i32
          %dma_wait3A_135 = arith.constant 0 : i32
          %dma_wait3A_136 = arith.constant 0 : i32
          %dma_wait3A_137 = tpu.memref_slice %arg3[%add3A, %add3A_134, %dma_wait3A_135, %dma_wait3A_136] : memref<32x80x2x125xi32, #tpu.memory_space<hbm>> -> memref<1x1x2x125xi32, #tpu.memory_space<hbm>>
          %dma_wait3A_138 = tpu.memref_squeeze %dma_wait3A_137 : memref<1x1x2x125xi32, #tpu.memory_space<hbm>> -> memref<2x125xi32, #tpu.memory_space<hbm>>
          %dma_wait3A_139 = arith.constant 0 : i32
          %dma_wait3A_140 = arith.constant 0 : i32
          %dma_wait3A_141 = tpu.memref_slice %arg3[%add3A, %add3A_134, %dma_wait3A_139, %dma_wait3A_140] : memref<32x80x2x125xi32, #tpu.memory_space<hbm>> -> memref<1x1x2x125xi32, #tpu.memory_space<hbm>>
          %dma_wait3A_142 = tpu.memref_squeeze %dma_wait3A_141 : memref<1x1x2x125xi32, #tpu.memory_space<hbm>> -> memref<2x125xi32, #tpu.memory_space<hbm>>
          tpu.wait_dma2 semaphore(%arg12 : memref<!tpu.dma_semaphore, #tpu.memory_space<semaphore_mem>>) src(%dma_wait3A_142 : memref<2x125xi32, #tpu.memory_space<hbm>>) dst(%arg7 : memref<2x125xi32, #tpu.memory_space<vmem>>)
          %add3A_143 = arith.constant 2 : i32
          %add3A_144 = arith.addi %scan3A_72, %add3A_143 : i32
          %dma_start3A_145 = arith.constant 0 : i32
          %dma_start3A_146 = arith.constant 0 : i32
          %dma_start3A_147 = tpu.memref_slice %arg7[%dma_start3A_145, %dma_start3A_146] : memref<2x125xi32, #tpu.memory_space<vmem>> -> memref<1x125xi32, #tpu.memory_space<vmem>>
          %dma_start3A_148 = tpu.memref_squeeze %dma_start3A_147 : memref<1x125xi32, #tpu.memory_space<vmem>> -> memref<125xi32, #tpu.memory_space<vmem>>
          %dma_start3A_149 = arith.constant 0 : i32
          %dma_start3A_150 = arith.constant 0 : i32
          %dma_start3A_151 = tpu.memref_slice %arg2[%dma_start3A_149, %dma_start3A_150] : memref<10000x128xf32, #tpu.memory_space<hbm>> -> memref<10000x128xf32, #tpu.memory_space<hbm>>
          tpu.enqueue_indirect_dma source(%dma_start3A_151 : memref<10000x128xf32, #tpu.memory_space<hbm>>) target(%arg9 : memref<125x128xf32, #tpu.memory_space<vmem>>) offsets(%dma_start3A_148 : memref<125xi32, #tpu.memory_space<vmem>>) semaphore(%arg14 : memref<!tpu.dma_semaphore, #tpu.memory_space<semaphore_mem>>)
        } else {
        }
      } else {
      }
    }
    %scan3A_58 = arith.constant 80 : i32
    %barrier3A_59 = arith.constant 0 : index
    tpu.barrier barrier_id(%barrier3A_59)
    %mul3A_60 = arith.constant 624 : i32
    %mul3A_61 = arith.muli %arg1, %mul3A_60 : i32
    %mul3A_62 = arith.constant 10000 : i32
    %mul3A_63 = arith.muli %arg0, %mul3A_62 : i32
    %mul3A_64 = arith.constant 624 : i32
    %mul3A_65 = arith.muli %arg1, %mul3A_64 : i32
    %add3A_66 = arith.addi %mul3A_63, %mul3A_65 : i32
    "tpu.region"() ({
      %run_scoped3A = tpu.sem_alloc : memref<!tpu.dma_semaphore, #tpu.memory_space<semaphore_mem>>
      %dma_start3A_72 = arith.constant 0 : i32
      %dma_start3A_73 = tpu.memref_slice %arg5[%add3A_66, %dma_start3A_72] : memref<20000x128xf32, #tpu.memory_space<hbm>> -> memref<624x128xf32, #tpu.memory_space<hbm>>
      %dma_start3A_74 = arith.constant 0 : i32
      %dma_start3A_75 = tpu.memref_slice %arg10[%mul3A_61, %dma_start3A_74] : memref<10000x128xf32, #tpu.memory_space<vmem_shared>> -> memref<624x128xf32, #tpu.memory_space<vmem_shared>>
      tpu.enqueue_dma source(%dma_start3A_75 : memref<624x128xf32, #tpu.memory_space<vmem_shared>>) target(%dma_start3A_73 : memref<624x128xf32, #tpu.memory_space<hbm>>) target_semaphore(%run_scoped3A : memref<!tpu.dma_semaphore, #tpu.memory_space<semaphore_mem>>)
      %dma_wait3A_76 = arith.constant 0 : i32
      %dma_wait3A_77 = tpu.memref_slice %arg5[%add3A_66, %dma_wait3A_76] : memref<20000x128xf32, #tpu.memory_space<hbm>> -> memref<624x128xf32, #tpu.memory_space<hbm>>
      %dma_wait3A_78 = arith.constant 0 : i32
      %dma_wait3A_79 = tpu.memref_slice %arg10[%mul3A_61, %dma_wait3A_78] : memref<10000x128xf32, #tpu.memory_space<vmem_shared>> -> memref<624x128xf32, #tpu.memory_space<vmem_shared>>
      tpu.wait_dma2 semaphore(%run_scoped3A : memref<!tpu.dma_semaphore, #tpu.memory_space<semaphore_mem>>) src(%dma_wait3A_79 : memref<624x128xf32, #tpu.memory_space<vmem_shared>>) dst(%dma_wait3A_77 : memref<624x128xf32, #tpu.memory_space<hbm>>)
      tpu.yield
    }) : () -> ()
    %eq3A_67 = arith.constant 15 : i32
    %eq3A_68 = arith.cmpi eq, %arg1, %eq3A_67 : i32
    %convert_element_type3A_69 = arith.extui %eq3A_68 : i1 to i32
    %cond3A_70 = arith.constant 0 : i32
    %cond3A_71 = arith.cmpi ne, %convert_element_type3A_69, %cond3A_70 : i32
    scf.if %cond3A_71 {
      %mul3A_72 = arith.constant 10000 : i32
      %mul3A_73 = arith.muli %arg0, %mul3A_72 : i32
      %add3A_74 = arith.constant 9984 : i32
      %add3A_75 = arith.addi %mul3A_73, %add3A_74 : i32
      "tpu.region"() ({
        %run_scoped3A = tpu.sem_alloc : memref<!tpu.dma_semaphore, #tpu.memory_space<semaphore_mem>>
        %dma_start3A_76 = arith.constant 0 : i32
        %dma_start3A_77 = tpu.memref_slice %arg5[%add3A_75, %dma_start3A_76] : memref<20000x128xf32, #tpu.memory_space<hbm>> -> memref<16x128xf32, #tpu.memory_space<hbm>>
        %dma_start3A_78 = arith.constant 9984 : i32
        %dma_start3A_79 = arith.constant 0 : i32
        %dma_start3A_80 = tpu.memref_slice %arg10[%dma_start3A_78, %dma_start3A_79] : memref<10000x128xf32, #tpu.memory_space<vmem_shared>> -> memref<16x128xf32, #tpu.memory_space<vmem_shared>>
        tpu.enqueue_dma source(%dma_start3A_80 : memref<16x128xf32, #tpu.memory_space<vmem_shared>>) target(%dma_start3A_77 : memref<16x128xf32, #tpu.memory_space<hbm>>) target_semaphore(%run_scoped3A : memref<!tpu.dma_semaphore, #tpu.memory_space<semaphore_mem>>)
        %dma_wait3A_81 = arith.constant 0 : i32
        %dma_wait3A_82 = tpu.memref_slice %arg5[%add3A_75, %dma_wait3A_81] : memref<20000x128xf32, #tpu.memory_space<hbm>> -> memref<16x128xf32, #tpu.memory_space<hbm>>
        %dma_wait3A_83 = arith.constant 9984 : i32
        %dma_wait3A_84 = arith.constant 0 : i32
        %dma_wait3A_85 = tpu.memref_slice %arg10[%dma_wait3A_83, %dma_wait3A_84] : memref<10000x128xf32, #tpu.memory_space<vmem_shared>> -> memref<16x128xf32, #tpu.memory_space<vmem_shared>>
        tpu.wait_dma2 semaphore(%run_scoped3A : memref<!tpu.dma_semaphore, #tpu.memory_space<semaphore_mem>>) src(%dma_wait3A_85 : memref<16x128xf32, #tpu.memory_space<vmem_shared>>) dst(%dma_wait3A_82 : memref<16x128xf32, #tpu.memory_space<hbm>>)
        tpu.yield
      }) : () -> ()
    } else {
    }
    return
  }
}

#map = affine_map<(d0, d1) -> (0, 0)>
#map1 = affine_map<(d0, d1) -> (0, 0, 0, 0)>
module attributes {stable_mosaic.version = 14 : i64} {
  func.func @_segsum_body(%arg0: i32, %arg1: i32, %arg2: memref<10000x128xf32, #tpu.memory_space<hbm>>, %arg3: memref<32x80x2x125xi32, #tpu.memory_space<hbm>>, %arg4: memref<10000x128xf32, #tpu.memory_space<hbm>>, %arg5: memref<20000x128xf32, #tpu.memory_space<hbm>>, %arg6: memref<2x125xi32, #tpu.memory_space<vmem>>, %arg7: memref<2x125xi32, #tpu.memory_space<vmem>>, %arg8: memref<125x128xf32, #tpu.memory_space<vmem>>, %arg9: memref<125x128xf32, #tpu.memory_space<vmem>>, %arg10: memref<10000x128xf32, #tpu.memory_space<vmem_shared>>, %arg11: memref<!tpu.dma_semaphore, #tpu.memory_space<semaphore_mem>>, %arg12: memref<!tpu.dma_semaphore, #tpu.memory_space<semaphore_mem>>, %arg13: memref<!tpu.dma_semaphore, #tpu.memory_space<semaphore_mem>>, %arg14: memref<!tpu.dma_semaphore, #tpu.memory_space<semaphore_mem>>) attributes {dimension_semantics = [#tpu.dimension_semantics<core_parallel>, #tpu.dimension_semantics<subcore_parallel>], iteration_bounds = array<i64: 2, 16>, scalar_prefetch = 0 : i64, scratch_operands = 9 : i64, tpu.core_type = #tpu.core_type<sc_vector_subcore>, window_params = [{transform_indices = #map}, {transform_indices = #map1}, {transform_indices = #map}, {transform_indices = #map}]} {
    %mul3A = arith.constant 16 : i32
    %mul3A_0 = arith.muli %arg0, %mul3A : i32
    %add3A = arith.addi %mul3A_0, %arg1 : i32
    %mul3A_1 = arith.constant 624 : i32
    %mul3A_2 = arith.muli %arg1, %mul3A_1 : i32
    %mul3A_3 = arith.constant 624 : i32
    %mul3A_4 = arith.muli %arg1, %mul3A_3 : i32
    "tpu.region"() ({
      %run_scoped3A = tpu.sem_alloc : memref<!tpu.dma_semaphore, #tpu.memory_space<semaphore_mem>>
      %dma_start3A_72 = arith.constant 0 : i32
      %dma_start3A_73 = tpu.memref_slice %arg10[%mul3A_4, %dma_start3A_72] : memref<10000x128xf32, #tpu.memory_space<vmem_shared>> -> memref<624x128xf32, #tpu.memory_space<vmem_shared>>
      %dma_start3A_74 = arith.constant 0 : i32
      %dma_start3A_75 = tpu.memref_slice %arg4[%mul3A_2, %dma_start3A_74] : memref<10000x128xf32, #tpu.memory_space<hbm>> -> memref<624x128xf32, #tpu.memory_space<hbm>>
      tpu.enqueue_dma source(%dma_start3A_75 : memref<624x128xf32, #tpu.memory_space<hbm>>) target(%dma_start3A_73 : memref<624x128xf32, #tpu.memory_space<vmem_shared>>) target_semaphore(%run_scoped3A : memref<!tpu.dma_semaphore, #tpu.memory_space<semaphore_mem>>)
      %dma_wait3A_76 = arith.constant 0 : i32
      %dma_wait3A_77 = tpu.memref_slice %arg10[%mul3A_4, %dma_wait3A_76] : memref<10000x128xf32, #tpu.memory_space<vmem_shared>> -> memref<624x128xf32, #tpu.memory_space<vmem_shared>>
      %dma_wait3A_78 = arith.constant 0 : i32
      %dma_wait3A_79 = tpu.memref_slice %arg4[%mul3A_2, %dma_wait3A_78] : memref<10000x128xf32, #tpu.memory_space<hbm>> -> memref<624x128xf32, #tpu.memory_space<hbm>>
      tpu.wait_dma2 semaphore(%run_scoped3A : memref<!tpu.dma_semaphore, #tpu.memory_space<semaphore_mem>>) src(%dma_wait3A_79 : memref<624x128xf32, #tpu.memory_space<hbm>>) dst(%dma_wait3A_77 : memref<624x128xf32, #tpu.memory_space<vmem_shared>>)
      tpu.yield
    }) : () -> ()
    %eq3A = arith.constant 15 : i32
    %eq3A_5 = arith.cmpi eq, %arg1, %eq3A : i32
    %convert_element_type3A = arith.extui %eq3A_5 : i1 to i32
    %cond3A = arith.constant 0 : i32
    %cond3A_6 = arith.cmpi ne, %convert_element_type3A, %cond3A : i32
    scf.if %cond3A_6 {
      "tpu.region"() ({
        %run_scoped3A = tpu.sem_alloc : memref<!tpu.dma_semaphore, #tpu.memory_space<semaphore_mem>>
        %dma_start3A_72 = arith.constant 9984 : i32
        %dma_start3A_73 = arith.constant 0 : i32
        %dma_start3A_74 = tpu.memref_slice %arg10[%dma_start3A_72, %dma_start3A_73] : memref<10000x128xf32, #tpu.memory_space<vmem_shared>> -> memref<16x128xf32, #tpu.memory_space<vmem_shared>>
        %dma_start3A_75 = arith.constant 9984 : i32
        %dma_start3A_76 = arith.constant 0 : i32
        %dma_start3A_77 = tpu.memref_slice %arg4[%dma_start3A_75, %dma_start3A_76] : memref<10000x128xf32, #tpu.memory_space<hbm>> -> memref<16x128xf32, #tpu.memory_space<hbm>>
        tpu.enqueue_dma source(%dma_start3A_77 : memref<16x128xf32, #tpu.memory_space<hbm>>) target(%dma_start3A_74 : memref<16x128xf32, #tpu.memory_space<vmem_shared>>) target_semaphore(%run_scoped3A : memref<!tpu.dma_semaphore, #tpu.memory_space<semaphore_mem>>)
        %dma_wait3A_78 = arith.constant 9984 : i32
        %dma_wait3A_79 = arith.constant 0 : i32
        %dma_wait3A_80 = tpu.memref_slice %arg10[%dma_wait3A_78, %dma_wait3A_79] : memref<10000x128xf32, #tpu.memory_space<vmem_shared>> -> memref<16x128xf32, #tpu.memory_space<vmem_shared>>
        %dma_wait3A_81 = arith.constant 9984 : i32
        %dma_wait3A_82 = arith.constant 0 : i32
        %dma_wait3A_83 = tpu.memref_slice %arg4[%dma_wait3A_81, %dma_wait3A_82] : memref<10000x128xf32, #tpu.memory_space<hbm>> -> memref<16x128xf32, #tpu.memory_space<hbm>>
        tpu.wait_dma2 semaphore(%run_scoped3A : memref<!tpu.dma_semaphore, #tpu.memory_space<semaphore_mem>>) src(%dma_wait3A_83 : memref<16x128xf32, #tpu.memory_space<hbm>>) dst(%dma_wait3A_80 : memref<16x128xf32, #tpu.memory_space<vmem_shared>>)
        tpu.yield
      }) : () -> ()
    } else {
    }
    %barrier3A = arith.constant 0 : index
    tpu.barrier barrier_id(%barrier3A)
    %dma_start3A = arith.constant 0 : i32
    %dma_start3A_7 = arith.constant 0 : i32
    %dma_start3A_8 = arith.constant 0 : i32
    %dma_start3A_9 = tpu.memref_slice %arg3[%add3A, %dma_start3A, %dma_start3A_7, %dma_start3A_8] : memref<32x80x2x125xi32, #tpu.memory_space<hbm>> -> memref<1x1x2x125xi32, #tpu.memory_space<hbm>>
    %dma_start3A_10 = tpu.memref_squeeze %dma_start3A_9 : memref<1x1x2x125xi32, #tpu.memory_space<hbm>> -> memref<2x125xi32, #tpu.memory_space<hbm>>
    %dma_start3A_11 = arith.constant 0 : i32
    %dma_start3A_12 = arith.constant 0 : i32
    %dma_start3A_13 = tpu.memref_slice %arg3[%add3A, %dma_start3A, %dma_start3A_11, %dma_start3A_12] : memref<32x80x2x125xi32, #tpu.memory_space<hbm>> -> memref<1x1x2x125xi32, #tpu.memory_space<hbm>>
    %dma_start3A_14 = tpu.memref_squeeze %dma_start3A_13 : memref<1x1x2x125xi32, #tpu.memory_space<hbm>> -> memref<2x125xi32, #tpu.memory_space<hbm>>
    tpu.enqueue_dma source(%dma_start3A_14 : memref<2x125xi32, #tpu.memory_space<hbm>>) target(%arg6 : memref<2x125xi32, #tpu.memory_space<vmem>>) target_semaphore(%arg11 : memref<!tpu.dma_semaphore, #tpu.memory_space<semaphore_mem>>)
    %dma_start3A_15 = arith.constant 1 : i32
    %dma_start3A_16 = arith.constant 0 : i32
    %dma_start3A_17 = arith.constant 0 : i32
    %dma_start3A_18 = tpu.memref_slice %arg3[%add3A, %dma_start3A_15, %dma_start3A_16, %dma_start3A_17] : memref<32x80x2x125xi32, #tpu.memory_space<hbm>> -> memref<1x1x2x125xi32, #tpu.memory_space<hbm>>
    %dma_start3A_19 = tpu.memref_squeeze %dma_start3A_18 : memref<1x1x2x125xi32, #tpu.memory_space<hbm>> -> memref<2x125xi32, #tpu.memory_space<hbm>>
    %dma_start3A_20 = arith.constant 0 : i32
    %dma_start3A_21 = arith.constant 0 : i32
    %dma_start3A_22 = tpu.memref_slice %arg3[%add3A, %dma_start3A_15, %dma_start3A_20, %dma_start3A_21] : memref<32x80x2x125xi32, #tpu.memory_space<hbm>> -> memref<1x1x2x125xi32, #tpu.memory_space<hbm>>
    %dma_start3A_23 = tpu.memref_squeeze %dma_start3A_22 : memref<1x1x2x125xi32, #tpu.memory_space<hbm>> -> memref<2x125xi32, #tpu.memory_space<hbm>>
    tpu.enqueue_dma source(%dma_start3A_23 : memref<2x125xi32, #tpu.memory_space<hbm>>) target(%arg7 : memref<2x125xi32, #tpu.memory_space<vmem>>) target_semaphore(%arg12 : memref<!tpu.dma_semaphore, #tpu.memory_space<semaphore_mem>>)
    %dma_wait3A = arith.constant 0 : i32
    %dma_wait3A_24 = arith.constant 0 : i32
    %dma_wait3A_25 = arith.constant 0 : i32
    %dma_wait3A_26 = tpu.memref_slice %arg3[%add3A, %dma_wait3A, %dma_wait3A_24, %dma_wait3A_25] : memref<32x80x2x125xi32, #tpu.memory_space<hbm>> -> memref<1x1x2x125xi32, #tpu.memory_space<hbm>>
    %dma_wait3A_27 = tpu.memref_squeeze %dma_wait3A_26 : memref<1x1x2x125xi32, #tpu.memory_space<hbm>> -> memref<2x125xi32, #tpu.memory_space<hbm>>
    %dma_wait3A_28 = arith.constant 0 : i32
    %dma_wait3A_29 = arith.constant 0 : i32
    %dma_wait3A_30 = tpu.memref_slice %arg3[%add3A, %dma_wait3A, %dma_wait3A_28, %dma_wait3A_29] : memref<32x80x2x125xi32, #tpu.memory_space<hbm>> -> memref<1x1x2x125xi32, #tpu.memory_space<hbm>>
    %dma_wait3A_31 = tpu.memref_squeeze %dma_wait3A_30 : memref<1x1x2x125xi32, #tpu.memory_space<hbm>> -> memref<2x125xi32, #tpu.memory_space<hbm>>
    tpu.wait_dma2 semaphore(%arg11 : memref<!tpu.dma_semaphore, #tpu.memory_space<semaphore_mem>>) src(%dma_wait3A_31 : memref<2x125xi32, #tpu.memory_space<hbm>>) dst(%arg6 : memref<2x125xi32, #tpu.memory_space<vmem>>)
    %dma_start3A_32 = arith.constant 0 : i32
    %dma_start3A_33 = arith.constant 0 : i32
    %dma_start3A_34 = tpu.memref_slice %arg6[%dma_start3A_32, %dma_start3A_33] : memref<2x125xi32, #tpu.memory_space<vmem>> -> memref<1x125xi32, #tpu.memory_space<vmem>>
    %dma_start3A_35 = tpu.memref_squeeze %dma_start3A_34 : memref<1x125xi32, #tpu.memory_space<vmem>> -> memref<125xi32, #tpu.memory_space<vmem>>
    %dma_start3A_36 = arith.constant 0 : i32
    %dma_start3A_37 = arith.constant 0 : i32
    %dma_start3A_38 = tpu.memref_slice %arg2[%dma_start3A_36, %dma_start3A_37] : memref<10000x128xf32, #tpu.memory_space<hbm>> -> memref<10000x128xf32, #tpu.memory_space<hbm>>
    tpu.enqueue_indirect_dma source(%dma_start3A_38 : memref<10000x128xf32, #tpu.memory_space<hbm>>) target(%arg8 : memref<125x128xf32, #tpu.memory_space<vmem>>) offsets(%dma_start3A_35 : memref<125xi32, #tpu.memory_space<vmem>>) semaphore(%arg13 : memref<!tpu.dma_semaphore, #tpu.memory_space<semaphore_mem>>)
    %dma_wait3A_39 = arith.constant 1 : i32
    %dma_wait3A_40 = arith.constant 0 : i32
    %dma_wait3A_41 = arith.constant 0 : i32
    %dma_wait3A_42 = tpu.memref_slice %arg3[%add3A, %dma_wait3A_39, %dma_wait3A_40, %dma_wait3A_41] : memref<32x80x2x125xi32, #tpu.memory_space<hbm>> -> memref<1x1x2x125xi32, #tpu.memory_space<hbm>>
    %dma_wait3A_43 = tpu.memref_squeeze %dma_wait3A_42 : memref<1x1x2x125xi32, #tpu.memory_space<hbm>> -> memref<2x125xi32, #tpu.memory_space<hbm>>
    %dma_wait3A_44 = arith.constant 0 : i32
    %dma_wait3A_45 = arith.constant 0 : i32
    %dma_wait3A_46 = tpu.memref_slice %arg3[%add3A, %dma_wait3A_39, %dma_wait3A_44, %dma_wait3A_45] : memref<32x80x2x125xi32, #tpu.memory_space<hbm>> -> memref<1x1x2x125xi32, #tpu.memory_space<hbm>>
    %dma_wait3A_47 = tpu.memref_squeeze %dma_wait3A_46 : memref<1x1x2x125xi32, #tpu.memory_space<hbm>> -> memref<2x125xi32, #tpu.memory_space<hbm>>
    tpu.wait_dma2 semaphore(%arg12 : memref<!tpu.dma_semaphore, #tpu.memory_space<semaphore_mem>>) src(%dma_wait3A_47 : memref<2x125xi32, #tpu.memory_space<hbm>>) dst(%arg7 : memref<2x125xi32, #tpu.memory_space<vmem>>)
    %dma_start3A_48 = arith.constant 0 : i32
    %dma_start3A_49 = arith.constant 0 : i32
    %dma_start3A_50 = tpu.memref_slice %arg7[%dma_start3A_48, %dma_start3A_49] : memref<2x125xi32, #tpu.memory_space<vmem>> -> memref<1x125xi32, #tpu.memory_space<vmem>>
    %dma_start3A_51 = tpu.memref_squeeze %dma_start3A_50 : memref<1x125xi32, #tpu.memory_space<vmem>> -> memref<125xi32, #tpu.memory_space<vmem>>
    %dma_start3A_52 = arith.constant 0 : i32
    %dma_start3A_53 = arith.constant 0 : i32
    %dma_start3A_54 = tpu.memref_slice %arg2[%dma_start3A_52, %dma_start3A_53] : memref<10000x128xf32, #tpu.memory_space<hbm>> -> memref<10000x128xf32, #tpu.memory_space<hbm>>
    tpu.enqueue_indirect_dma source(%dma_start3A_54 : memref<10000x128xf32, #tpu.memory_space<hbm>>) target(%arg9 : memref<125x128xf32, #tpu.memory_space<vmem>>) offsets(%dma_start3A_51 : memref<125xi32, #tpu.memory_space<vmem>>) semaphore(%arg14 : memref<!tpu.dma_semaphore, #tpu.memory_space<semaphore_mem>>)
    %scan3A = arith.constant 0 : i32
    %scan3A_55 = arith.constant 80 : i32
    %scan3A_56 = arith.addi %scan3A, %scan3A_55 : i32
    %scan3A_57 = arith.constant 1 : i32
    scf.for %scan3A_72 = %scan3A to %scan3A_56 step %scan3A_57  : i32 {
      %jit3A = arith.constant 2 : i32
      %eq3A_73 = arith.constant 0 : i32
      %eq3A_74 = arith.cmpi eq, %jit3A, %eq3A_73 : i32
      %jit3A_75 = arith.constant 1 : i32
      %select_n3A = arith.select %eq3A_74, %jit3A_75, %jit3A : i32
      %rem3A = arith.remsi %scan3A_72, %select_n3A : i32
      %ne3A = arith.constant 0 : i32
      %ne3A_76 = arith.cmpi ne, %rem3A, %ne3A : i32
      %lt3A = arith.constant 0 : i32
      %lt3A_77 = arith.cmpi slt, %rem3A, %lt3A : i32
      %lt3A_78 = arith.constant 0 : i32
      %lt3A_79 = arith.cmpi slt, %select_n3A, %lt3A_78 : i32
      %ne3A_80 = arith.xori %lt3A_77, %lt3A_79 : i1
      %and3A = arith.andi %ne3A_80, %ne3A_76 : i1
      %add3A_81 = arith.addi %rem3A, %select_n3A : i32
      %select_n3A_82 = arith.select %and3A, %add3A_81, %rem3A : i32
      %eq3A_83 = arith.constant 0 : i32
      %eq3A_84 = arith.cmpi eq, %select_n3A_82, %eq3A_83 : i32
      %convert_element_type3A_85 = arith.extui %eq3A_84 : i1 to i32
      %cond3A_86 = arith.constant 0 : i32
      %cond3A_87 = arith.cmpi ne, %convert_element_type3A_85, %cond3A_86 : i32
      scf.if %cond3A_87 {
        %dma_wait3A_109 = arith.constant 0 : i32
        %dma_wait3A_110 = arith.constant 0 : i32
        %dma_wait3A_111 = tpu.memref_slice %arg6[%dma_wait3A_109, %dma_wait3A_110] : memref<2x125xi32, #tpu.memory_space<vmem>> -> memref<1x125xi32, #tpu.memory_space<vmem>>
        %dma_wait3A_112 = tpu.memref_squeeze %dma_wait3A_111 : memref<1x125xi32, #tpu.memory_space<vmem>> -> memref<125xi32, #tpu.memory_space<vmem>>
        %dma_wait3A_113 = arith.constant 0 : i32
        %dma_wait3A_114 = arith.constant 0 : i32
        %dma_wait3A_115 = tpu.memref_slice %arg2[%dma_wait3A_113, %dma_wait3A_114] : memref<10000x128xf32, #tpu.memory_space<hbm>> -> memref<10000x128xf32, #tpu.memory_space<hbm>>
        tpu.wait_indirect_dma semaphore(%arg13 : memref<!tpu.dma_semaphore, #tpu.memory_space<semaphore_mem>>) src(%dma_wait3A_115 : memref<10000x128xf32, #tpu.memory_space<hbm>>) dst(%arg8 : memref<125x128xf32, #tpu.memory_space<vmem>>)
        %run_scoped3A = arith.constant 1 : i32
        "tpu.region"() ({
          %run_scoped3A_123 = tpu.sem_alloc : memref<!tpu.dma_semaphore, #tpu.memory_space<semaphore_mem>>
          %dma_start3A_124 = arith.constant 0 : i32
          %dma_start3A_125 = tpu.memref_slice %arg6[%run_scoped3A, %dma_start3A_124] : memref<2x125xi32, #tpu.memory_space<vmem>> -> memref<1x125xi32, #tpu.memory_space<vmem>>
          %dma_start3A_126 = tpu.memref_squeeze %dma_start3A_125 : memref<1x125xi32, #tpu.memory_space<vmem>> -> memref<125xi32, #tpu.memory_space<vmem>>
          %dma_start3A_127 = arith.constant 0 : i32
          %dma_start3A_128 = arith.constant 0 : i32
          %dma_start3A_129 = tpu.memref_slice %arg10[%dma_start3A_127, %dma_start3A_128] : memref<10000x128xf32, #tpu.memory_space<vmem_shared>> -> memref<10000x128xf32, #tpu.memory_space<vmem_shared>>
          tpu.enqueue_indirect_dma source(%arg8 : memref<125x128xf32, #tpu.memory_space<vmem>>) target(%dma_start3A_129 : memref<10000x128xf32, #tpu.memory_space<vmem_shared>>) offsets(%dma_start3A_126 : memref<125xi32, #tpu.memory_space<vmem>>) semaphore(%run_scoped3A_123 : memref<!tpu.dma_semaphore, #tpu.memory_space<semaphore_mem>>) {add = true}
          %dma_wait3A_130 = arith.constant 0 : i32
          %dma_wait3A_131 = tpu.memref_slice %arg6[%run_scoped3A, %dma_wait3A_130] : memref<2x125xi32, #tpu.memory_space<vmem>> -> memref<1x125xi32, #tpu.memory_space<vmem>>
          %dma_wait3A_132 = tpu.memref_squeeze %dma_wait3A_131 : memref<1x125xi32, #tpu.memory_space<vmem>> -> memref<125xi32, #tpu.memory_space<vmem>>
          %dma_wait3A_133 = arith.constant 0 : i32
          %dma_wait3A_134 = arith.constant 0 : i32
          %dma_wait3A_135 = tpu.memref_slice %arg10[%dma_wait3A_133, %dma_wait3A_134] : memref<10000x128xf32, #tpu.memory_space<vmem_shared>> -> memref<10000x128xf32, #tpu.memory_space<vmem_shared>>
          tpu.wait_indirect_dma semaphore(%run_scoped3A_123 : memref<!tpu.dma_semaphore, #tpu.memory_space<semaphore_mem>>) src(%arg8 : memref<125x128xf32, #tpu.memory_space<vmem>>) dst(%dma_wait3A_135 : memref<10000x128xf32, #tpu.memory_space<vmem_shared>>)
          tpu.yield
        }) : () -> ()
        %add3A_116 = arith.constant 2 : i32
        %add3A_117 = arith.addi %scan3A_72, %add3A_116 : i32
        %lt3A_118 = arith.constant 80 : i32
        %lt3A_119 = arith.cmpi slt, %add3A_117, %lt3A_118 : i32
        %convert_element_type3A_120 = arith.extui %lt3A_119 : i1 to i32
        %cond3A_121 = arith.constant 0 : i32
        %cond3A_122 = arith.cmpi ne, %convert_element_type3A_120, %cond3A_121 : i32
        scf.if %cond3A_122 {
          %add3A_123 = arith.constant 2 : i32
          %add3A_124 = arith.addi %scan3A_72, %add3A_123 : i32
          %dma_start3A_125 = arith.constant 0 : i32
          %dma_start3A_126 = arith.constant 0 : i32
          %dma_start3A_127 = tpu.memref_slice %arg3[%add3A, %add3A_124, %dma_start3A_125, %dma_start3A_126] : memref<32x80x2x125xi32, #tpu.memory_space<hbm>> -> memref<1x1x2x125xi32, #tpu.memory_space<hbm>>
          %dma_start3A_128 = tpu.memref_squeeze %dma_start3A_127 : memref<1x1x2x125xi32, #tpu.memory_space<hbm>> -> memref<2x125xi32, #tpu.memory_space<hbm>>
          %dma_start3A_129 = arith.constant 0 : i32
          %dma_start3A_130 = arith.constant 0 : i32
          %dma_start3A_131 = tpu.memref_slice %arg3[%add3A, %add3A_124, %dma_start3A_129, %dma_start3A_130] : memref<32x80x2x125xi32, #tpu.memory_space<hbm>> -> memref<1x1x2x125xi32, #tpu.memory_space<hbm>>
          %dma_start3A_132 = tpu.memref_squeeze %dma_start3A_131 : memref<1x1x2x125xi32, #tpu.memory_space<hbm>> -> memref<2x125xi32, #tpu.memory_space<hbm>>
          tpu.enqueue_dma source(%dma_start3A_132 : memref<2x125xi32, #tpu.memory_space<hbm>>) target(%arg6 : memref<2x125xi32, #tpu.memory_space<vmem>>) target_semaphore(%arg11 : memref<!tpu.dma_semaphore, #tpu.memory_space<semaphore_mem>>)
          %add3A_133 = arith.constant 2 : i32
          %add3A_134 = arith.addi %scan3A_72, %add3A_133 : i32
          %dma_wait3A_135 = arith.constant 0 : i32
          %dma_wait3A_136 = arith.constant 0 : i32
          %dma_wait3A_137 = tpu.memref_slice %arg3[%add3A, %add3A_134, %dma_wait3A_135, %dma_wait3A_136] : memref<32x80x2x125xi32, #tpu.memory_space<hbm>> -> memref<1x1x2x125xi32, #tpu.memory_space<hbm>>
          %dma_wait3A_138 = tpu.memref_squeeze %dma_wait3A_137 : memref<1x1x2x125xi32, #tpu.memory_space<hbm>> -> memref<2x125xi32, #tpu.memory_space<hbm>>
          %dma_wait3A_139 = arith.constant 0 : i32
          %dma_wait3A_140 = arith.constant 0 : i32
          %dma_wait3A_141 = tpu.memref_slice %arg3[%add3A, %add3A_134, %dma_wait3A_139, %dma_wait3A_140] : memref<32x80x2x125xi32, #tpu.memory_space<hbm>> -> memref<1x1x2x125xi32, #tpu.memory_space<hbm>>
          %dma_wait3A_142 = tpu.memref_squeeze %dma_wait3A_141 : memref<1x1x2x125xi32, #tpu.memory_space<hbm>> -> memref<2x125xi32, #tpu.memory_space<hbm>>
          tpu.wait_dma2 semaphore(%arg11 : memref<!tpu.dma_semaphore, #tpu.memory_space<semaphore_mem>>) src(%dma_wait3A_142 : memref<2x125xi32, #tpu.memory_space<hbm>>) dst(%arg6 : memref<2x125xi32, #tpu.memory_space<vmem>>)
          %add3A_143 = arith.constant 2 : i32
          %add3A_144 = arith.addi %scan3A_72, %add3A_143 : i32
          %dma_start3A_145 = arith.constant 0 : i32
          %dma_start3A_146 = arith.constant 0 : i32
          %dma_start3A_147 = tpu.memref_slice %arg6[%dma_start3A_145, %dma_start3A_146] : memref<2x125xi32, #tpu.memory_space<vmem>> -> memref<1x125xi32, #tpu.memory_space<vmem>>
          %dma_start3A_148 = tpu.memref_squeeze %dma_start3A_147 : memref<1x125xi32, #tpu.memory_space<vmem>> -> memref<125xi32, #tpu.memory_space<vmem>>
          %dma_start3A_149 = arith.constant 0 : i32
          %dma_start3A_150 = arith.constant 0 : i32
          %dma_start3A_151 = tpu.memref_slice %arg2[%dma_start3A_149, %dma_start3A_150] : memref<10000x128xf32, #tpu.memory_space<hbm>> -> memref<10000x128xf32, #tpu.memory_space<hbm>>
          tpu.enqueue_indirect_dma source(%dma_start3A_151 : memref<10000x128xf32, #tpu.memory_space<hbm>>) target(%arg8 : memref<125x128xf32, #tpu.memory_space<vmem>>) offsets(%dma_start3A_148 : memref<125xi32, #tpu.memory_space<vmem>>) semaphore(%arg13 : memref<!tpu.dma_semaphore, #tpu.memory_space<semaphore_mem>>)
        } else {
        }
      } else {
      }
      %jit3A_88 = arith.constant 2 : i32
      %eq3A_89 = arith.constant 0 : i32
      %eq3A_90 = arith.cmpi eq, %jit3A_88, %eq3A_89 : i32
      %jit3A_91 = arith.constant 1 : i32
      %select_n3A_92 = arith.select %eq3A_90, %jit3A_91, %jit3A_88 : i32
      %rem3A_93 = arith.remsi %scan3A_72, %select_n3A_92 : i32
      %ne3A_94 = arith.constant 0 : i32
      %ne3A_95 = arith.cmpi ne, %rem3A_93, %ne3A_94 : i32
      %lt3A_96 = arith.constant 0 : i32
      %lt3A_97 = arith.cmpi slt, %rem3A_93, %lt3A_96 : i32
      %lt3A_98 = arith.constant 0 : i32
      %lt3A_99 = arith.cmpi slt, %select_n3A_92, %lt3A_98 : i32
      %ne3A_100 = arith.xori %lt3A_97, %lt3A_99 : i1
      %and3A_101 = arith.andi %ne3A_100, %ne3A_95 : i1
      %add3A_102 = arith.addi %rem3A_93, %select_n3A_92 : i32
      %select_n3A_103 = arith.select %and3A_101, %add3A_102, %rem3A_93 : i32
      %eq3A_104 = arith.constant 1 : i32
      %eq3A_105 = arith.cmpi eq, %select_n3A_103, %eq3A_104 : i32
      %convert_element_type3A_106 = arith.extui %eq3A_105 : i1 to i32
      %cond3A_107 = arith.constant 0 : i32
      %cond3A_108 = arith.cmpi ne, %convert_element_type3A_106, %cond3A_107 : i32
      scf.if %cond3A_108 {
        %dma_wait3A_109 = arith.constant 0 : i32
        %dma_wait3A_110 = arith.constant 0 : i32
        %dma_wait3A_111 = tpu.memref_slice %arg7[%dma_wait3A_109, %dma_wait3A_110] : memref<2x125xi32, #tpu.memory_space<vmem>> -> memref<1x125xi32, #tpu.memory_space<vmem>>
        %dma_wait3A_112 = tpu.memref_squeeze %dma_wait3A_111 : memref<1x125xi32, #tpu.memory_space<vmem>> -> memref<125xi32, #tpu.memory_space<vmem>>
        %dma_wait3A_113 = arith.constant 0 : i32
        %dma_wait3A_114 = arith.constant 0 : i32
        %dma_wait3A_115 = tpu.memref_slice %arg2[%dma_wait3A_113, %dma_wait3A_114] : memref<10000x128xf32, #tpu.memory_space<hbm>> -> memref<10000x128xf32, #tpu.memory_space<hbm>>
        tpu.wait_indirect_dma semaphore(%arg14 : memref<!tpu.dma_semaphore, #tpu.memory_space<semaphore_mem>>) src(%dma_wait3A_115 : memref<10000x128xf32, #tpu.memory_space<hbm>>) dst(%arg9 : memref<125x128xf32, #tpu.memory_space<vmem>>)
        %run_scoped3A = arith.constant 1 : i32
        "tpu.region"() ({
          %run_scoped3A_123 = tpu.sem_alloc : memref<!tpu.dma_semaphore, #tpu.memory_space<semaphore_mem>>
          %dma_start3A_124 = arith.constant 0 : i32
          %dma_start3A_125 = tpu.memref_slice %arg7[%run_scoped3A, %dma_start3A_124] : memref<2x125xi32, #tpu.memory_space<vmem>> -> memref<1x125xi32, #tpu.memory_space<vmem>>
          %dma_start3A_126 = tpu.memref_squeeze %dma_start3A_125 : memref<1x125xi32, #tpu.memory_space<vmem>> -> memref<125xi32, #tpu.memory_space<vmem>>
          %dma_start3A_127 = arith.constant 0 : i32
          %dma_start3A_128 = arith.constant 0 : i32
          %dma_start3A_129 = tpu.memref_slice %arg10[%dma_start3A_127, %dma_start3A_128] : memref<10000x128xf32, #tpu.memory_space<vmem_shared>> -> memref<10000x128xf32, #tpu.memory_space<vmem_shared>>
          tpu.enqueue_indirect_dma source(%arg9 : memref<125x128xf32, #tpu.memory_space<vmem>>) target(%dma_start3A_129 : memref<10000x128xf32, #tpu.memory_space<vmem_shared>>) offsets(%dma_start3A_126 : memref<125xi32, #tpu.memory_space<vmem>>) semaphore(%run_scoped3A_123 : memref<!tpu.dma_semaphore, #tpu.memory_space<semaphore_mem>>) {add = true}
          %dma_wait3A_130 = arith.constant 0 : i32
          %dma_wait3A_131 = tpu.memref_slice %arg7[%run_scoped3A, %dma_wait3A_130] : memref<2x125xi32, #tpu.memory_space<vmem>> -> memref<1x125xi32, #tpu.memory_space<vmem>>
          %dma_wait3A_132 = tpu.memref_squeeze %dma_wait3A_131 : memref<1x125xi32, #tpu.memory_space<vmem>> -> memref<125xi32, #tpu.memory_space<vmem>>
          %dma_wait3A_133 = arith.constant 0 : i32
          %dma_wait3A_134 = arith.constant 0 : i32
          %dma_wait3A_135 = tpu.memref_slice %arg10[%dma_wait3A_133, %dma_wait3A_134] : memref<10000x128xf32, #tpu.memory_space<vmem_shared>> -> memref<10000x128xf32, #tpu.memory_space<vmem_shared>>
          tpu.wait_indirect_dma semaphore(%run_scoped3A_123 : memref<!tpu.dma_semaphore, #tpu.memory_space<semaphore_mem>>) src(%arg9 : memref<125x128xf32, #tpu.memory_space<vmem>>) dst(%dma_wait3A_135 : memref<10000x128xf32, #tpu.memory_space<vmem_shared>>)
          tpu.yield
        }) : () -> ()
        %add3A_116 = arith.constant 2 : i32
        %add3A_117 = arith.addi %scan3A_72, %add3A_116 : i32
        %lt3A_118 = arith.constant 80 : i32
        %lt3A_119 = arith.cmpi slt, %add3A_117, %lt3A_118 : i32
        %convert_element_type3A_120 = arith.extui %lt3A_119 : i1 to i32
        %cond3A_121 = arith.constant 0 : i32
        %cond3A_122 = arith.cmpi ne, %convert_element_type3A_120, %cond3A_121 : i32
        scf.if %cond3A_122 {
          %add3A_123 = arith.constant 2 : i32
          %add3A_124 = arith.addi %scan3A_72, %add3A_123 : i32
          %dma_start3A_125 = arith.constant 0 : i32
          %dma_start3A_126 = arith.constant 0 : i32
          %dma_start3A_127 = tpu.memref_slice %arg3[%add3A, %add3A_124, %dma_start3A_125, %dma_start3A_126] : memref<32x80x2x125xi32, #tpu.memory_space<hbm>> -> memref<1x1x2x125xi32, #tpu.memory_space<hbm>>
          %dma_start3A_128 = tpu.memref_squeeze %dma_start3A_127 : memref<1x1x2x125xi32, #tpu.memory_space<hbm>> -> memref<2x125xi32, #tpu.memory_space<hbm>>
          %dma_start3A_129 = arith.constant 0 : i32
          %dma_start3A_130 = arith.constant 0 : i32
          %dma_start3A_131 = tpu.memref_slice %arg3[%add3A, %add3A_124, %dma_start3A_129, %dma_start3A_130] : memref<32x80x2x125xi32, #tpu.memory_space<hbm>> -> memref<1x1x2x125xi32, #tpu.memory_space<hbm>>
          %dma_start3A_132 = tpu.memref_squeeze %dma_start3A_131 : memref<1x1x2x125xi32, #tpu.memory_space<hbm>> -> memref<2x125xi32, #tpu.memory_space<hbm>>
          tpu.enqueue_dma source(%dma_start3A_132 : memref<2x125xi32, #tpu.memory_space<hbm>>) target(%arg7 : memref<2x125xi32, #tpu.memory_space<vmem>>) target_semaphore(%arg12 : memref<!tpu.dma_semaphore, #tpu.memory_space<semaphore_mem>>)
          %add3A_133 = arith.constant 2 : i32
          %add3A_134 = arith.addi %scan3A_72, %add3A_133 : i32
          %dma_wait3A_135 = arith.constant 0 : i32
          %dma_wait3A_136 = arith.constant 0 : i32
          %dma_wait3A_137 = tpu.memref_slice %arg3[%add3A, %add3A_134, %dma_wait3A_135, %dma_wait3A_136] : memref<32x80x2x125xi32, #tpu.memory_space<hbm>> -> memref<1x1x2x125xi32, #tpu.memory_space<hbm>>
          %dma_wait3A_138 = tpu.memref_squeeze %dma_wait3A_137 : memref<1x1x2x125xi32, #tpu.memory_space<hbm>> -> memref<2x125xi32, #tpu.memory_space<hbm>>
          %dma_wait3A_139 = arith.constant 0 : i32
          %dma_wait3A_140 = arith.constant 0 : i32
          %dma_wait3A_141 = tpu.memref_slice %arg3[%add3A, %add3A_134, %dma_wait3A_139, %dma_wait3A_140] : memref<32x80x2x125xi32, #tpu.memory_space<hbm>> -> memref<1x1x2x125xi32, #tpu.memory_space<hbm>>
          %dma_wait3A_142 = tpu.memref_squeeze %dma_wait3A_141 : memref<1x1x2x125xi32, #tpu.memory_space<hbm>> -> memref<2x125xi32, #tpu.memory_space<hbm>>
          tpu.wait_dma2 semaphore(%arg12 : memref<!tpu.dma_semaphore, #tpu.memory_space<semaphore_mem>>) src(%dma_wait3A_142 : memref<2x125xi32, #tpu.memory_space<hbm>>) dst(%arg7 : memref<2x125xi32, #tpu.memory_space<vmem>>)
          %add3A_143 = arith.constant 2 : i32
          %add3A_144 = arith.addi %scan3A_72, %add3A_143 : i32
          %dma_start3A_145 = arith.constant 0 : i32
          %dma_start3A_146 = arith.constant 0 : i32
          %dma_start3A_147 = tpu.memref_slice %arg7[%dma_start3A_145, %dma_start3A_146] : memref<2x125xi32, #tpu.memory_space<vmem>> -> memref<1x125xi32, #tpu.memory_space<vmem>>
          %dma_start3A_148 = tpu.memref_squeeze %dma_start3A_147 : memref<1x125xi32, #tpu.memory_space<vmem>> -> memref<125xi32, #tpu.memory_space<vmem>>
          %dma_start3A_149 = arith.constant 0 : i32
          %dma_start3A_150 = arith.constant 0 : i32
          %dma_start3A_151 = tpu.memref_slice %arg2[%dma_start3A_149, %dma_start3A_150] : memref<10000x128xf32, #tpu.memory_space<hbm>> -> memref<10000x128xf32, #tpu.memory_space<hbm>>
          tpu.enqueue_indirect_dma source(%dma_start3A_151 : memref<10000x128xf32, #tpu.memory_space<hbm>>) target(%arg9 : memref<125x128xf32, #tpu.memory_space<vmem>>) offsets(%dma_start3A_148 : memref<125xi32, #tpu.memory_space<vmem>>) semaphore(%arg14 : memref<!tpu.dma_semaphore, #tpu.memory_space<semaphore_mem>>)
        } else {
        }
      } else {
      }
    }
    %scan3A_58 = arith.constant 80 : i32
    %barrier3A_59 = arith.constant 0 : index
    tpu.barrier barrier_id(%barrier3A_59)
    %mul3A_60 = arith.constant 624 : i32
    %mul3A_61 = arith.muli %arg1, %mul3A_60 : i32
    %mul3A_62 = arith.constant 10000 : i32
    %mul3A_63 = arith.muli %arg0, %mul3A_62 : i32
    %mul3A_64 = arith.constant 624 : i32
    %mul3A_65 = arith.muli %arg1, %mul3A_64 : i32
    %add3A_66 = arith.addi %mul3A_63, %mul3A_65 : i32
    "tpu.region"() ({
      %run_scoped3A = tpu.sem_alloc : memref<!tpu.dma_semaphore, #tpu.memory_space<semaphore_mem>>
      %dma_start3A_72 = arith.constant 0 : i32
      %dma_start3A_73 = tpu.memref_slice %arg5[%add3A_66, %dma_start3A_72] : memref<20000x128xf32, #tpu.memory_space<hbm>> -> memref<624x128xf32, #tpu.memory_space<hbm>>
      %dma_start3A_74 = arith.constant 0 : i32
      %dma_start3A_75 = tpu.memref_slice %arg10[%mul3A_61, %dma_start3A_74] : memref<10000x128xf32, #tpu.memory_space<vmem_shared>> -> memref<624x128xf32, #tpu.memory_space<vmem_shared>>
      tpu.enqueue_dma source(%dma_start3A_75 : memref<624x128xf32, #tpu.memory_space<vmem_shared>>) target(%dma_start3A_73 : memref<624x128xf32, #tpu.memory_space<hbm>>) target_semaphore(%run_scoped3A : memref<!tpu.dma_semaphore, #tpu.memory_space<semaphore_mem>>)
      %dma_wait3A_76 = arith.constant 0 : i32
      %dma_wait3A_77 = tpu.memref_slice %arg5[%add3A_66, %dma_wait3A_76] : memref<20000x128xf32, #tpu.memory_space<hbm>> -> memref<624x128xf32, #tpu.memory_space<hbm>>
      %dma_wait3A_78 = arith.constant 0 : i32
      %dma_wait3A_79 = tpu.memref_slice %arg10[%mul3A_61, %dma_wait3A_78] : memref<10000x128xf32, #tpu.memory_space<vmem_shared>> -> memref<624x128xf32, #tpu.memory_space<vmem_shared>>
      tpu.wait_dma2 semaphore(%run_scoped3A : memref<!tpu.dma_semaphore, #tpu.memory_space<semaphore_mem>>) src(%dma_wait3A_79 : memref<624x128xf32, #tpu.memory_space<vmem_shared>>) dst(%dma_wait3A_77 : memref<624x128xf32, #tpu.memory_space<hbm>>)
      tpu.yield
    }) : () -> ()
    %eq3A_67 = arith.constant 15 : i32
    %eq3A_68 = arith.cmpi eq, %arg1, %eq3A_67 : i32
    %convert_element_type3A_69 = arith.extui %eq3A_68 : i1 to i32
    %cond3A_70 = arith.constant 0 : i32
    %cond3A_71 = arith.cmpi ne, %convert_element_type3A_69, %cond3A_70 : i32
    scf.if %cond3A_71 {
      %mul3A_72 = arith.constant 10000 : i32
      %mul3A_73 = arith.muli %arg0, %mul3A_72 : i32
      %add3A_74 = arith.constant 9984 : i32
      %add3A_75 = arith.addi %mul3A_73, %add3A_74 : i32
      "tpu.region"() ({
        %run_scoped3A = tpu.sem_alloc : memref<!tpu.dma_semaphore, #tpu.memory_space<semaphore_mem>>
        %dma_start3A_76 = arith.constant 0 : i32
        %dma_start3A_77 = tpu.memref_slice %arg5[%add3A_75, %dma_start3A_76] : memref<20000x128xf32, #tpu.memory_space<hbm>> -> memref<16x128xf32, #tpu.memory_space<hbm>>
        %dma_start3A_78 = arith.constant 9984 : i32
        %dma_start3A_79 = arith.constant 0 : i32
        %dma_start3A_80 = tpu.memref_slice %arg10[%dma_start3A_78, %dma_start3A_79] : memref<10000x128xf32, #tpu.memory_space<vmem_shared>> -> memref<16x128xf32, #tpu.memory_space<vmem_shared>>
        tpu.enqueue_dma source(%dma_start3A_80 : memref<16x128xf32, #tpu.memory_space<vmem_shared>>) target(%dma_start3A_77 : memref<16x128xf32, #tpu.memory_space<hbm>>) target_semaphore(%run_scoped3A : memref<!tpu.dma_semaphore, #tpu.memory_space<semaphore_mem>>)
        %dma_wait3A_81 = arith.constant 0 : i32
        %dma_wait3A_82 = tpu.memref_slice %arg5[%add3A_75, %dma_wait3A_81] : memref<20000x128xf32, #tpu.memory_space<hbm>> -> memref<16x128xf32, #tpu.memory_space<hbm>>
        %dma_wait3A_83 = arith.constant 9984 : i32
        %dma_wait3A_84 = arith.constant 0 : i32
        %dma_wait3A_85 = tpu.memref_slice %arg10[%dma_wait3A_83, %dma_wait3A_84] : memref<10000x128xf32, #tpu.memory_space<vmem_shared>> -> memref<16x128xf32, #tpu.memory_space<vmem_shared>>
        tpu.wait_dma2 semaphore(%run_scoped3A : memref<!tpu.dma_semaphore, #tpu.memory_space<semaphore_mem>>) src(%dma_wait3A_85 : memref<16x128xf32, #tpu.memory_space<vmem_shared>>) dst(%dma_wait3A_82 : memref<16x128xf32, #tpu.memory_space<hbm>>)
        tpu.yield
      }) : () -> ()
    } else {
    }
    return
  }
}

#map = affine_map<(d0, d1) -> (0, 0)>
#map1 = affine_map<(d0, d1) -> (0, 0, 0, 0)>
module attributes {stable_mosaic.version = 14 : i64} {
  func.func @_segsum_body(%arg0: i32, %arg1: i32, %arg2: memref<10000x128xf32, #tpu.memory_space<hbm>>, %arg3: memref<32x80x2x125xi32, #tpu.memory_space<hbm>>, %arg4: memref<10000x128xf32, #tpu.memory_space<hbm>>, %arg5: memref<20000x128xf32, #tpu.memory_space<hbm>>, %arg6: memref<2x125xi32, #tpu.memory_space<vmem>>, %arg7: memref<2x125xi32, #tpu.memory_space<vmem>>, %arg8: memref<125x128xf32, #tpu.memory_space<vmem>>, %arg9: memref<125x128xf32, #tpu.memory_space<vmem>>, %arg10: memref<10000x128xf32, #tpu.memory_space<vmem_shared>>, %arg11: memref<!tpu.dma_semaphore, #tpu.memory_space<semaphore_mem>>, %arg12: memref<!tpu.dma_semaphore, #tpu.memory_space<semaphore_mem>>, %arg13: memref<!tpu.dma_semaphore, #tpu.memory_space<semaphore_mem>>, %arg14: memref<!tpu.dma_semaphore, #tpu.memory_space<semaphore_mem>>) attributes {dimension_semantics = [#tpu.dimension_semantics<core_parallel>, #tpu.dimension_semantics<subcore_parallel>], iteration_bounds = array<i64: 2, 16>, scalar_prefetch = 0 : i64, scratch_operands = 9 : i64, tpu.core_type = #tpu.core_type<sc_vector_subcore>, window_params = [{transform_indices = #map}, {transform_indices = #map1}, {transform_indices = #map}, {transform_indices = #map}]} {
    %mul3A = arith.constant 16 : i32
    %mul3A_0 = arith.muli %arg0, %mul3A : i32
    %add3A = arith.addi %mul3A_0, %arg1 : i32
    %mul3A_1 = arith.constant 624 : i32
    %mul3A_2 = arith.muli %arg1, %mul3A_1 : i32
    %mul3A_3 = arith.constant 624 : i32
    %mul3A_4 = arith.muli %arg1, %mul3A_3 : i32
    "tpu.region"() ({
      %run_scoped3A = tpu.sem_alloc : memref<!tpu.dma_semaphore, #tpu.memory_space<semaphore_mem>>
      %dma_start3A_72 = arith.constant 0 : i32
      %dma_start3A_73 = tpu.memref_slice %arg10[%mul3A_4, %dma_start3A_72] : memref<10000x128xf32, #tpu.memory_space<vmem_shared>> -> memref<624x128xf32, #tpu.memory_space<vmem_shared>>
      %dma_start3A_74 = arith.constant 0 : i32
      %dma_start3A_75 = tpu.memref_slice %arg4[%mul3A_2, %dma_start3A_74] : memref<10000x128xf32, #tpu.memory_space<hbm>> -> memref<624x128xf32, #tpu.memory_space<hbm>>
      tpu.enqueue_dma source(%dma_start3A_75 : memref<624x128xf32, #tpu.memory_space<hbm>>) target(%dma_start3A_73 : memref<624x128xf32, #tpu.memory_space<vmem_shared>>) target_semaphore(%run_scoped3A : memref<!tpu.dma_semaphore, #tpu.memory_space<semaphore_mem>>)
      %dma_wait3A_76 = arith.constant 0 : i32
      %dma_wait3A_77 = tpu.memref_slice %arg10[%mul3A_4, %dma_wait3A_76] : memref<10000x128xf32, #tpu.memory_space<vmem_shared>> -> memref<624x128xf32, #tpu.memory_space<vmem_shared>>
      %dma_wait3A_78 = arith.constant 0 : i32
      %dma_wait3A_79 = tpu.memref_slice %arg4[%mul3A_2, %dma_wait3A_78] : memref<10000x128xf32, #tpu.memory_space<hbm>> -> memref<624x128xf32, #tpu.memory_space<hbm>>
      tpu.wait_dma2 semaphore(%run_scoped3A : memref<!tpu.dma_semaphore, #tpu.memory_space<semaphore_mem>>) src(%dma_wait3A_79 : memref<624x128xf32, #tpu.memory_space<hbm>>) dst(%dma_wait3A_77 : memref<624x128xf32, #tpu.memory_space<vmem_shared>>)
      tpu.yield
    }) : () -> ()
    %eq3A = arith.constant 15 : i32
    %eq3A_5 = arith.cmpi eq, %arg1, %eq3A : i32
    %convert_element_type3A = arith.extui %eq3A_5 : i1 to i32
    %cond3A = arith.constant 0 : i32
    %cond3A_6 = arith.cmpi ne, %convert_element_type3A, %cond3A : i32
    scf.if %cond3A_6 {
      "tpu.region"() ({
        %run_scoped3A = tpu.sem_alloc : memref<!tpu.dma_semaphore, #tpu.memory_space<semaphore_mem>>
        %dma_start3A_72 = arith.constant 9984 : i32
        %dma_start3A_73 = arith.constant 0 : i32
        %dma_start3A_74 = tpu.memref_slice %arg10[%dma_start3A_72, %dma_start3A_73] : memref<10000x128xf32, #tpu.memory_space<vmem_shared>> -> memref<16x128xf32, #tpu.memory_space<vmem_shared>>
        %dma_start3A_75 = arith.constant 9984 : i32
        %dma_start3A_76 = arith.constant 0 : i32
        %dma_start3A_77 = tpu.memref_slice %arg4[%dma_start3A_75, %dma_start3A_76] : memref<10000x128xf32, #tpu.memory_space<hbm>> -> memref<16x128xf32, #tpu.memory_space<hbm>>
        tpu.enqueue_dma source(%dma_start3A_77 : memref<16x128xf32, #tpu.memory_space<hbm>>) target(%dma_start3A_74 : memref<16x128xf32, #tpu.memory_space<vmem_shared>>) target_semaphore(%run_scoped3A : memref<!tpu.dma_semaphore, #tpu.memory_space<semaphore_mem>>)
        %dma_wait3A_78 = arith.constant 9984 : i32
        %dma_wait3A_79 = arith.constant 0 : i32
        %dma_wait3A_80 = tpu.memref_slice %arg10[%dma_wait3A_78, %dma_wait3A_79] : memref<10000x128xf32, #tpu.memory_space<vmem_shared>> -> memref<16x128xf32, #tpu.memory_space<vmem_shared>>
        %dma_wait3A_81 = arith.constant 9984 : i32
        %dma_wait3A_82 = arith.constant 0 : i32
        %dma_wait3A_83 = tpu.memref_slice %arg4[%dma_wait3A_81, %dma_wait3A_82] : memref<10000x128xf32, #tpu.memory_space<hbm>> -> memref<16x128xf32, #tpu.memory_space<hbm>>
        tpu.wait_dma2 semaphore(%run_scoped3A : memref<!tpu.dma_semaphore, #tpu.memory_space<semaphore_mem>>) src(%dma_wait3A_83 : memref<16x128xf32, #tpu.memory_space<hbm>>) dst(%dma_wait3A_80 : memref<16x128xf32, #tpu.memory_space<vmem_shared>>)
        tpu.yield
      }) : () -> ()
    } else {
    }
    %barrier3A = arith.constant 0 : index
    tpu.barrier barrier_id(%barrier3A)
    %dma_start3A = arith.constant 0 : i32
    %dma_start3A_7 = arith.constant 0 : i32
    %dma_start3A_8 = arith.constant 0 : i32
    %dma_start3A_9 = tpu.memref_slice %arg3[%add3A, %dma_start3A, %dma_start3A_7, %dma_start3A_8] : memref<32x80x2x125xi32, #tpu.memory_space<hbm>> -> memref<1x1x2x125xi32, #tpu.memory_space<hbm>>
    %dma_start3A_10 = tpu.memref_squeeze %dma_start3A_9 : memref<1x1x2x125xi32, #tpu.memory_space<hbm>> -> memref<2x125xi32, #tpu.memory_space<hbm>>
    %dma_start3A_11 = arith.constant 0 : i32
    %dma_start3A_12 = arith.constant 0 : i32
    %dma_start3A_13 = tpu.memref_slice %arg3[%add3A, %dma_start3A, %dma_start3A_11, %dma_start3A_12] : memref<32x80x2x125xi32, #tpu.memory_space<hbm>> -> memref<1x1x2x125xi32, #tpu.memory_space<hbm>>
    %dma_start3A_14 = tpu.memref_squeeze %dma_start3A_13 : memref<1x1x2x125xi32, #tpu.memory_space<hbm>> -> memref<2x125xi32, #tpu.memory_space<hbm>>
    tpu.enqueue_dma source(%dma_start3A_14 : memref<2x125xi32, #tpu.memory_space<hbm>>) target(%arg6 : memref<2x125xi32, #tpu.memory_space<vmem>>) target_semaphore(%arg11 : memref<!tpu.dma_semaphore, #tpu.memory_space<semaphore_mem>>)
    %dma_start3A_15 = arith.constant 1 : i32
    %dma_start3A_16 = arith.constant 0 : i32
    %dma_start3A_17 = arith.constant 0 : i32
    %dma_start3A_18 = tpu.memref_slice %arg3[%add3A, %dma_start3A_15, %dma_start3A_16, %dma_start3A_17] : memref<32x80x2x125xi32, #tpu.memory_space<hbm>> -> memref<1x1x2x125xi32, #tpu.memory_space<hbm>>
    %dma_start3A_19 = tpu.memref_squeeze %dma_start3A_18 : memref<1x1x2x125xi32, #tpu.memory_space<hbm>> -> memref<2x125xi32, #tpu.memory_space<hbm>>
    %dma_start3A_20 = arith.constant 0 : i32
    %dma_start3A_21 = arith.constant 0 : i32
    %dma_start3A_22 = tpu.memref_slice %arg3[%add3A, %dma_start3A_15, %dma_start3A_20, %dma_start3A_21] : memref<32x80x2x125xi32, #tpu.memory_space<hbm>> -> memref<1x1x2x125xi32, #tpu.memory_space<hbm>>
    %dma_start3A_23 = tpu.memref_squeeze %dma_start3A_22 : memref<1x1x2x125xi32, #tpu.memory_space<hbm>> -> memref<2x125xi32, #tpu.memory_space<hbm>>
    tpu.enqueue_dma source(%dma_start3A_23 : memref<2x125xi32, #tpu.memory_space<hbm>>) target(%arg7 : memref<2x125xi32, #tpu.memory_space<vmem>>) target_semaphore(%arg12 : memref<!tpu.dma_semaphore, #tpu.memory_space<semaphore_mem>>)
    %dma_wait3A = arith.constant 0 : i32
    %dma_wait3A_24 = arith.constant 0 : i32
    %dma_wait3A_25 = arith.constant 0 : i32
    %dma_wait3A_26 = tpu.memref_slice %arg3[%add3A, %dma_wait3A, %dma_wait3A_24, %dma_wait3A_25] : memref<32x80x2x125xi32, #tpu.memory_space<hbm>> -> memref<1x1x2x125xi32, #tpu.memory_space<hbm>>
    %dma_wait3A_27 = tpu.memref_squeeze %dma_wait3A_26 : memref<1x1x2x125xi32, #tpu.memory_space<hbm>> -> memref<2x125xi32, #tpu.memory_space<hbm>>
    %dma_wait3A_28 = arith.constant 0 : i32
    %dma_wait3A_29 = arith.constant 0 : i32
    %dma_wait3A_30 = tpu.memref_slice %arg3[%add3A, %dma_wait3A, %dma_wait3A_28, %dma_wait3A_29] : memref<32x80x2x125xi32, #tpu.memory_space<hbm>> -> memref<1x1x2x125xi32, #tpu.memory_space<hbm>>
    %dma_wait3A_31 = tpu.memref_squeeze %dma_wait3A_30 : memref<1x1x2x125xi32, #tpu.memory_space<hbm>> -> memref<2x125xi32, #tpu.memory_space<hbm>>
    tpu.wait_dma2 semaphore(%arg11 : memref<!tpu.dma_semaphore, #tpu.memory_space<semaphore_mem>>) src(%dma_wait3A_31 : memref<2x125xi32, #tpu.memory_space<hbm>>) dst(%arg6 : memref<2x125xi32, #tpu.memory_space<vmem>>)
    %dma_start3A_32 = arith.constant 0 : i32
    %dma_start3A_33 = arith.constant 0 : i32
    %dma_start3A_34 = tpu.memref_slice %arg6[%dma_start3A_32, %dma_start3A_33] : memref<2x125xi32, #tpu.memory_space<vmem>> -> memref<1x125xi32, #tpu.memory_space<vmem>>
    %dma_start3A_35 = tpu.memref_squeeze %dma_start3A_34 : memref<1x125xi32, #tpu.memory_space<vmem>> -> memref<125xi32, #tpu.memory_space<vmem>>
    %dma_start3A_36 = arith.constant 0 : i32
    %dma_start3A_37 = arith.constant 0 : i32
    %dma_start3A_38 = tpu.memref_slice %arg2[%dma_start3A_36, %dma_start3A_37] : memref<10000x128xf32, #tpu.memory_space<hbm>> -> memref<10000x128xf32, #tpu.memory_space<hbm>>
    tpu.enqueue_indirect_dma source(%dma_start3A_38 : memref<10000x128xf32, #tpu.memory_space<hbm>>) target(%arg8 : memref<125x128xf32, #tpu.memory_space<vmem>>) offsets(%dma_start3A_35 : memref<125xi32, #tpu.memory_space<vmem>>) semaphore(%arg13 : memref<!tpu.dma_semaphore, #tpu.memory_space<semaphore_mem>>)
    %dma_wait3A_39 = arith.constant 1 : i32
    %dma_wait3A_40 = arith.constant 0 : i32
    %dma_wait3A_41 = arith.constant 0 : i32
    %dma_wait3A_42 = tpu.memref_slice %arg3[%add3A, %dma_wait3A_39, %dma_wait3A_40, %dma_wait3A_41] : memref<32x80x2x125xi32, #tpu.memory_space<hbm>> -> memref<1x1x2x125xi32, #tpu.memory_space<hbm>>
    %dma_wait3A_43 = tpu.memref_squeeze %dma_wait3A_42 : memref<1x1x2x125xi32, #tpu.memory_space<hbm>> -> memref<2x125xi32, #tpu.memory_space<hbm>>
    %dma_wait3A_44 = arith.constant 0 : i32
    %dma_wait3A_45 = arith.constant 0 : i32
    %dma_wait3A_46 = tpu.memref_slice %arg3[%add3A, %dma_wait3A_39, %dma_wait3A_44, %dma_wait3A_45] : memref<32x80x2x125xi32, #tpu.memory_space<hbm>> -> memref<1x1x2x125xi32, #tpu.memory_space<hbm>>
    %dma_wait3A_47 = tpu.memref_squeeze %dma_wait3A_46 : memref<1x1x2x125xi32, #tpu.memory_space<hbm>> -> memref<2x125xi32, #tpu.memory_space<hbm>>
    tpu.wait_dma2 semaphore(%arg12 : memref<!tpu.dma_semaphore, #tpu.memory_space<semaphore_mem>>) src(%dma_wait3A_47 : memref<2x125xi32, #tpu.memory_space<hbm>>) dst(%arg7 : memref<2x125xi32, #tpu.memory_space<vmem>>)
    %dma_start3A_48 = arith.constant 0 : i32
    %dma_start3A_49 = arith.constant 0 : i32
    %dma_start3A_50 = tpu.memref_slice %arg7[%dma_start3A_48, %dma_start3A_49] : memref<2x125xi32, #tpu.memory_space<vmem>> -> memref<1x125xi32, #tpu.memory_space<vmem>>
    %dma_start3A_51 = tpu.memref_squeeze %dma_start3A_50 : memref<1x125xi32, #tpu.memory_space<vmem>> -> memref<125xi32, #tpu.memory_space<vmem>>
    %dma_start3A_52 = arith.constant 0 : i32
    %dma_start3A_53 = arith.constant 0 : i32
    %dma_start3A_54 = tpu.memref_slice %arg2[%dma_start3A_52, %dma_start3A_53] : memref<10000x128xf32, #tpu.memory_space<hbm>> -> memref<10000x128xf32, #tpu.memory_space<hbm>>
    tpu.enqueue_indirect_dma source(%dma_start3A_54 : memref<10000x128xf32, #tpu.memory_space<hbm>>) target(%arg9 : memref<125x128xf32, #tpu.memory_space<vmem>>) offsets(%dma_start3A_51 : memref<125xi32, #tpu.memory_space<vmem>>) semaphore(%arg14 : memref<!tpu.dma_semaphore, #tpu.memory_space<semaphore_mem>>)
    %scan3A = arith.constant 0 : i32
    %scan3A_55 = arith.constant 80 : i32
    %scan3A_56 = arith.addi %scan3A, %scan3A_55 : i32
    %scan3A_57 = arith.constant 1 : i32
    scf.for %scan3A_72 = %scan3A to %scan3A_56 step %scan3A_57  : i32 {
      %jit3A = arith.constant 2 : i32
      %eq3A_73 = arith.constant 0 : i32
      %eq3A_74 = arith.cmpi eq, %jit3A, %eq3A_73 : i32
      %jit3A_75 = arith.constant 1 : i32
      %select_n3A = arith.select %eq3A_74, %jit3A_75, %jit3A : i32
      %rem3A = arith.remsi %scan3A_72, %select_n3A : i32
      %ne3A = arith.constant 0 : i32
      %ne3A_76 = arith.cmpi ne, %rem3A, %ne3A : i32
      %lt3A = arith.constant 0 : i32
      %lt3A_77 = arith.cmpi slt, %rem3A, %lt3A : i32
      %lt3A_78 = arith.constant 0 : i32
      %lt3A_79 = arith.cmpi slt, %select_n3A, %lt3A_78 : i32
      %ne3A_80 = arith.xori %lt3A_77, %lt3A_79 : i1
      %and3A = arith.andi %ne3A_80, %ne3A_76 : i1
      %add3A_81 = arith.addi %rem3A, %select_n3A : i32
      %select_n3A_82 = arith.select %and3A, %add3A_81, %rem3A : i32
      %eq3A_83 = arith.constant 0 : i32
      %eq3A_84 = arith.cmpi eq, %select_n3A_82, %eq3A_83 : i32
      %convert_element_type3A_85 = arith.extui %eq3A_84 : i1 to i32
      %cond3A_86 = arith.constant 0 : i32
      %cond3A_87 = arith.cmpi ne, %convert_element_type3A_85, %cond3A_86 : i32
      scf.if %cond3A_87 {
        %dma_wait3A_109 = arith.constant 0 : i32
        %dma_wait3A_110 = arith.constant 0 : i32
        %dma_wait3A_111 = tpu.memref_slice %arg6[%dma_wait3A_109, %dma_wait3A_110] : memref<2x125xi32, #tpu.memory_space<vmem>> -> memref<1x125xi32, #tpu.memory_space<vmem>>
        %dma_wait3A_112 = tpu.memref_squeeze %dma_wait3A_111 : memref<1x125xi32, #tpu.memory_space<vmem>> -> memref<125xi32, #tpu.memory_space<vmem>>
        %dma_wait3A_113 = arith.constant 0 : i32
        %dma_wait3A_114 = arith.constant 0 : i32
        %dma_wait3A_115 = tpu.memref_slice %arg2[%dma_wait3A_113, %dma_wait3A_114] : memref<10000x128xf32, #tpu.memory_space<hbm>> -> memref<10000x128xf32, #tpu.memory_space<hbm>>
        tpu.wait_indirect_dma semaphore(%arg13 : memref<!tpu.dma_semaphore, #tpu.memory_space<semaphore_mem>>) src(%dma_wait3A_115 : memref<10000x128xf32, #tpu.memory_space<hbm>>) dst(%arg8 : memref<125x128xf32, #tpu.memory_space<vmem>>)
        %run_scoped3A = arith.constant 1 : i32
        "tpu.region"() ({
          %run_scoped3A_123 = tpu.sem_alloc : memref<!tpu.dma_semaphore, #tpu.memory_space<semaphore_mem>>
          %dma_start3A_124 = arith.constant 0 : i32
          %dma_start3A_125 = tpu.memref_slice %arg6[%run_scoped3A, %dma_start3A_124] : memref<2x125xi32, #tpu.memory_space<vmem>> -> memref<1x125xi32, #tpu.memory_space<vmem>>
          %dma_start3A_126 = tpu.memref_squeeze %dma_start3A_125 : memref<1x125xi32, #tpu.memory_space<vmem>> -> memref<125xi32, #tpu.memory_space<vmem>>
          %dma_start3A_127 = arith.constant 0 : i32
          %dma_start3A_128 = arith.constant 0 : i32
          %dma_start3A_129 = tpu.memref_slice %arg10[%dma_start3A_127, %dma_start3A_128] : memref<10000x128xf32, #tpu.memory_space<vmem_shared>> -> memref<10000x128xf32, #tpu.memory_space<vmem_shared>>
          tpu.enqueue_indirect_dma source(%arg8 : memref<125x128xf32, #tpu.memory_space<vmem>>) target(%dma_start3A_129 : memref<10000x128xf32, #tpu.memory_space<vmem_shared>>) offsets(%dma_start3A_126 : memref<125xi32, #tpu.memory_space<vmem>>) semaphore(%run_scoped3A_123 : memref<!tpu.dma_semaphore, #tpu.memory_space<semaphore_mem>>) {add = true}
          %dma_wait3A_130 = arith.constant 0 : i32
          %dma_wait3A_131 = tpu.memref_slice %arg6[%run_scoped3A, %dma_wait3A_130] : memref<2x125xi32, #tpu.memory_space<vmem>> -> memref<1x125xi32, #tpu.memory_space<vmem>>
          %dma_wait3A_132 = tpu.memref_squeeze %dma_wait3A_131 : memref<1x125xi32, #tpu.memory_space<vmem>> -> memref<125xi32, #tpu.memory_space<vmem>>
          %dma_wait3A_133 = arith.constant 0 : i32
          %dma_wait3A_134 = arith.constant 0 : i32
          %dma_wait3A_135 = tpu.memref_slice %arg10[%dma_wait3A_133, %dma_wait3A_134] : memref<10000x128xf32, #tpu.memory_space<vmem_shared>> -> memref<10000x128xf32, #tpu.memory_space<vmem_shared>>
          tpu.wait_indirect_dma semaphore(%run_scoped3A_123 : memref<!tpu.dma_semaphore, #tpu.memory_space<semaphore_mem>>) src(%arg8 : memref<125x128xf32, #tpu.memory_space<vmem>>) dst(%dma_wait3A_135 : memref<10000x128xf32, #tpu.memory_space<vmem_shared>>)
          tpu.yield
        }) : () -> ()
        %add3A_116 = arith.constant 2 : i32
        %add3A_117 = arith.addi %scan3A_72, %add3A_116 : i32
        %lt3A_118 = arith.constant 80 : i32
        %lt3A_119 = arith.cmpi slt, %add3A_117, %lt3A_118 : i32
        %convert_element_type3A_120 = arith.extui %lt3A_119 : i1 to i32
        %cond3A_121 = arith.constant 0 : i32
        %cond3A_122 = arith.cmpi ne, %convert_element_type3A_120, %cond3A_121 : i32
        scf.if %cond3A_122 {
          %add3A_123 = arith.constant 2 : i32
          %add3A_124 = arith.addi %scan3A_72, %add3A_123 : i32
          %dma_start3A_125 = arith.constant 0 : i32
          %dma_start3A_126 = arith.constant 0 : i32
          %dma_start3A_127 = tpu.memref_slice %arg3[%add3A, %add3A_124, %dma_start3A_125, %dma_start3A_126] : memref<32x80x2x125xi32, #tpu.memory_space<hbm>> -> memref<1x1x2x125xi32, #tpu.memory_space<hbm>>
          %dma_start3A_128 = tpu.memref_squeeze %dma_start3A_127 : memref<1x1x2x125xi32, #tpu.memory_space<hbm>> -> memref<2x125xi32, #tpu.memory_space<hbm>>
          %dma_start3A_129 = arith.constant 0 : i32
          %dma_start3A_130 = arith.constant 0 : i32
          %dma_start3A_131 = tpu.memref_slice %arg3[%add3A, %add3A_124, %dma_start3A_129, %dma_start3A_130] : memref<32x80x2x125xi32, #tpu.memory_space<hbm>> -> memref<1x1x2x125xi32, #tpu.memory_space<hbm>>
          %dma_start3A_132 = tpu.memref_squeeze %dma_start3A_131 : memref<1x1x2x125xi32, #tpu.memory_space<hbm>> -> memref<2x125xi32, #tpu.memory_space<hbm>>
          tpu.enqueue_dma source(%dma_start3A_132 : memref<2x125xi32, #tpu.memory_space<hbm>>) target(%arg6 : memref<2x125xi32, #tpu.memory_space<vmem>>) target_semaphore(%arg11 : memref<!tpu.dma_semaphore, #tpu.memory_space<semaphore_mem>>)
          %add3A_133 = arith.constant 2 : i32
          %add3A_134 = arith.addi %scan3A_72, %add3A_133 : i32
          %dma_wait3A_135 = arith.constant 0 : i32
          %dma_wait3A_136 = arith.constant 0 : i32
          %dma_wait3A_137 = tpu.memref_slice %arg3[%add3A, %add3A_134, %dma_wait3A_135, %dma_wait3A_136] : memref<32x80x2x125xi32, #tpu.memory_space<hbm>> -> memref<1x1x2x125xi32, #tpu.memory_space<hbm>>
          %dma_wait3A_138 = tpu.memref_squeeze %dma_wait3A_137 : memref<1x1x2x125xi32, #tpu.memory_space<hbm>> -> memref<2x125xi32, #tpu.memory_space<hbm>>
          %dma_wait3A_139 = arith.constant 0 : i32
          %dma_wait3A_140 = arith.constant 0 : i32
          %dma_wait3A_141 = tpu.memref_slice %arg3[%add3A, %add3A_134, %dma_wait3A_139, %dma_wait3A_140] : memref<32x80x2x125xi32, #tpu.memory_space<hbm>> -> memref<1x1x2x125xi32, #tpu.memory_space<hbm>>
          %dma_wait3A_142 = tpu.memref_squeeze %dma_wait3A_141 : memref<1x1x2x125xi32, #tpu.memory_space<hbm>> -> memref<2x125xi32, #tpu.memory_space<hbm>>
          tpu.wait_dma2 semaphore(%arg11 : memref<!tpu.dma_semaphore, #tpu.memory_space<semaphore_mem>>) src(%dma_wait3A_142 : memref<2x125xi32, #tpu.memory_space<hbm>>) dst(%arg6 : memref<2x125xi32, #tpu.memory_space<vmem>>)
          %add3A_143 = arith.constant 2 : i32
          %add3A_144 = arith.addi %scan3A_72, %add3A_143 : i32
          %dma_start3A_145 = arith.constant 0 : i32
          %dma_start3A_146 = arith.constant 0 : i32
          %dma_start3A_147 = tpu.memref_slice %arg6[%dma_start3A_145, %dma_start3A_146] : memref<2x125xi32, #tpu.memory_space<vmem>> -> memref<1x125xi32, #tpu.memory_space<vmem>>
          %dma_start3A_148 = tpu.memref_squeeze %dma_start3A_147 : memref<1x125xi32, #tpu.memory_space<vmem>> -> memref<125xi32, #tpu.memory_space<vmem>>
          %dma_start3A_149 = arith.constant 0 : i32
          %dma_start3A_150 = arith.constant 0 : i32
          %dma_start3A_151 = tpu.memref_slice %arg2[%dma_start3A_149, %dma_start3A_150] : memref<10000x128xf32, #tpu.memory_space<hbm>> -> memref<10000x128xf32, #tpu.memory_space<hbm>>
          tpu.enqueue_indirect_dma source(%dma_start3A_151 : memref<10000x128xf32, #tpu.memory_space<hbm>>) target(%arg8 : memref<125x128xf32, #tpu.memory_space<vmem>>) offsets(%dma_start3A_148 : memref<125xi32, #tpu.memory_space<vmem>>) semaphore(%arg13 : memref<!tpu.dma_semaphore, #tpu.memory_space<semaphore_mem>>)
        } else {
        }
      } else {
      }
      %jit3A_88 = arith.constant 2 : i32
      %eq3A_89 = arith.constant 0 : i32
      %eq3A_90 = arith.cmpi eq, %jit3A_88, %eq3A_89 : i32
      %jit3A_91 = arith.constant 1 : i32
      %select_n3A_92 = arith.select %eq3A_90, %jit3A_91, %jit3A_88 : i32
      %rem3A_93 = arith.remsi %scan3A_72, %select_n3A_92 : i32
      %ne3A_94 = arith.constant 0 : i32
      %ne3A_95 = arith.cmpi ne, %rem3A_93, %ne3A_94 : i32
      %lt3A_96 = arith.constant 0 : i32
      %lt3A_97 = arith.cmpi slt, %rem3A_93, %lt3A_96 : i32
      %lt3A_98 = arith.constant 0 : i32
      %lt3A_99 = arith.cmpi slt, %select_n3A_92, %lt3A_98 : i32
      %ne3A_100 = arith.xori %lt3A_97, %lt3A_99 : i1
      %and3A_101 = arith.andi %ne3A_100, %ne3A_95 : i1
      %add3A_102 = arith.addi %rem3A_93, %select_n3A_92 : i32
      %select_n3A_103 = arith.select %and3A_101, %add3A_102, %rem3A_93 : i32
      %eq3A_104 = arith.constant 1 : i32
      %eq3A_105 = arith.cmpi eq, %select_n3A_103, %eq3A_104 : i32
      %convert_element_type3A_106 = arith.extui %eq3A_105 : i1 to i32
      %cond3A_107 = arith.constant 0 : i32
      %cond3A_108 = arith.cmpi ne, %convert_element_type3A_106, %cond3A_107 : i32
      scf.if %cond3A_108 {
        %dma_wait3A_109 = arith.constant 0 : i32
        %dma_wait3A_110 = arith.constant 0 : i32
        %dma_wait3A_111 = tpu.memref_slice %arg7[%dma_wait3A_109, %dma_wait3A_110] : memref<2x125xi32, #tpu.memory_space<vmem>> -> memref<1x125xi32, #tpu.memory_space<vmem>>
        %dma_wait3A_112 = tpu.memref_squeeze %dma_wait3A_111 : memref<1x125xi32, #tpu.memory_space<vmem>> -> memref<125xi32, #tpu.memory_space<vmem>>
        %dma_wait3A_113 = arith.constant 0 : i32
        %dma_wait3A_114 = arith.constant 0 : i32
        %dma_wait3A_115 = tpu.memref_slice %arg2[%dma_wait3A_113, %dma_wait3A_114] : memref<10000x128xf32, #tpu.memory_space<hbm>> -> memref<10000x128xf32, #tpu.memory_space<hbm>>
        tpu.wait_indirect_dma semaphore(%arg14 : memref<!tpu.dma_semaphore, #tpu.memory_space<semaphore_mem>>) src(%dma_wait3A_115 : memref<10000x128xf32, #tpu.memory_space<hbm>>) dst(%arg9 : memref<125x128xf32, #tpu.memory_space<vmem>>)
        %run_scoped3A = arith.constant 1 : i32
        "tpu.region"() ({
          %run_scoped3A_123 = tpu.sem_alloc : memref<!tpu.dma_semaphore, #tpu.memory_space<semaphore_mem>>
          %dma_start3A_124 = arith.constant 0 : i32
          %dma_start3A_125 = tpu.memref_slice %arg7[%run_scoped3A, %dma_start3A_124] : memref<2x125xi32, #tpu.memory_space<vmem>> -> memref<1x125xi32, #tpu.memory_space<vmem>>
          %dma_start3A_126 = tpu.memref_squeeze %dma_start3A_125 : memref<1x125xi32, #tpu.memory_space<vmem>> -> memref<125xi32, #tpu.memory_space<vmem>>
          %dma_start3A_127 = arith.constant 0 : i32
          %dma_start3A_128 = arith.constant 0 : i32
          %dma_start3A_129 = tpu.memref_slice %arg10[%dma_start3A_127, %dma_start3A_128] : memref<10000x128xf32, #tpu.memory_space<vmem_shared>> -> memref<10000x128xf32, #tpu.memory_space<vmem_shared>>
          tpu.enqueue_indirect_dma source(%arg9 : memref<125x128xf32, #tpu.memory_space<vmem>>) target(%dma_start3A_129 : memref<10000x128xf32, #tpu.memory_space<vmem_shared>>) offsets(%dma_start3A_126 : memref<125xi32, #tpu.memory_space<vmem>>) semaphore(%run_scoped3A_123 : memref<!tpu.dma_semaphore, #tpu.memory_space<semaphore_mem>>) {add = true}
          %dma_wait3A_130 = arith.constant 0 : i32
          %dma_wait3A_131 = tpu.memref_slice %arg7[%run_scoped3A, %dma_wait3A_130] : memref<2x125xi32, #tpu.memory_space<vmem>> -> memref<1x125xi32, #tpu.memory_space<vmem>>
          %dma_wait3A_132 = tpu.memref_squeeze %dma_wait3A_131 : memref<1x125xi32, #tpu.memory_space<vmem>> -> memref<125xi32, #tpu.memory_space<vmem>>
          %dma_wait3A_133 = arith.constant 0 : i32
          %dma_wait3A_134 = arith.constant 0 : i32
          %dma_wait3A_135 = tpu.memref_slice %arg10[%dma_wait3A_133, %dma_wait3A_134] : memref<10000x128xf32, #tpu.memory_space<vmem_shared>> -> memref<10000x128xf32, #tpu.memory_space<vmem_shared>>
          tpu.wait_indirect_dma semaphore(%run_scoped3A_123 : memref<!tpu.dma_semaphore, #tpu.memory_space<semaphore_mem>>) src(%arg9 : memref<125x128xf32, #tpu.memory_space<vmem>>) dst(%dma_wait3A_135 : memref<10000x128xf32, #tpu.memory_space<vmem_shared>>)
          tpu.yield
        }) : () -> ()
        %add3A_116 = arith.constant 2 : i32
        %add3A_117 = arith.addi %scan3A_72, %add3A_116 : i32
        %lt3A_118 = arith.constant 80 : i32
        %lt3A_119 = arith.cmpi slt, %add3A_117, %lt3A_118 : i32
        %convert_element_type3A_120 = arith.extui %lt3A_119 : i1 to i32
        %cond3A_121 = arith.constant 0 : i32
        %cond3A_122 = arith.cmpi ne, %convert_element_type3A_120, %cond3A_121 : i32
        scf.if %cond3A_122 {
          %add3A_123 = arith.constant 2 : i32
          %add3A_124 = arith.addi %scan3A_72, %add3A_123 : i32
          %dma_start3A_125 = arith.constant 0 : i32
          %dma_start3A_126 = arith.constant 0 : i32
          %dma_start3A_127 = tpu.memref_slice %arg3[%add3A, %add3A_124, %dma_start3A_125, %dma_start3A_126] : memref<32x80x2x125xi32, #tpu.memory_space<hbm>> -> memref<1x1x2x125xi32, #tpu.memory_space<hbm>>
          %dma_start3A_128 = tpu.memref_squeeze %dma_start3A_127 : memref<1x1x2x125xi32, #tpu.memory_space<hbm>> -> memref<2x125xi32, #tpu.memory_space<hbm>>
          %dma_start3A_129 = arith.constant 0 : i32
          %dma_start3A_130 = arith.constant 0 : i32
          %dma_start3A_131 = tpu.memref_slice %arg3[%add3A, %add3A_124, %dma_start3A_129, %dma_start3A_130] : memref<32x80x2x125xi32, #tpu.memory_space<hbm>> -> memref<1x1x2x125xi32, #tpu.memory_space<hbm>>
          %dma_start3A_132 = tpu.memref_squeeze %dma_start3A_131 : memref<1x1x2x125xi32, #tpu.memory_space<hbm>> -> memref<2x125xi32, #tpu.memory_space<hbm>>
          tpu.enqueue_dma source(%dma_start3A_132 : memref<2x125xi32, #tpu.memory_space<hbm>>) target(%arg7 : memref<2x125xi32, #tpu.memory_space<vmem>>) target_semaphore(%arg12 : memref<!tpu.dma_semaphore, #tpu.memory_space<semaphore_mem>>)
          %add3A_133 = arith.constant 2 : i32
          %add3A_134 = arith.addi %scan3A_72, %add3A_133 : i32
          %dma_wait3A_135 = arith.constant 0 : i32
          %dma_wait3A_136 = arith.constant 0 : i32
          %dma_wait3A_137 = tpu.memref_slice %arg3[%add3A, %add3A_134, %dma_wait3A_135, %dma_wait3A_136] : memref<32x80x2x125xi32, #tpu.memory_space<hbm>> -> memref<1x1x2x125xi32, #tpu.memory_space<hbm>>
          %dma_wait3A_138 = tpu.memref_squeeze %dma_wait3A_137 : memref<1x1x2x125xi32, #tpu.memory_space<hbm>> -> memref<2x125xi32, #tpu.memory_space<hbm>>
          %dma_wait3A_139 = arith.constant 0 : i32
          %dma_wait3A_140 = arith.constant 0 : i32
          %dma_wait3A_141 = tpu.memref_slice %arg3[%add3A, %add3A_134, %dma_wait3A_139, %dma_wait3A_140] : memref<32x80x2x125xi32, #tpu.memory_space<hbm>> -> memref<1x1x2x125xi32, #tpu.memory_space<hbm>>
          %dma_wait3A_142 = tpu.memref_squeeze %dma_wait3A_141 : memref<1x1x2x125xi32, #tpu.memory_space<hbm>> -> memref<2x125xi32, #tpu.memory_space<hbm>>
          tpu.wait_dma2 semaphore(%arg12 : memref<!tpu.dma_semaphore, #tpu.memory_space<semaphore_mem>>) src(%dma_wait3A_142 : memref<2x125xi32, #tpu.memory_space<hbm>>) dst(%arg7 : memref<2x125xi32, #tpu.memory_space<vmem>>)
          %add3A_143 = arith.constant 2 : i32
          %add3A_144 = arith.addi %scan3A_72, %add3A_143 : i32
          %dma_start3A_145 = arith.constant 0 : i32
          %dma_start3A_146 = arith.constant 0 : i32
          %dma_start3A_147 = tpu.memref_slice %arg7[%dma_start3A_145, %dma_start3A_146] : memref<2x125xi32, #tpu.memory_space<vmem>> -> memref<1x125xi32, #tpu.memory_space<vmem>>
          %dma_start3A_148 = tpu.memref_squeeze %dma_start3A_147 : memref<1x125xi32, #tpu.memory_space<vmem>> -> memref<125xi32, #tpu.memory_space<vmem>>
          %dma_start3A_149 = arith.constant 0 : i32
          %dma_start3A_150 = arith.constant 0 : i32
          %dma_start3A_151 = tpu.memref_slice %arg2[%dma_start3A_149, %dma_start3A_150] : memref<10000x128xf32, #tpu.memory_space<hbm>> -> memref<10000x128xf32, #tpu.memory_space<hbm>>
          tpu.enqueue_indirect_dma source(%dma_start3A_151 : memref<10000x128xf32, #tpu.memory_space<hbm>>) target(%arg9 : memref<125x128xf32, #tpu.memory_space<vmem>>) offsets(%dma_start3A_148 : memref<125xi32, #tpu.memory_space<vmem>>) semaphore(%arg14 : memref<!tpu.dma_semaphore, #tpu.memory_space<semaphore_mem>>)
        } else {
        }
      } else {
      }
    }
    %scan3A_58 = arith.constant 80 : i32
    %barrier3A_59 = arith.constant 0 : index
    tpu.barrier barrier_id(%barrier3A_59)
    %mul3A_60 = arith.constant 624 : i32
    %mul3A_61 = arith.muli %arg1, %mul3A_60 : i32
    %mul3A_62 = arith.constant 10000 : i32
    %mul3A_63 = arith.muli %arg0, %mul3A_62 : i32
    %mul3A_64 = arith.constant 624 : i32
    %mul3A_65 = arith.muli %arg1, %mul3A_64 : i32
    %add3A_66 = arith.addi %mul3A_63, %mul3A_65 : i32
    "tpu.region"() ({
      %run_scoped3A = tpu.sem_alloc : memref<!tpu.dma_semaphore, #tpu.memory_space<semaphore_mem>>
      %dma_start3A_72 = arith.constant 0 : i32
      %dma_start3A_73 = tpu.memref_slice %arg5[%add3A_66, %dma_start3A_72] : memref<20000x128xf32, #tpu.memory_space<hbm>> -> memref<624x128xf32, #tpu.memory_space<hbm>>
      %dma_start3A_74 = arith.constant 0 : i32
      %dma_start3A_75 = tpu.memref_slice %arg10[%mul3A_61, %dma_start3A_74] : memref<10000x128xf32, #tpu.memory_space<vmem_shared>> -> memref<624x128xf32, #tpu.memory_space<vmem_shared>>
      tpu.enqueue_dma source(%dma_start3A_75 : memref<624x128xf32, #tpu.memory_space<vmem_shared>>) target(%dma_start3A_73 : memref<624x128xf32, #tpu.memory_space<hbm>>) target_semaphore(%run_scoped3A : memref<!tpu.dma_semaphore, #tpu.memory_space<semaphore_mem>>)
      %dma_wait3A_76 = arith.constant 0 : i32
      %dma_wait3A_77 = tpu.memref_slice %arg5[%add3A_66, %dma_wait3A_76] : memref<20000x128xf32, #tpu.memory_space<hbm>> -> memref<624x128xf32, #tpu.memory_space<hbm>>
      %dma_wait3A_78 = arith.constant 0 : i32
      %dma_wait3A_79 = tpu.memref_slice %arg10[%mul3A_61, %dma_wait3A_78] : memref<10000x128xf32, #tpu.memory_space<vmem_shared>> -> memref<624x128xf32, #tpu.memory_space<vmem_shared>>
      tpu.wait_dma2 semaphore(%run_scoped3A : memref<!tpu.dma_semaphore, #tpu.memory_space<semaphore_mem>>) src(%dma_wait3A_79 : memref<624x128xf32, #tpu.memory_space<vmem_shared>>) dst(%dma_wait3A_77 : memref<624x128xf32, #tpu.memory_space<hbm>>)
      tpu.yield
    }) : () -> ()
    %eq3A_67 = arith.constant 15 : i32
    %eq3A_68 = arith.cmpi eq, %arg1, %eq3A_67 : i32
    %convert_element_type3A_69 = arith.extui %eq3A_68 : i1 to i32
    %cond3A_70 = arith.constant 0 : i32
    %cond3A_71 = arith.cmpi ne, %convert_element_type3A_69, %cond3A_70 : i32
    scf.if %cond3A_71 {
      %mul3A_72 = arith.constant 10000 : i32
      %mul3A_73 = arith.muli %arg0, %mul3A_72 : i32
      %add3A_74 = arith.constant 9984 : i32
      %add3A_75 = arith.addi %mul3A_73, %add3A_74 : i32
      "tpu.region"() ({
        %run_scoped3A = tpu.sem_alloc : memref<!tpu.dma_semaphore, #tpu.memory_space<semaphore_mem>>
        %dma_start3A_76 = arith.constant 0 : i32
        %dma_start3A_77 = tpu.memref_slice %arg5[%add3A_75, %dma_start3A_76] : memref<20000x128xf32, #tpu.memory_space<hbm>> -> memref<16x128xf32, #tpu.memory_space<hbm>>
        %dma_start3A_78 = arith.constant 9984 : i32
        %dma_start3A_79 = arith.constant 0 : i32
        %dma_start3A_80 = tpu.memref_slice %arg10[%dma_start3A_78, %dma_start3A_79] : memref<10000x128xf32, #tpu.memory_space<vmem_shared>> -> memref<16x128xf32, #tpu.memory_space<vmem_shared>>
        tpu.enqueue_dma source(%dma_start3A_80 : memref<16x128xf32, #tpu.memory_space<vmem_shared>>) target(%dma_start3A_77 : memref<16x128xf32, #tpu.memory_space<hbm>>) target_semaphore(%run_scoped3A : memref<!tpu.dma_semaphore, #tpu.memory_space<semaphore_mem>>)
        %dma_wait3A_81 = arith.constant 0 : i32
        %dma_wait3A_82 = tpu.memref_slice %arg5[%add3A_75, %dma_wait3A_81] : memref<20000x128xf32, #tpu.memory_space<hbm>> -> memref<16x128xf32, #tpu.memory_space<hbm>>
        %dma_wait3A_83 = arith.constant 9984 : i32
        %dma_wait3A_84 = arith.constant 0 : i32
        %dma_wait3A_85 = tpu.memref_slice %arg10[%dma_wait3A_83, %dma_wait3A_84] : memref<10000x128xf32, #tpu.memory_space<vmem_shared>> -> memref<16x128xf32, #tpu.memory_space<vmem_shared>>
        tpu.wait_dma2 semaphore(%run_scoped3A : memref<!tpu.dma_semaphore, #tpu.memory_space<semaphore_mem>>) src(%dma_wait3A_85 : memref<16x128xf32, #tpu.memory_space<vmem_shared>>) dst(%dma_wait3A_82 : memref<16x128xf32, #tpu.memory_space<hbm>>)
        tpu.yield
      }) : () -> ()
    } else {
    }
    return
  }
}

#map = affine_map<(d0, d1) -> (0, 0)>
#map1 = affine_map<(d0, d1) -> (0, 0, 0, 0)>
module attributes {stable_mosaic.version = 14 : i64} {
  func.func @_segsum_body(%arg0: i32, %arg1: i32, %arg2: memref<10000x128xf32, #tpu.memory_space<hbm>>, %arg3: memref<32x80x2x125xi32, #tpu.memory_space<hbm>>, %arg4: memref<10000x128xf32, #tpu.memory_space<hbm>>, %arg5: memref<20000x128xf32, #tpu.memory_space<hbm>>, %arg6: memref<2x125xi32, #tpu.memory_space<vmem>>, %arg7: memref<2x125xi32, #tpu.memory_space<vmem>>, %arg8: memref<125x128xf32, #tpu.memory_space<vmem>>, %arg9: memref<125x128xf32, #tpu.memory_space<vmem>>, %arg10: memref<10000x128xf32, #tpu.memory_space<vmem_shared>>, %arg11: memref<!tpu.dma_semaphore, #tpu.memory_space<semaphore_mem>>, %arg12: memref<!tpu.dma_semaphore, #tpu.memory_space<semaphore_mem>>, %arg13: memref<!tpu.dma_semaphore, #tpu.memory_space<semaphore_mem>>, %arg14: memref<!tpu.dma_semaphore, #tpu.memory_space<semaphore_mem>>) attributes {dimension_semantics = [#tpu.dimension_semantics<core_parallel>, #tpu.dimension_semantics<subcore_parallel>], iteration_bounds = array<i64: 2, 16>, scalar_prefetch = 0 : i64, scratch_operands = 9 : i64, tpu.core_type = #tpu.core_type<sc_vector_subcore>, window_params = [{transform_indices = #map}, {transform_indices = #map1}, {transform_indices = #map}, {transform_indices = #map}]} {
    %mul3A = arith.constant 16 : i32
    %mul3A_0 = arith.muli %arg0, %mul3A : i32
    %add3A = arith.addi %mul3A_0, %arg1 : i32
    %mul3A_1 = arith.constant 624 : i32
    %mul3A_2 = arith.muli %arg1, %mul3A_1 : i32
    %mul3A_3 = arith.constant 624 : i32
    %mul3A_4 = arith.muli %arg1, %mul3A_3 : i32
    "tpu.region"() ({
      %run_scoped3A = tpu.sem_alloc : memref<!tpu.dma_semaphore, #tpu.memory_space<semaphore_mem>>
      %dma_start3A_72 = arith.constant 0 : i32
      %dma_start3A_73 = tpu.memref_slice %arg10[%mul3A_4, %dma_start3A_72] : memref<10000x128xf32, #tpu.memory_space<vmem_shared>> -> memref<624x128xf32, #tpu.memory_space<vmem_shared>>
      %dma_start3A_74 = arith.constant 0 : i32
      %dma_start3A_75 = tpu.memref_slice %arg4[%mul3A_2, %dma_start3A_74] : memref<10000x128xf32, #tpu.memory_space<hbm>> -> memref<624x128xf32, #tpu.memory_space<hbm>>
      tpu.enqueue_dma source(%dma_start3A_75 : memref<624x128xf32, #tpu.memory_space<hbm>>) target(%dma_start3A_73 : memref<624x128xf32, #tpu.memory_space<vmem_shared>>) target_semaphore(%run_scoped3A : memref<!tpu.dma_semaphore, #tpu.memory_space<semaphore_mem>>)
      %dma_wait3A_76 = arith.constant 0 : i32
      %dma_wait3A_77 = tpu.memref_slice %arg10[%mul3A_4, %dma_wait3A_76] : memref<10000x128xf32, #tpu.memory_space<vmem_shared>> -> memref<624x128xf32, #tpu.memory_space<vmem_shared>>
      %dma_wait3A_78 = arith.constant 0 : i32
      %dma_wait3A_79 = tpu.memref_slice %arg4[%mul3A_2, %dma_wait3A_78] : memref<10000x128xf32, #tpu.memory_space<hbm>> -> memref<624x128xf32, #tpu.memory_space<hbm>>
      tpu.wait_dma2 semaphore(%run_scoped3A : memref<!tpu.dma_semaphore, #tpu.memory_space<semaphore_mem>>) src(%dma_wait3A_79 : memref<624x128xf32, #tpu.memory_space<hbm>>) dst(%dma_wait3A_77 : memref<624x128xf32, #tpu.memory_space<vmem_shared>>)
      tpu.yield
    }) : () -> ()
    %eq3A = arith.constant 15 : i32
    %eq3A_5 = arith.cmpi eq, %arg1, %eq3A : i32
    %convert_element_type3A = arith.extui %eq3A_5 : i1 to i32
    %cond3A = arith.constant 0 : i32
    %cond3A_6 = arith.cmpi ne, %convert_element_type3A, %cond3A : i32
    scf.if %cond3A_6 {
      "tpu.region"() ({
        %run_scoped3A = tpu.sem_alloc : memref<!tpu.dma_semaphore, #tpu.memory_space<semaphore_mem>>
        %dma_start3A_72 = arith.constant 9984 : i32
        %dma_start3A_73 = arith.constant 0 : i32
        %dma_start3A_74 = tpu.memref_slice %arg10[%dma_start3A_72, %dma_start3A_73] : memref<10000x128xf32, #tpu.memory_space<vmem_shared>> -> memref<16x128xf32, #tpu.memory_space<vmem_shared>>
        %dma_start3A_75 = arith.constant 9984 : i32
        %dma_start3A_76 = arith.constant 0 : i32
        %dma_start3A_77 = tpu.memref_slice %arg4[%dma_start3A_75, %dma_start3A_76] : memref<10000x128xf32, #tpu.memory_space<hbm>> -> memref<16x128xf32, #tpu.memory_space<hbm>>
        tpu.enqueue_dma source(%dma_start3A_77 : memref<16x128xf32, #tpu.memory_space<hbm>>) target(%dma_start3A_74 : memref<16x128xf32, #tpu.memory_space<vmem_shared>>) target_semaphore(%run_scoped3A : memref<!tpu.dma_semaphore, #tpu.memory_space<semaphore_mem>>)
        %dma_wait3A_78 = arith.constant 9984 : i32
        %dma_wait3A_79 = arith.constant 0 : i32
        %dma_wait3A_80 = tpu.memref_slice %arg10[%dma_wait3A_78, %dma_wait3A_79] : memref<10000x128xf32, #tpu.memory_space<vmem_shared>> -> memref<16x128xf32, #tpu.memory_space<vmem_shared>>
        %dma_wait3A_81 = arith.constant 9984 : i32
        %dma_wait3A_82 = arith.constant 0 : i32
        %dma_wait3A_83 = tpu.memref_slice %arg4[%dma_wait3A_81, %dma_wait3A_82] : memref<10000x128xf32, #tpu.memory_space<hbm>> -> memref<16x128xf32, #tpu.memory_space<hbm>>
        tpu.wait_dma2 semaphore(%run_scoped3A : memref<!tpu.dma_semaphore, #tpu.memory_space<semaphore_mem>>) src(%dma_wait3A_83 : memref<16x128xf32, #tpu.memory_space<hbm>>) dst(%dma_wait3A_80 : memref<16x128xf32, #tpu.memory_space<vmem_shared>>)
        tpu.yield
      }) : () -> ()
    } else {
    }
    %barrier3A = arith.constant 0 : index
    tpu.barrier barrier_id(%barrier3A)
    %dma_start3A = arith.constant 0 : i32
    %dma_start3A_7 = arith.constant 0 : i32
    %dma_start3A_8 = arith.constant 0 : i32
    %dma_start3A_9 = tpu.memref_slice %arg3[%add3A, %dma_start3A, %dma_start3A_7, %dma_start3A_8] : memref<32x80x2x125xi32, #tpu.memory_space<hbm>> -> memref<1x1x2x125xi32, #tpu.memory_space<hbm>>
    %dma_start3A_10 = tpu.memref_squeeze %dma_start3A_9 : memref<1x1x2x125xi32, #tpu.memory_space<hbm>> -> memref<2x125xi32, #tpu.memory_space<hbm>>
    %dma_start3A_11 = arith.constant 0 : i32
    %dma_start3A_12 = arith.constant 0 : i32
    %dma_start3A_13 = tpu.memref_slice %arg3[%add3A, %dma_start3A, %dma_start3A_11, %dma_start3A_12] : memref<32x80x2x125xi32, #tpu.memory_space<hbm>> -> memref<1x1x2x125xi32, #tpu.memory_space<hbm>>
    %dma_start3A_14 = tpu.memref_squeeze %dma_start3A_13 : memref<1x1x2x125xi32, #tpu.memory_space<hbm>> -> memref<2x125xi32, #tpu.memory_space<hbm>>
    tpu.enqueue_dma source(%dma_start3A_14 : memref<2x125xi32, #tpu.memory_space<hbm>>) target(%arg6 : memref<2x125xi32, #tpu.memory_space<vmem>>) target_semaphore(%arg11 : memref<!tpu.dma_semaphore, #tpu.memory_space<semaphore_mem>>)
    %dma_start3A_15 = arith.constant 1 : i32
    %dma_start3A_16 = arith.constant 0 : i32
    %dma_start3A_17 = arith.constant 0 : i32
    %dma_start3A_18 = tpu.memref_slice %arg3[%add3A, %dma_start3A_15, %dma_start3A_16, %dma_start3A_17] : memref<32x80x2x125xi32, #tpu.memory_space<hbm>> -> memref<1x1x2x125xi32, #tpu.memory_space<hbm>>
    %dma_start3A_19 = tpu.memref_squeeze %dma_start3A_18 : memref<1x1x2x125xi32, #tpu.memory_space<hbm>> -> memref<2x125xi32, #tpu.memory_space<hbm>>
    %dma_start3A_20 = arith.constant 0 : i32
    %dma_start3A_21 = arith.constant 0 : i32
    %dma_start3A_22 = tpu.memref_slice %arg3[%add3A, %dma_start3A_15, %dma_start3A_20, %dma_start3A_21] : memref<32x80x2x125xi32, #tpu.memory_space<hbm>> -> memref<1x1x2x125xi32, #tpu.memory_space<hbm>>
    %dma_start3A_23 = tpu.memref_squeeze %dma_start3A_22 : memref<1x1x2x125xi32, #tpu.memory_space<hbm>> -> memref<2x125xi32, #tpu.memory_space<hbm>>
    tpu.enqueue_dma source(%dma_start3A_23 : memref<2x125xi32, #tpu.memory_space<hbm>>) target(%arg7 : memref<2x125xi32, #tpu.memory_space<vmem>>) target_semaphore(%arg12 : memref<!tpu.dma_semaphore, #tpu.memory_space<semaphore_mem>>)
    %dma_wait3A = arith.constant 0 : i32
    %dma_wait3A_24 = arith.constant 0 : i32
    %dma_wait3A_25 = arith.constant 0 : i32
    %dma_wait3A_26 = tpu.memref_slice %arg3[%add3A, %dma_wait3A, %dma_wait3A_24, %dma_wait3A_25] : memref<32x80x2x125xi32, #tpu.memory_space<hbm>> -> memref<1x1x2x125xi32, #tpu.memory_space<hbm>>
    %dma_wait3A_27 = tpu.memref_squeeze %dma_wait3A_26 : memref<1x1x2x125xi32, #tpu.memory_space<hbm>> -> memref<2x125xi32, #tpu.memory_space<hbm>>
    %dma_wait3A_28 = arith.constant 0 : i32
    %dma_wait3A_29 = arith.constant 0 : i32
    %dma_wait3A_30 = tpu.memref_slice %arg3[%add3A, %dma_wait3A, %dma_wait3A_28, %dma_wait3A_29] : memref<32x80x2x125xi32, #tpu.memory_space<hbm>> -> memref<1x1x2x125xi32, #tpu.memory_space<hbm>>
    %dma_wait3A_31 = tpu.memref_squeeze %dma_wait3A_30 : memref<1x1x2x125xi32, #tpu.memory_space<hbm>> -> memref<2x125xi32, #tpu.memory_space<hbm>>
    tpu.wait_dma2 semaphore(%arg11 : memref<!tpu.dma_semaphore, #tpu.memory_space<semaphore_mem>>) src(%dma_wait3A_31 : memref<2x125xi32, #tpu.memory_space<hbm>>) dst(%arg6 : memref<2x125xi32, #tpu.memory_space<vmem>>)
    %dma_start3A_32 = arith.constant 0 : i32
    %dma_start3A_33 = arith.constant 0 : i32
    %dma_start3A_34 = tpu.memref_slice %arg6[%dma_start3A_32, %dma_start3A_33] : memref<2x125xi32, #tpu.memory_space<vmem>> -> memref<1x125xi32, #tpu.memory_space<vmem>>
    %dma_start3A_35 = tpu.memref_squeeze %dma_start3A_34 : memref<1x125xi32, #tpu.memory_space<vmem>> -> memref<125xi32, #tpu.memory_space<vmem>>
    %dma_start3A_36 = arith.constant 0 : i32
    %dma_start3A_37 = arith.constant 0 : i32
    %dma_start3A_38 = tpu.memref_slice %arg2[%dma_start3A_36, %dma_start3A_37] : memref<10000x128xf32, #tpu.memory_space<hbm>> -> memref<10000x128xf32, #tpu.memory_space<hbm>>
    tpu.enqueue_indirect_dma source(%dma_start3A_38 : memref<10000x128xf32, #tpu.memory_space<hbm>>) target(%arg8 : memref<125x128xf32, #tpu.memory_space<vmem>>) offsets(%dma_start3A_35 : memref<125xi32, #tpu.memory_space<vmem>>) semaphore(%arg13 : memref<!tpu.dma_semaphore, #tpu.memory_space<semaphore_mem>>)
    %dma_wait3A_39 = arith.constant 1 : i32
    %dma_wait3A_40 = arith.constant 0 : i32
    %dma_wait3A_41 = arith.constant 0 : i32
    %dma_wait3A_42 = tpu.memref_slice %arg3[%add3A, %dma_wait3A_39, %dma_wait3A_40, %dma_wait3A_41] : memref<32x80x2x125xi32, #tpu.memory_space<hbm>> -> memref<1x1x2x125xi32, #tpu.memory_space<hbm>>
    %dma_wait3A_43 = tpu.memref_squeeze %dma_wait3A_42 : memref<1x1x2x125xi32, #tpu.memory_space<hbm>> -> memref<2x125xi32, #tpu.memory_space<hbm>>
    %dma_wait3A_44 = arith.constant 0 : i32
    %dma_wait3A_45 = arith.constant 0 : i32
    %dma_wait3A_46 = tpu.memref_slice %arg3[%add3A, %dma_wait3A_39, %dma_wait3A_44, %dma_wait3A_45] : memref<32x80x2x125xi32, #tpu.memory_space<hbm>> -> memref<1x1x2x125xi32, #tpu.memory_space<hbm>>
    %dma_wait3A_47 = tpu.memref_squeeze %dma_wait3A_46 : memref<1x1x2x125xi32, #tpu.memory_space<hbm>> -> memref<2x125xi32, #tpu.memory_space<hbm>>
    tpu.wait_dma2 semaphore(%arg12 : memref<!tpu.dma_semaphore, #tpu.memory_space<semaphore_mem>>) src(%dma_wait3A_47 : memref<2x125xi32, #tpu.memory_space<hbm>>) dst(%arg7 : memref<2x125xi32, #tpu.memory_space<vmem>>)
    %dma_start3A_48 = arith.constant 0 : i32
    %dma_start3A_49 = arith.constant 0 : i32
    %dma_start3A_50 = tpu.memref_slice %arg7[%dma_start3A_48, %dma_start3A_49] : memref<2x125xi32, #tpu.memory_space<vmem>> -> memref<1x125xi32, #tpu.memory_space<vmem>>
    %dma_start3A_51 = tpu.memref_squeeze %dma_start3A_50 : memref<1x125xi32, #tpu.memory_space<vmem>> -> memref<125xi32, #tpu.memory_space<vmem>>
    %dma_start3A_52 = arith.constant 0 : i32
    %dma_start3A_53 = arith.constant 0 : i32
    %dma_start3A_54 = tpu.memref_slice %arg2[%dma_start3A_52, %dma_start3A_53] : memref<10000x128xf32, #tpu.memory_space<hbm>> -> memref<10000x128xf32, #tpu.memory_space<hbm>>
    tpu.enqueue_indirect_dma source(%dma_start3A_54 : memref<10000x128xf32, #tpu.memory_space<hbm>>) target(%arg9 : memref<125x128xf32, #tpu.memory_space<vmem>>) offsets(%dma_start3A_51 : memref<125xi32, #tpu.memory_space<vmem>>) semaphore(%arg14 : memref<!tpu.dma_semaphore, #tpu.memory_space<semaphore_mem>>)
    %scan3A = arith.constant 0 : i32
    %scan3A_55 = arith.constant 80 : i32
    %scan3A_56 = arith.addi %scan3A, %scan3A_55 : i32
    %scan3A_57 = arith.constant 1 : i32
    scf.for %scan3A_72 = %scan3A to %scan3A_56 step %scan3A_57  : i32 {
      %jit3A = arith.constant 2 : i32
      %eq3A_73 = arith.constant 0 : i32
      %eq3A_74 = arith.cmpi eq, %jit3A, %eq3A_73 : i32
      %jit3A_75 = arith.constant 1 : i32
      %select_n3A = arith.select %eq3A_74, %jit3A_75, %jit3A : i32
      %rem3A = arith.remsi %scan3A_72, %select_n3A : i32
      %ne3A = arith.constant 0 : i32
      %ne3A_76 = arith.cmpi ne, %rem3A, %ne3A : i32
      %lt3A = arith.constant 0 : i32
      %lt3A_77 = arith.cmpi slt, %rem3A, %lt3A : i32
      %lt3A_78 = arith.constant 0 : i32
      %lt3A_79 = arith.cmpi slt, %select_n3A, %lt3A_78 : i32
      %ne3A_80 = arith.xori %lt3A_77, %lt3A_79 : i1
      %and3A = arith.andi %ne3A_80, %ne3A_76 : i1
      %add3A_81 = arith.addi %rem3A, %select_n3A : i32
      %select_n3A_82 = arith.select %and3A, %add3A_81, %rem3A : i32
      %eq3A_83 = arith.constant 0 : i32
      %eq3A_84 = arith.cmpi eq, %select_n3A_82, %eq3A_83 : i32
      %convert_element_type3A_85 = arith.extui %eq3A_84 : i1 to i32
      %cond3A_86 = arith.constant 0 : i32
      %cond3A_87 = arith.cmpi ne, %convert_element_type3A_85, %cond3A_86 : i32
      scf.if %cond3A_87 {
        %dma_wait3A_109 = arith.constant 0 : i32
        %dma_wait3A_110 = arith.constant 0 : i32
        %dma_wait3A_111 = tpu.memref_slice %arg6[%dma_wait3A_109, %dma_wait3A_110] : memref<2x125xi32, #tpu.memory_space<vmem>> -> memref<1x125xi32, #tpu.memory_space<vmem>>
        %dma_wait3A_112 = tpu.memref_squeeze %dma_wait3A_111 : memref<1x125xi32, #tpu.memory_space<vmem>> -> memref<125xi32, #tpu.memory_space<vmem>>
        %dma_wait3A_113 = arith.constant 0 : i32
        %dma_wait3A_114 = arith.constant 0 : i32
        %dma_wait3A_115 = tpu.memref_slice %arg2[%dma_wait3A_113, %dma_wait3A_114] : memref<10000x128xf32, #tpu.memory_space<hbm>> -> memref<10000x128xf32, #tpu.memory_space<hbm>>
        tpu.wait_indirect_dma semaphore(%arg13 : memref<!tpu.dma_semaphore, #tpu.memory_space<semaphore_mem>>) src(%dma_wait3A_115 : memref<10000x128xf32, #tpu.memory_space<hbm>>) dst(%arg8 : memref<125x128xf32, #tpu.memory_space<vmem>>)
        %run_scoped3A = arith.constant 1 : i32
        "tpu.region"() ({
          %run_scoped3A_123 = tpu.sem_alloc : memref<!tpu.dma_semaphore, #tpu.memory_space<semaphore_mem>>
          %dma_start3A_124 = arith.constant 0 : i32
          %dma_start3A_125 = tpu.memref_slice %arg6[%run_scoped3A, %dma_start3A_124] : memref<2x125xi32, #tpu.memory_space<vmem>> -> memref<1x125xi32, #tpu.memory_space<vmem>>
          %dma_start3A_126 = tpu.memref_squeeze %dma_start3A_125 : memref<1x125xi32, #tpu.memory_space<vmem>> -> memref<125xi32, #tpu.memory_space<vmem>>
          %dma_start3A_127 = arith.constant 0 : i32
          %dma_start3A_128 = arith.constant 0 : i32
          %dma_start3A_129 = tpu.memref_slice %arg10[%dma_start3A_127, %dma_start3A_128] : memref<10000x128xf32, #tpu.memory_space<vmem_shared>> -> memref<10000x128xf32, #tpu.memory_space<vmem_shared>>
          tpu.enqueue_indirect_dma source(%arg8 : memref<125x128xf32, #tpu.memory_space<vmem>>) target(%dma_start3A_129 : memref<10000x128xf32, #tpu.memory_space<vmem_shared>>) offsets(%dma_start3A_126 : memref<125xi32, #tpu.memory_space<vmem>>) semaphore(%run_scoped3A_123 : memref<!tpu.dma_semaphore, #tpu.memory_space<semaphore_mem>>) {add = true}
          %dma_wait3A_130 = arith.constant 0 : i32
          %dma_wait3A_131 = tpu.memref_slice %arg6[%run_scoped3A, %dma_wait3A_130] : memref<2x125xi32, #tpu.memory_space<vmem>> -> memref<1x125xi32, #tpu.memory_space<vmem>>
          %dma_wait3A_132 = tpu.memref_squeeze %dma_wait3A_131 : memref<1x125xi32, #tpu.memory_space<vmem>> -> memref<125xi32, #tpu.memory_space<vmem>>
          %dma_wait3A_133 = arith.constant 0 : i32
          %dma_wait3A_134 = arith.constant 0 : i32
          %dma_wait3A_135 = tpu.memref_slice %arg10[%dma_wait3A_133, %dma_wait3A_134] : memref<10000x128xf32, #tpu.memory_space<vmem_shared>> -> memref<10000x128xf32, #tpu.memory_space<vmem_shared>>
          tpu.wait_indirect_dma semaphore(%run_scoped3A_123 : memref<!tpu.dma_semaphore, #tpu.memory_space<semaphore_mem>>) src(%arg8 : memref<125x128xf32, #tpu.memory_space<vmem>>) dst(%dma_wait3A_135 : memref<10000x128xf32, #tpu.memory_space<vmem_shared>>)
          tpu.yield
        }) : () -> ()
        %add3A_116 = arith.constant 2 : i32
        %add3A_117 = arith.addi %scan3A_72, %add3A_116 : i32
        %lt3A_118 = arith.constant 80 : i32
        %lt3A_119 = arith.cmpi slt, %add3A_117, %lt3A_118 : i32
        %convert_element_type3A_120 = arith.extui %lt3A_119 : i1 to i32
        %cond3A_121 = arith.constant 0 : i32
        %cond3A_122 = arith.cmpi ne, %convert_element_type3A_120, %cond3A_121 : i32
        scf.if %cond3A_122 {
          %add3A_123 = arith.constant 2 : i32
          %add3A_124 = arith.addi %scan3A_72, %add3A_123 : i32
          %dma_start3A_125 = arith.constant 0 : i32
          %dma_start3A_126 = arith.constant 0 : i32
          %dma_start3A_127 = tpu.memref_slice %arg3[%add3A, %add3A_124, %dma_start3A_125, %dma_start3A_126] : memref<32x80x2x125xi32, #tpu.memory_space<hbm>> -> memref<1x1x2x125xi32, #tpu.memory_space<hbm>>
          %dma_start3A_128 = tpu.memref_squeeze %dma_start3A_127 : memref<1x1x2x125xi32, #tpu.memory_space<hbm>> -> memref<2x125xi32, #tpu.memory_space<hbm>>
          %dma_start3A_129 = arith.constant 0 : i32
          %dma_start3A_130 = arith.constant 0 : i32
          %dma_start3A_131 = tpu.memref_slice %arg3[%add3A, %add3A_124, %dma_start3A_129, %dma_start3A_130] : memref<32x80x2x125xi32, #tpu.memory_space<hbm>> -> memref<1x1x2x125xi32, #tpu.memory_space<hbm>>
          %dma_start3A_132 = tpu.memref_squeeze %dma_start3A_131 : memref<1x1x2x125xi32, #tpu.memory_space<hbm>> -> memref<2x125xi32, #tpu.memory_space<hbm>>
          tpu.enqueue_dma source(%dma_start3A_132 : memref<2x125xi32, #tpu.memory_space<hbm>>) target(%arg6 : memref<2x125xi32, #tpu.memory_space<vmem>>) target_semaphore(%arg11 : memref<!tpu.dma_semaphore, #tpu.memory_space<semaphore_mem>>)
          %add3A_133 = arith.constant 2 : i32
          %add3A_134 = arith.addi %scan3A_72, %add3A_133 : i32
          %dma_wait3A_135 = arith.constant 0 : i32
          %dma_wait3A_136 = arith.constant 0 : i32
          %dma_wait3A_137 = tpu.memref_slice %arg3[%add3A, %add3A_134, %dma_wait3A_135, %dma_wait3A_136] : memref<32x80x2x125xi32, #tpu.memory_space<hbm>> -> memref<1x1x2x125xi32, #tpu.memory_space<hbm>>
          %dma_wait3A_138 = tpu.memref_squeeze %dma_wait3A_137 : memref<1x1x2x125xi32, #tpu.memory_space<hbm>> -> memref<2x125xi32, #tpu.memory_space<hbm>>
          %dma_wait3A_139 = arith.constant 0 : i32
          %dma_wait3A_140 = arith.constant 0 : i32
          %dma_wait3A_141 = tpu.memref_slice %arg3[%add3A, %add3A_134, %dma_wait3A_139, %dma_wait3A_140] : memref<32x80x2x125xi32, #tpu.memory_space<hbm>> -> memref<1x1x2x125xi32, #tpu.memory_space<hbm>>
          %dma_wait3A_142 = tpu.memref_squeeze %dma_wait3A_141 : memref<1x1x2x125xi32, #tpu.memory_space<hbm>> -> memref<2x125xi32, #tpu.memory_space<hbm>>
          tpu.wait_dma2 semaphore(%arg11 : memref<!tpu.dma_semaphore, #tpu.memory_space<semaphore_mem>>) src(%dma_wait3A_142 : memref<2x125xi32, #tpu.memory_space<hbm>>) dst(%arg6 : memref<2x125xi32, #tpu.memory_space<vmem>>)
          %add3A_143 = arith.constant 2 : i32
          %add3A_144 = arith.addi %scan3A_72, %add3A_143 : i32
          %dma_start3A_145 = arith.constant 0 : i32
          %dma_start3A_146 = arith.constant 0 : i32
          %dma_start3A_147 = tpu.memref_slice %arg6[%dma_start3A_145, %dma_start3A_146] : memref<2x125xi32, #tpu.memory_space<vmem>> -> memref<1x125xi32, #tpu.memory_space<vmem>>
          %dma_start3A_148 = tpu.memref_squeeze %dma_start3A_147 : memref<1x125xi32, #tpu.memory_space<vmem>> -> memref<125xi32, #tpu.memory_space<vmem>>
          %dma_start3A_149 = arith.constant 0 : i32
          %dma_start3A_150 = arith.constant 0 : i32
          %dma_start3A_151 = tpu.memref_slice %arg2[%dma_start3A_149, %dma_start3A_150] : memref<10000x128xf32, #tpu.memory_space<hbm>> -> memref<10000x128xf32, #tpu.memory_space<hbm>>
          tpu.enqueue_indirect_dma source(%dma_start3A_151 : memref<10000x128xf32, #tpu.memory_space<hbm>>) target(%arg8 : memref<125x128xf32, #tpu.memory_space<vmem>>) offsets(%dma_start3A_148 : memref<125xi32, #tpu.memory_space<vmem>>) semaphore(%arg13 : memref<!tpu.dma_semaphore, #tpu.memory_space<semaphore_mem>>)
        } else {
        }
      } else {
      }
      %jit3A_88 = arith.constant 2 : i32
      %eq3A_89 = arith.constant 0 : i32
      %eq3A_90 = arith.cmpi eq, %jit3A_88, %eq3A_89 : i32
      %jit3A_91 = arith.constant 1 : i32
      %select_n3A_92 = arith.select %eq3A_90, %jit3A_91, %jit3A_88 : i32
      %rem3A_93 = arith.remsi %scan3A_72, %select_n3A_92 : i32
      %ne3A_94 = arith.constant 0 : i32
      %ne3A_95 = arith.cmpi ne, %rem3A_93, %ne3A_94 : i32
      %lt3A_96 = arith.constant 0 : i32
      %lt3A_97 = arith.cmpi slt, %rem3A_93, %lt3A_96 : i32
      %lt3A_98 = arith.constant 0 : i32
      %lt3A_99 = arith.cmpi slt, %select_n3A_92, %lt3A_98 : i32
      %ne3A_100 = arith.xori %lt3A_97, %lt3A_99 : i1
      %and3A_101 = arith.andi %ne3A_100, %ne3A_95 : i1
      %add3A_102 = arith.addi %rem3A_93, %select_n3A_92 : i32
      %select_n3A_103 = arith.select %and3A_101, %add3A_102, %rem3A_93 : i32
      %eq3A_104 = arith.constant 1 : i32
      %eq3A_105 = arith.cmpi eq, %select_n3A_103, %eq3A_104 : i32
      %convert_element_type3A_106 = arith.extui %eq3A_105 : i1 to i32
      %cond3A_107 = arith.constant 0 : i32
      %cond3A_108 = arith.cmpi ne, %convert_element_type3A_106, %cond3A_107 : i32
      scf.if %cond3A_108 {
        %dma_wait3A_109 = arith.constant 0 : i32
        %dma_wait3A_110 = arith.constant 0 : i32
        %dma_wait3A_111 = tpu.memref_slice %arg7[%dma_wait3A_109, %dma_wait3A_110] : memref<2x125xi32, #tpu.memory_space<vmem>> -> memref<1x125xi32, #tpu.memory_space<vmem>>
        %dma_wait3A_112 = tpu.memref_squeeze %dma_wait3A_111 : memref<1x125xi32, #tpu.memory_space<vmem>> -> memref<125xi32, #tpu.memory_space<vmem>>
        %dma_wait3A_113 = arith.constant 0 : i32
        %dma_wait3A_114 = arith.constant 0 : i32
        %dma_wait3A_115 = tpu.memref_slice %arg2[%dma_wait3A_113, %dma_wait3A_114] : memref<10000x128xf32, #tpu.memory_space<hbm>> -> memref<10000x128xf32, #tpu.memory_space<hbm>>
        tpu.wait_indirect_dma semaphore(%arg14 : memref<!tpu.dma_semaphore, #tpu.memory_space<semaphore_mem>>) src(%dma_wait3A_115 : memref<10000x128xf32, #tpu.memory_space<hbm>>) dst(%arg9 : memref<125x128xf32, #tpu.memory_space<vmem>>)
        %run_scoped3A = arith.constant 1 : i32
        "tpu.region"() ({
          %run_scoped3A_123 = tpu.sem_alloc : memref<!tpu.dma_semaphore, #tpu.memory_space<semaphore_mem>>
          %dma_start3A_124 = arith.constant 0 : i32
          %dma_start3A_125 = tpu.memref_slice %arg7[%run_scoped3A, %dma_start3A_124] : memref<2x125xi32, #tpu.memory_space<vmem>> -> memref<1x125xi32, #tpu.memory_space<vmem>>
          %dma_start3A_126 = tpu.memref_squeeze %dma_start3A_125 : memref<1x125xi32, #tpu.memory_space<vmem>> -> memref<125xi32, #tpu.memory_space<vmem>>
          %dma_start3A_127 = arith.constant 0 : i32
          %dma_start3A_128 = arith.constant 0 : i32
          %dma_start3A_129 = tpu.memref_slice %arg10[%dma_start3A_127, %dma_start3A_128] : memref<10000x128xf32, #tpu.memory_space<vmem_shared>> -> memref<10000x128xf32, #tpu.memory_space<vmem_shared>>
          tpu.enqueue_indirect_dma source(%arg9 : memref<125x128xf32, #tpu.memory_space<vmem>>) target(%dma_start3A_129 : memref<10000x128xf32, #tpu.memory_space<vmem_shared>>) offsets(%dma_start3A_126 : memref<125xi32, #tpu.memory_space<vmem>>) semaphore(%run_scoped3A_123 : memref<!tpu.dma_semaphore, #tpu.memory_space<semaphore_mem>>) {add = true}
          %dma_wait3A_130 = arith.constant 0 : i32
          %dma_wait3A_131 = tpu.memref_slice %arg7[%run_scoped3A, %dma_wait3A_130] : memref<2x125xi32, #tpu.memory_space<vmem>> -> memref<1x125xi32, #tpu.memory_space<vmem>>
          %dma_wait3A_132 = tpu.memref_squeeze %dma_wait3A_131 : memref<1x125xi32, #tpu.memory_space<vmem>> -> memref<125xi32, #tpu.memory_space<vmem>>
          %dma_wait3A_133 = arith.constant 0 : i32
          %dma_wait3A_134 = arith.constant 0 : i32
          %dma_wait3A_135 = tpu.memref_slice %arg10[%dma_wait3A_133, %dma_wait3A_134] : memref<10000x128xf32, #tpu.memory_space<vmem_shared>> -> memref<10000x128xf32, #tpu.memory_space<vmem_shared>>
          tpu.wait_indirect_dma semaphore(%run_scoped3A_123 : memref<!tpu.dma_semaphore, #tpu.memory_space<semaphore_mem>>) src(%arg9 : memref<125x128xf32, #tpu.memory_space<vmem>>) dst(%dma_wait3A_135 : memref<10000x128xf32, #tpu.memory_space<vmem_shared>>)
          tpu.yield
        }) : () -> ()
        %add3A_116 = arith.constant 2 : i32
        %add3A_117 = arith.addi %scan3A_72, %add3A_116 : i32
        %lt3A_118 = arith.constant 80 : i32
        %lt3A_119 = arith.cmpi slt, %add3A_117, %lt3A_118 : i32
        %convert_element_type3A_120 = arith.extui %lt3A_119 : i1 to i32
        %cond3A_121 = arith.constant 0 : i32
        %cond3A_122 = arith.cmpi ne, %convert_element_type3A_120, %cond3A_121 : i32
        scf.if %cond3A_122 {
          %add3A_123 = arith.constant 2 : i32
          %add3A_124 = arith.addi %scan3A_72, %add3A_123 : i32
          %dma_start3A_125 = arith.constant 0 : i32
          %dma_start3A_126 = arith.constant 0 : i32
          %dma_start3A_127 = tpu.memref_slice %arg3[%add3A, %add3A_124, %dma_start3A_125, %dma_start3A_126] : memref<32x80x2x125xi32, #tpu.memory_space<hbm>> -> memref<1x1x2x125xi32, #tpu.memory_space<hbm>>
          %dma_start3A_128 = tpu.memref_squeeze %dma_start3A_127 : memref<1x1x2x125xi32, #tpu.memory_space<hbm>> -> memref<2x125xi32, #tpu.memory_space<hbm>>
          %dma_start3A_129 = arith.constant 0 : i32
          %dma_start3A_130 = arith.constant 0 : i32
          %dma_start3A_131 = tpu.memref_slice %arg3[%add3A, %add3A_124, %dma_start3A_129, %dma_start3A_130] : memref<32x80x2x125xi32, #tpu.memory_space<hbm>> -> memref<1x1x2x125xi32, #tpu.memory_space<hbm>>
          %dma_start3A_132 = tpu.memref_squeeze %dma_start3A_131 : memref<1x1x2x125xi32, #tpu.memory_space<hbm>> -> memref<2x125xi32, #tpu.memory_space<hbm>>
          tpu.enqueue_dma source(%dma_start3A_132 : memref<2x125xi32, #tpu.memory_space<hbm>>) target(%arg7 : memref<2x125xi32, #tpu.memory_space<vmem>>) target_semaphore(%arg12 : memref<!tpu.dma_semaphore, #tpu.memory_space<semaphore_mem>>)
          %add3A_133 = arith.constant 2 : i32
          %add3A_134 = arith.addi %scan3A_72, %add3A_133 : i32
          %dma_wait3A_135 = arith.constant 0 : i32
          %dma_wait3A_136 = arith.constant 0 : i32
          %dma_wait3A_137 = tpu.memref_slice %arg3[%add3A, %add3A_134, %dma_wait3A_135, %dma_wait3A_136] : memref<32x80x2x125xi32, #tpu.memory_space<hbm>> -> memref<1x1x2x125xi32, #tpu.memory_space<hbm>>
          %dma_wait3A_138 = tpu.memref_squeeze %dma_wait3A_137 : memref<1x1x2x125xi32, #tpu.memory_space<hbm>> -> memref<2x125xi32, #tpu.memory_space<hbm>>
          %dma_wait3A_139 = arith.constant 0 : i32
          %dma_wait3A_140 = arith.constant 0 : i32
          %dma_wait3A_141 = tpu.memref_slice %arg3[%add3A, %add3A_134, %dma_wait3A_139, %dma_wait3A_140] : memref<32x80x2x125xi32, #tpu.memory_space<hbm>> -> memref<1x1x2x125xi32, #tpu.memory_space<hbm>>
          %dma_wait3A_142 = tpu.memref_squeeze %dma_wait3A_141 : memref<1x1x2x125xi32, #tpu.memory_space<hbm>> -> memref<2x125xi32, #tpu.memory_space<hbm>>
          tpu.wait_dma2 semaphore(%arg12 : memref<!tpu.dma_semaphore, #tpu.memory_space<semaphore_mem>>) src(%dma_wait3A_142 : memref<2x125xi32, #tpu.memory_space<hbm>>) dst(%arg7 : memref<2x125xi32, #tpu.memory_space<vmem>>)
          %add3A_143 = arith.constant 2 : i32
          %add3A_144 = arith.addi %scan3A_72, %add3A_143 : i32
          %dma_start3A_145 = arith.constant 0 : i32
          %dma_start3A_146 = arith.constant 0 : i32
          %dma_start3A_147 = tpu.memref_slice %arg7[%dma_start3A_145, %dma_start3A_146] : memref<2x125xi32, #tpu.memory_space<vmem>> -> memref<1x125xi32, #tpu.memory_space<vmem>>
          %dma_start3A_148 = tpu.memref_squeeze %dma_start3A_147 : memref<1x125xi32, #tpu.memory_space<vmem>> -> memref<125xi32, #tpu.memory_space<vmem>>
          %dma_start3A_149 = arith.constant 0 : i32
          %dma_start3A_150 = arith.constant 0 : i32
          %dma_start3A_151 = tpu.memref_slice %arg2[%dma_start3A_149, %dma_start3A_150] : memref<10000x128xf32, #tpu.memory_space<hbm>> -> memref<10000x128xf32, #tpu.memory_space<hbm>>
          tpu.enqueue_indirect_dma source(%dma_start3A_151 : memref<10000x128xf32, #tpu.memory_space<hbm>>) target(%arg9 : memref<125x128xf32, #tpu.memory_space<vmem>>) offsets(%dma_start3A_148 : memref<125xi32, #tpu.memory_space<vmem>>) semaphore(%arg14 : memref<!tpu.dma_semaphore, #tpu.memory_space<semaphore_mem>>)
        } else {
        }
      } else {
      }
    }
    %scan3A_58 = arith.constant 80 : i32
    %barrier3A_59 = arith.constant 0 : index
    tpu.barrier barrier_id(%barrier3A_59)
    %mul3A_60 = arith.constant 624 : i32
    %mul3A_61 = arith.muli %arg1, %mul3A_60 : i32
    %mul3A_62 = arith.constant 10000 : i32
    %mul3A_63 = arith.muli %arg0, %mul3A_62 : i32
    %mul3A_64 = arith.constant 624 : i32
    %mul3A_65 = arith.muli %arg1, %mul3A_64 : i32
    %add3A_66 = arith.addi %mul3A_63, %mul3A_65 : i32
    "tpu.region"() ({
      %run_scoped3A = tpu.sem_alloc : memref<!tpu.dma_semaphore, #tpu.memory_space<semaphore_mem>>
      %dma_start3A_72 = arith.constant 0 : i32
      %dma_start3A_73 = tpu.memref_slice %arg5[%add3A_66, %dma_start3A_72] : memref<20000x128xf32, #tpu.memory_space<hbm>> -> memref<624x128xf32, #tpu.memory_space<hbm>>
      %dma_start3A_74 = arith.constant 0 : i32
      %dma_start3A_75 = tpu.memref_slice %arg10[%mul3A_61, %dma_start3A_74] : memref<10000x128xf32, #tpu.memory_space<vmem_shared>> -> memref<624x128xf32, #tpu.memory_space<vmem_shared>>
      tpu.enqueue_dma source(%dma_start3A_75 : memref<624x128xf32, #tpu.memory_space<vmem_shared>>) target(%dma_start3A_73 : memref<624x128xf32, #tpu.memory_space<hbm>>) target_semaphore(%run_scoped3A : memref<!tpu.dma_semaphore, #tpu.memory_space<semaphore_mem>>)
      %dma_wait3A_76 = arith.constant 0 : i32
      %dma_wait3A_77 = tpu.memref_slice %arg5[%add3A_66, %dma_wait3A_76] : memref<20000x128xf32, #tpu.memory_space<hbm>> -> memref<624x128xf32, #tpu.memory_space<hbm>>
      %dma_wait3A_78 = arith.constant 0 : i32
      %dma_wait3A_79 = tpu.memref_slice %arg10[%mul3A_61, %dma_wait3A_78] : memref<10000x128xf32, #tpu.memory_space<vmem_shared>> -> memref<624x128xf32, #tpu.memory_space<vmem_shared>>
      tpu.wait_dma2 semaphore(%run_scoped3A : memref<!tpu.dma_semaphore, #tpu.memory_space<semaphore_mem>>) src(%dma_wait3A_79 : memref<624x128xf32, #tpu.memory_space<vmem_shared>>) dst(%dma_wait3A_77 : memref<624x128xf32, #tpu.memory_space<hbm>>)
      tpu.yield
    }) : () -> ()
    %eq3A_67 = arith.constant 15 : i32
    %eq3A_68 = arith.cmpi eq, %arg1, %eq3A_67 : i32
    %convert_element_type3A_69 = arith.extui %eq3A_68 : i1 to i32
    %cond3A_70 = arith.constant 0 : i32
    %cond3A_71 = arith.cmpi ne, %convert_element_type3A_69, %cond3A_70 : i32
    scf.if %cond3A_71 {
      %mul3A_72 = arith.constant 10000 : i32
      %mul3A_73 = arith.muli %arg0, %mul3A_72 : i32
      %add3A_74 = arith.constant 9984 : i32
      %add3A_75 = arith.addi %mul3A_73, %add3A_74 : i32
      "tpu.region"() ({
        %run_scoped3A = tpu.sem_alloc : memref<!tpu.dma_semaphore, #tpu.memory_space<semaphore_mem>>
        %dma_start3A_76 = arith.constant 0 : i32
        %dma_start3A_77 = tpu.memref_slice %arg5[%add3A_75, %dma_start3A_76] : memref<20000x128xf32, #tpu.memory_space<hbm>> -> memref<16x128xf32, #tpu.memory_space<hbm>>
        %dma_start3A_78 = arith.constant 9984 : i32
        %dma_start3A_79 = arith.constant 0 : i32
        %dma_start3A_80 = tpu.memref_slice %arg10[%dma_start3A_78, %dma_start3A_79] : memref<10000x128xf32, #tpu.memory_space<vmem_shared>> -> memref<16x128xf32, #tpu.memory_space<vmem_shared>>
        tpu.enqueue_dma source(%dma_start3A_80 : memref<16x128xf32, #tpu.memory_space<vmem_shared>>) target(%dma_start3A_77 : memref<16x128xf32, #tpu.memory_space<hbm>>) target_semaphore(%run_scoped3A : memref<!tpu.dma_semaphore, #tpu.memory_space<semaphore_mem>>)
        %dma_wait3A_81 = arith.constant 0 : i32
        %dma_wait3A_82 = tpu.memref_slice %arg5[%add3A_75, %dma_wait3A_81] : memref<20000x128xf32, #tpu.memory_space<hbm>> -> memref<16x128xf32, #tpu.memory_space<hbm>>
        %dma_wait3A_83 = arith.constant 9984 : i32
        %dma_wait3A_84 = arith.constant 0 : i32
        %dma_wait3A_85 = tpu.memref_slice %arg10[%dma_wait3A_83, %dma_wait3A_84] : memref<10000x128xf32, #tpu.memory_space<vmem_shared>> -> memref<16x128xf32, #tpu.memory_space<vmem_shared>>
        tpu.wait_dma2 semaphore(%run_scoped3A : memref<!tpu.dma_semaphore, #tpu.memory_space<semaphore_mem>>) src(%dma_wait3A_85 : memref<16x128xf32, #tpu.memory_space<vmem_shared>>) dst(%dma_wait3A_82 : memref<16x128xf32, #tpu.memory_space<hbm>>)
        tpu.yield
      }) : () -> ()
    } else {
    }
    return
  }
}

module attributes {stable_mosaic.version = 14 : i64} {
  func.func @_tc0_body(%arg0: i32, %arg1: memref<1000x128xf32, #tpu.memory_space<vmem>>, %arg2: memref<128x64xf32, #tpu.memory_space<vmem>>, %arg3: memref<128x64xf32, #tpu.memory_space<vmem>>, %arg4: memref<1x64xf32, #tpu.memory_space<vmem>>, %arg5: memref<1000x128xf32, #tpu.memory_space<vmem>>, %arg6: memref<1000x64xf32, #tpu.memory_space<vmem>>) attributes {dimension_semantics = [#tpu.dimension_semantics<arbitrary>], iteration_bounds = array<i64: 10>, scalar_prefetch = 0 : i64, scratch_operands = 0 : i64, tpu.core_type = #tpu.core_type<tc>, window_params = [{transform_indices = @transform_0, window_bounds = array<i64: 1000, 128>}, {pipeline_mode = #tpu.pipeline_mode<synchronous>, transform_indices = @transform_1, window_bounds = array<i64: 128, 64>}, {pipeline_mode = #tpu.pipeline_mode<synchronous>, transform_indices = @transform_2, window_bounds = array<i64: 128, 64>}, {pipeline_mode = #tpu.pipeline_mode<synchronous>, transform_indices = @transform_3, window_bounds = array<i64: 1, 64>}, {transform_indices = @transform_4, window_bounds = array<i64: 1000, 128>}, {transform_indices = @transform_5, window_bounds = array<i64: 1000, 64>}]} {
    %get3A = arith.constant 0 : index
    %get3A_0 = arith.constant 0 : index
    %get3A_1 = vector.load %arg1[%get3A, %get3A_0] : memref<1000x128xf32, #tpu.memory_space<vmem>>, vector<1000x128xf32>
    %get3A_2 = arith.constant 0 : index
    %get3A_3 = arith.constant 0 : index
    %get3A_4 = vector.load %arg2[%get3A_2, %get3A_3] : memref<128x64xf32, #tpu.memory_space<vmem>>, vector<128x64xf32>
    %dot_general3A = arith.constant dense<0.000000e+00> : vector<1000x64xf32>
    %dot_general3A_5 = tpu.matmul %get3A_1, %get3A_4, %dot_general3A {dimension_numbers = #tpu.dot_dimension_numbers<[1], [0], [0], [1], [0, 0, 1, 1], [], []>, transpose_lhs_hint = false} : vector<1000x128xf32>, vector<128x64xf32>, vector<1000x64xf32> -> vector<1000x64xf32>
    %broadcast_in_dim3A = arith.constant 1.000000e+00 : f32
    %broadcast_in_dim3A_6 = vector.broadcast %broadcast_in_dim3A : f32 to vector<1000x64xf32>
    %concatenate3A = tpu.concatenate %dot_general3A_5, %broadcast_in_dim3A_6 in 1 : vector<1000x64xf32>, vector<1000x64xf32> -> vector<1000x128xf32>
    %swap3A = arith.constant 0 : index
    %swap3A_7 = arith.constant 0 : index
    %swap3A_8 = vector.load %arg5[%swap3A, %swap3A_7] : memref<1000x128xf32, #tpu.memory_space<vmem>>, vector<1000x128xf32>
    tpu.vector_store %arg5[%swap3A, %swap3A_7], %concatenate3A {strides = array<i32>} : memref<1000x128xf32, #tpu.memory_space<vmem>>, vector<1000x128xf32>,
    %get3A_9 = arith.constant 0 : index
    %get3A_10 = arith.constant 0 : index
    %get3A_11 = vector.load %arg3[%get3A_9, %get3A_10] : memref<128x64xf32, #tpu.memory_space<vmem>>, vector<128x64xf32>
    %dot_general3A_12 = arith.constant dense<0.000000e+00> : vector<1000x64xf32>
    %dot_general3A_13 = tpu.matmul %get3A_1, %get3A_11, %dot_general3A_12 {dimension_numbers = #tpu.dot_dimension_numbers<[1], [0], [0], [1], [0, 0, 1, 1], [], []>, transpose_lhs_hint = false} : vector<1000x128xf32>, vector<128x64xf32>, vector<1000x64xf32> -> vector<1000x64xf32>
    %get3A_14 = arith.constant 0 : index
    %get3A_15 = arith.constant 0 : index
    %get3A_16 = vector.load %arg4[%get3A_14, %get3A_15] : memref<1x64xf32, #tpu.memory_space<vmem>>, vector<1x64xf32>
    %add3A = vector.broadcast %get3A_16 : vector<1x64xf32> to vector<1000x64xf32>
    %add3A_17 = arith.addf %dot_general3A_13, %add3A : vector<1000x64xf32>
    %swap3A_18 = arith.constant 0 : index
    %swap3A_19 = arith.constant 0 : index
    %swap3A_20 = vector.load %arg6[%swap3A_18, %swap3A_19] : memref<1000x64xf32, #tpu.memory_space<vmem>>, vector<1000x64xf32>
    tpu.vector_store %arg6[%swap3A_18, %swap3A_19], %add3A_17 {strides = array<i32>} : memref<1000x64xf32, #tpu.memory_space<vmem>>, vector<1000x64xf32>,
    return
  }
  func.func @transform_0(%arg0: i32) -> (i32, i32) {
    %c0_i32 = arith.constant 0 : i32
    %c0_i32_0 = arith.constant 0 : i32
    return %arg0, %c0_i32 : i32, i32
  }
  func.func @transform_1(%arg0: i32) -> (i32, i32) {
    %c0_i32 = arith.constant 0 : i32
    %c0_i32_0 = arith.constant 0 : i32
    %c0_i32_1 = arith.constant 0 : i32
    return %c0_i32, %c0_i32_0 : i32, i32
  }
  func.func @transform_2(%arg0: i32) -> (i32, i32) {
    %c0_i32 = arith.constant 0 : i32
    %c0_i32_0 = arith.constant 0 : i32
    %c0_i32_1 = arith.constant 0 : i32
    return %c0_i32, %c0_i32_0 : i32, i32
  }
  func.func @transform_3(%arg0: i32) -> (i32, i32) {
    %c0_i32 = arith.constant 0 : i32
    %c0_i32_0 = arith.constant 0 : i32
    %c0_i32_1 = arith.constant 0 : i32
    return %c0_i32, %c0_i32_0 : i32, i32
  }
  func.func @transform_4(%arg0: i32) -> (i32, i32) {
    %c0_i32 = arith.constant 0 : i32
    %c0_i32_0 = arith.constant 0 : i32
    return %arg0, %c0_i32 : i32, i32
  }
  func.func @transform_5(%arg0: i32) -> (i32, i32) {
    %c0_i32 = arith.constant 0 : i32
    %c0_i32_0 = arith.constant 0 : i32
    return %arg0, %c0_i32 : i32, i32
  }
}

module attributes {stable_mosaic.version = 14 : i64} {
  func.func @_tcmid_body(%arg0: i32, %arg1: memref<1000x128xf32, #tpu.memory_space<vmem>>, %arg2: memref<1000x128xf32, #tpu.memory_space<vmem>>, %arg3: memref<1000x16xf32, #tpu.memory_space<vmem>>, %arg4: memref<1000x16xf32, #tpu.memory_space<vmem>>, %arg5: memref<1000x64xf32, #tpu.memory_space<vmem>>, %arg6: memref<64x64xf32, #tpu.memory_space<vmem>>, %arg7: memref<64x64xf32, #tpu.memory_space<vmem>>, %arg8: memref<1x64xf32, #tpu.memory_space<vmem>>, %arg9: memref<1000x128xf32, #tpu.memory_space<vmem>>, %arg10: memref<1000x64xf32, #tpu.memory_space<vmem>>) attributes {dimension_semantics = [#tpu.dimension_semantics<arbitrary>], iteration_bounds = array<i64: 10>, scalar_prefetch = 0 : i64, scratch_operands = 0 : i64, tpu.core_type = #tpu.core_type<tc>, window_params = [{transform_indices = @transform_0, window_bounds = array<i64: 1000, 128>}, {transform_indices = @transform_1, window_bounds = array<i64: 1000, 128>}, {transform_indices = @transform_2, window_bounds = array<i64: 1000, 16>}, {transform_indices = @transform_3, window_bounds = array<i64: 1000, 16>}, {transform_indices = @transform_4, window_bounds = array<i64: 1000, 64>}, {pipeline_mode = #tpu.pipeline_mode<synchronous>, transform_indices = @transform_5, window_bounds = array<i64: 64, 64>}, {pipeline_mode = #tpu.pipeline_mode<synchronous>, transform_indices = @transform_6, window_bounds = array<i64: 64, 64>}, {pipeline_mode = #tpu.pipeline_mode<synchronous>, transform_indices = @transform_7, window_bounds = array<i64: 1, 64>}, {transform_indices = @transform_8, window_bounds = array<i64: 1000, 128>}, {transform_indices = @transform_9, window_bounds = array<i64: 1000, 64>}]} {
    %get3A = arith.constant 0 : index
    %get3A_0 = arith.constant 0 : index
    %get3A_1 = vector.load %arg3[%get3A, %get3A_0] : memref<1000x16xf32, #tpu.memory_space<vmem>>, vector<1000x16xf32>
    %slice3A = vector.extract_strided_slice %get3A_1 {offsets = [0, 0], sizes = [1000, 1], strides = [1, 1]} : vector<1000x16xf32> to vector<1000x1xf32>
    %get3A_2 = arith.constant 0 : index
    %get3A_3 = arith.constant 0 : index
    %get3A_4 = vector.load %arg4[%get3A_2, %get3A_3] : memref<1000x16xf32, #tpu.memory_space<vmem>>, vector<1000x16xf32>
    %slice3A_5 = vector.extract_strided_slice %get3A_4 {offsets = [0, 0], sizes = [1000, 1], strides = [1, 1]} : vector<1000x16xf32> to vector<1000x1xf32>
    %add3A = arith.addf %slice3A, %slice3A_5 : vector<1000x1xf32>
    %max3A = arith.constant 1.000000e+00 : f32
    %max3A_6 = vector.broadcast %max3A : f32 to vector<1000x1xf32>
    %max3A_7 = arith.maximumf %add3A, %max3A_6 : vector<1000x1xf32>
    %div3A = arith.constant 1.000000e+00 : f32
    %div3A_8 = vector.broadcast %div3A : f32 to vector<1000x1xf32>
    %div3A_9 = arith.divf %div3A_8, %max3A_7 : vector<1000x1xf32>
    %get3A_10 = arith.constant 0 : index
    %get3A_11 = arith.constant 0 : index
    %get3A_12 = vector.load %arg1[%get3A_10, %get3A_11] : memref<1000x128xf32, #tpu.memory_space<vmem>>, vector<1000x128xf32>
    %slice3A_13 = vector.extract_strided_slice %get3A_12 {offsets = [0, 0], sizes = [1000, 64], strides = [1, 1]} : vector<1000x128xf32> to vector<1000x64xf32>
    %get3A_14 = arith.constant 0 : index
    %get3A_15 = arith.constant 0 : index
    %get3A_16 = vector.load %arg2[%get3A_14, %get3A_15] : memref<1000x128xf32, #tpu.memory_space<vmem>>, vector<1000x128xf32>
    %slice3A_17 = vector.extract_strided_slice %get3A_16 {offsets = [0, 0], sizes = [1000, 64], strides = [1, 1]} : vector<1000x128xf32> to vector<1000x64xf32>
    %add3A_18 = arith.addf %slice3A_13, %slice3A_17 : vector<1000x64xf32>
    %mul3A = vector.broadcast %div3A_9 : vector<1000x1xf32> to vector<1000x64xf32>
    %mul3A_19 = arith.mulf %add3A_18, %mul3A : vector<1000x64xf32>
    %get3A_20 = arith.constant 0 : index
    %get3A_21 = arith.constant 0 : index
    %get3A_22 = vector.load %arg5[%get3A_20, %get3A_21] : memref<1000x64xf32, #tpu.memory_space<vmem>>, vector<1000x64xf32>
    %add3A_23 = arith.addf %mul3A_19, %get3A_22 : vector<1000x64xf32>
    %max3A_24 = arith.constant 0.000000e+00 : f32
    %max3A_25 = vector.broadcast %max3A_24 : f32 to vector<1000x64xf32>
    %max3A_26 = arith.maximumf %add3A_23, %max3A_25 : vector<1000x64xf32>
    %get3A_27 = arith.constant 0 : index
    %get3A_28 = arith.constant 0 : index
    %get3A_29 = vector.load %arg6[%get3A_27, %get3A_28] : memref<64x64xf32, #tpu.memory_space<vmem>>, vector<64x64xf32>
    %dot_general3A = arith.constant dense<0.000000e+00> : vector<1000x64xf32>
    %dot_general3A_30 = tpu.matmul %max3A_26, %get3A_29, %dot_general3A {dimension_numbers = #tpu.dot_dimension_numbers<[1], [0], [0], [1], [0, 0, 1, 1], [], []>, transpose_lhs_hint = false} : vector<1000x64xf32>, vector<64x64xf32>, vector<1000x64xf32> -> vector<1000x64xf32>
    %broadcast_in_dim3A = arith.constant 0.000000e+00 : f32
    %broadcast_in_dim3A_31 = vector.broadcast %broadcast_in_dim3A : f32 to vector<1000x64xf32>
    %concatenate3A = tpu.concatenate %dot_general3A_30, %broadcast_in_dim3A_31 in 1 : vector<1000x64xf32>, vector<1000x64xf32> -> vector<1000x128xf32>
    %swap3A = arith.constant 0 : index
    %swap3A_32 = arith.constant 0 : index
    %swap3A_33 = vector.load %arg9[%swap3A, %swap3A_32] : memref<1000x128xf32, #tpu.memory_space<vmem>>, vector<1000x128xf32>
    tpu.vector_store %arg9[%swap3A, %swap3A_32], %concatenate3A {strides = array<i32>} : memref<1000x128xf32, #tpu.memory_space<vmem>>, vector<1000x128xf32>,
    %get3A_34 = arith.constant 0 : index
    %get3A_35 = arith.constant 0 : index
    %get3A_36 = vector.load %arg7[%get3A_34, %get3A_35] : memref<64x64xf32, #tpu.memory_space<vmem>>, vector<64x64xf32>
    %dot_general3A_37 = arith.constant dense<0.000000e+00> : vector<1000x64xf32>
    %dot_general3A_38 = tpu.matmul %max3A_26, %get3A_36, %dot_general3A_37 {dimension_numbers = #tpu.dot_dimension_numbers<[1], [0], [0], [1], [0, 0, 1, 1], [], []>, transpose_lhs_hint = false} : vector<1000x64xf32>, vector<64x64xf32>, vector<1000x64xf32> -> vector<1000x64xf32>
    %get3A_39 = arith.constant 0 : index
    %get3A_40 = arith.constant 0 : index
    %get3A_41 = vector.load %arg8[%get3A_39, %get3A_40] : memref<1x64xf32, #tpu.memory_space<vmem>>, vector<1x64xf32>
    %add3A_42 = vector.broadcast %get3A_41 : vector<1x64xf32> to vector<1000x64xf32>
    %add3A_43 = arith.addf %dot_general3A_38, %add3A_42 : vector<1000x64xf32>
    %swap3A_44 = arith.constant 0 : index
    %swap3A_45 = arith.constant 0 : index
    %swap3A_46 = vector.load %arg10[%swap3A_44, %swap3A_45] : memref<1000x64xf32, #tpu.memory_space<vmem>>, vector<1000x64xf32>
    tpu.vector_store %arg10[%swap3A_44, %swap3A_45], %add3A_43 {strides = array<i32>} : memref<1000x64xf32, #tpu.memory_space<vmem>>, vector<1000x64xf32>,
    return
  }
  func.func @transform_0(%arg0: i32) -> (i32, i32) {
    %c0_i32 = arith.constant 0 : i32
    %c0_i32_0 = arith.constant 0 : i32
    return %arg0, %c0_i32 : i32, i32
  }
  func.func @transform_1(%arg0: i32) -> (i32, i32) {
    %c0_i32 = arith.constant 0 : i32
    %c0_i32_0 = arith.constant 0 : i32
    return %arg0, %c0_i32 : i32, i32
  }
  func.func @transform_2(%arg0: i32) -> (i32, i32) {
    %c0_i32 = arith.constant 0 : i32
    %c0_i32_0 = arith.constant 0 : i32
    return %arg0, %c0_i32 : i32, i32
  }
  func.func @transform_3(%arg0: i32) -> (i32, i32) {
    %c0_i32 = arith.constant 0 : i32
    %c0_i32_0 = arith.constant 0 : i32
    return %arg0, %c0_i32 : i32, i32
  }
  func.func @transform_4(%arg0: i32) -> (i32, i32) {
    %c0_i32 = arith.constant 0 : i32
    %c0_i32_0 = arith.constant 0 : i32
    return %arg0, %c0_i32 : i32, i32
  }
  func.func @transform_5(%arg0: i32) -> (i32, i32) {
    %c0_i32 = arith.constant 0 : i32
    %c0_i32_0 = arith.constant 0 : i32
    %c0_i32_1 = arith.constant 0 : i32
    return %c0_i32, %c0_i32_0 : i32, i32
  }
  func.func @transform_6(%arg0: i32) -> (i32, i32) {
    %c0_i32 = arith.constant 0 : i32
    %c0_i32_0 = arith.constant 0 : i32
    %c0_i32_1 = arith.constant 0 : i32
    return %c0_i32, %c0_i32_0 : i32, i32
  }
  func.func @transform_7(%arg0: i32) -> (i32, i32) {
    %c0_i32 = arith.constant 0 : i32
    %c0_i32_0 = arith.constant 0 : i32
    %c0_i32_1 = arith.constant 0 : i32
    return %c0_i32, %c0_i32_0 : i32, i32
  }
  func.func @transform_8(%arg0: i32) -> (i32, i32) {
    %c0_i32 = arith.constant 0 : i32
    %c0_i32_0 = arith.constant 0 : i32
    return %arg0, %c0_i32 : i32, i32
  }
  func.func @transform_9(%arg0: i32) -> (i32, i32) {
    %c0_i32 = arith.constant 0 : i32
    %c0_i32_0 = arith.constant 0 : i32
    return %arg0, %c0_i32 : i32, i32
  }
}

module attributes {stable_mosaic.version = 14 : i64} {
  func.func @_tcfin_body(%arg0: i32, %arg1: memref<1000x128xf32, #tpu.memory_space<vmem>>, %arg2: memref<1000x128xf32, #tpu.memory_space<vmem>>, %arg3: memref<1000x16xf32, #tpu.memory_space<vmem>>, %arg4: memref<1000x16xf32, #tpu.memory_space<vmem>>, %arg5: memref<1000x64xf32, #tpu.memory_space<vmem>>, %arg6: memref<64x32xf32, #tpu.memory_space<vmem>>, %arg7: memref<1x32xf32, #tpu.memory_space<vmem>>, %arg8: memref<1x32xf32, #tpu.memory_space<vmem>>, %arg9: memref<1x1xf32, #tpu.memory_space<vmem>>, %arg10: memref<1000x1xf32, #tpu.memory_space<vmem>>) attributes {dimension_semantics = [#tpu.dimension_semantics<arbitrary>], iteration_bounds = array<i64: 10>, scalar_prefetch = 0 : i64, scratch_operands = 0 : i64, tpu.core_type = #tpu.core_type<tc>, window_params = [{transform_indices = @transform_0, window_bounds = array<i64: 1000, 128>}, {transform_indices = @transform_1, window_bounds = array<i64: 1000, 128>}, {transform_indices = @transform_2, window_bounds = array<i64: 1000, 16>}, {transform_indices = @transform_3, window_bounds = array<i64: 1000, 16>}, {transform_indices = @transform_4, window_bounds = array<i64: 1000, 64>}, {pipeline_mode = #tpu.pipeline_mode<synchronous>, transform_indices = @transform_5, window_bounds = array<i64: 64, 32>}, {pipeline_mode = #tpu.pipeline_mode<synchronous>, transform_indices = @transform_6, window_bounds = array<i64: 1, 32>}, {pipeline_mode = #tpu.pipeline_mode<synchronous>, transform_indices = @transform_7, window_bounds = array<i64: 1, 32>}, {pipeline_mode = #tpu.pipeline_mode<synchronous>, transform_indices = @transform_8, window_bounds = array<i64: 1, 1>}, {transform_indices = @transform_9, window_bounds = array<i64: 1000, 1>}]} {
    %get3A = arith.constant 0 : index
    %get3A_0 = arith.constant 0 : index
    %get3A_1 = vector.load %arg3[%get3A, %get3A_0] : memref<1000x16xf32, #tpu.memory_space<vmem>>, vector<1000x16xf32>
    %slice3A = vector.extract_strided_slice %get3A_1 {offsets = [0, 0], sizes = [1000, 1], strides = [1, 1]} : vector<1000x16xf32> to vector<1000x1xf32>
    %get3A_2 = arith.constant 0 : index
    %get3A_3 = arith.constant 0 : index
    %get3A_4 = vector.load %arg4[%get3A_2, %get3A_3] : memref<1000x16xf32, #tpu.memory_space<vmem>>, vector<1000x16xf32>
    %slice3A_5 = vector.extract_strided_slice %get3A_4 {offsets = [0, 0], sizes = [1000, 1], strides = [1, 1]} : vector<1000x16xf32> to vector<1000x1xf32>
    %add3A = arith.addf %slice3A, %slice3A_5 : vector<1000x1xf32>
    %max3A = arith.constant 1.000000e+00 : f32
    %max3A_6 = vector.broadcast %max3A : f32 to vector<1000x1xf32>
    %max3A_7 = arith.maximumf %add3A, %max3A_6 : vector<1000x1xf32>
    %div3A = arith.constant 1.000000e+00 : f32
    %div3A_8 = vector.broadcast %div3A : f32 to vector<1000x1xf32>
    %div3A_9 = arith.divf %div3A_8, %max3A_7 : vector<1000x1xf32>
    %get3A_10 = arith.constant 0 : index
    %get3A_11 = arith.constant 0 : index
    %get3A_12 = vector.load %arg1[%get3A_10, %get3A_11] : memref<1000x128xf32, #tpu.memory_space<vmem>>, vector<1000x128xf32>
    %slice3A_13 = vector.extract_strided_slice %get3A_12 {offsets = [0, 0], sizes = [1000, 64], strides = [1, 1]} : vector<1000x128xf32> to vector<1000x64xf32>
    %get3A_14 = arith.constant 0 : index
    %get3A_15 = arith.constant 0 : index
    %get3A_16 = vector.load %arg2[%get3A_14, %get3A_15] : memref<1000x128xf32, #tpu.memory_space<vmem>>, vector<1000x128xf32>
    %slice3A_17 = vector.extract_strided_slice %get3A_16 {offsets = [0, 0], sizes = [1000, 64], strides = [1, 1]} : vector<1000x128xf32> to vector<1000x64xf32>
    %add3A_18 = arith.addf %slice3A_13, %slice3A_17 : vector<1000x64xf32>
    %mul3A = vector.broadcast %div3A_9 : vector<1000x1xf32> to vector<1000x64xf32>
    %mul3A_19 = arith.mulf %add3A_18, %mul3A : vector<1000x64xf32>
    %get3A_20 = arith.constant 0 : index
    %get3A_21 = arith.constant 0 : index
    %get3A_22 = vector.load %arg5[%get3A_20, %get3A_21] : memref<1000x64xf32, #tpu.memory_space<vmem>>, vector<1000x64xf32>
    %add3A_23 = arith.addf %mul3A_19, %get3A_22 : vector<1000x64xf32>
    %max3A_24 = arith.constant 0.000000e+00 : f32
    %max3A_25 = vector.broadcast %max3A_24 : f32 to vector<1000x64xf32>
    %max3A_26 = arith.maximumf %add3A_23, %max3A_25 : vector<1000x64xf32>
    %get3A_27 = arith.constant 0 : index
    %get3A_28 = arith.constant 0 : index
    %get3A_29 = vector.load %arg6[%get3A_27, %get3A_28] : memref<64x32xf32, #tpu.memory_space<vmem>>, vector<64x32xf32>
    %dot_general3A = arith.constant dense<0.000000e+00> : vector<1000x32xf32>
    %dot_general3A_30 = tpu.matmul %max3A_26, %get3A_29, %dot_general3A {dimension_numbers = #tpu.dot_dimension_numbers<[1], [0], [0], [1], [0, 0, 1, 1], [], []>, transpose_lhs_hint = false} : vector<1000x64xf32>, vector<64x32xf32>, vector<1000x32xf32> -> vector<1000x32xf32>
    %get3A_31 = arith.constant 0 : index
    %get3A_32 = arith.constant 0 : index
    %get3A_33 = vector.load %arg7[%get3A_31, %get3A_32] : memref<1x32xf32, #tpu.memory_space<vmem>>, vector<1x32xf32>
    %add3A_34 = vector.broadcast %get3A_33 : vector<1x32xf32> to vector<1000x32xf32>
    %add3A_35 = arith.addf %dot_general3A_30, %add3A_34 : vector<1000x32xf32>
    %max3A_36 = arith.constant 0.000000e+00 : f32
    %max3A_37 = vector.broadcast %max3A_36 : f32 to vector<1000x32xf32>
    %max3A_38 = arith.maximumf %add3A_35, %max3A_37 : vector<1000x32xf32>
    %get3A_39 = arith.constant 0 : index
    %get3A_40 = arith.constant 0 : index
    %get3A_41 = vector.load %arg8[%get3A_39, %get3A_40] : memref<1x32xf32, #tpu.memory_space<vmem>>, vector<1x32xf32>
    %mul3A_42 = vector.broadcast %get3A_41 : vector<1x32xf32> to vector<1000x32xf32>
    %mul3A_43 = arith.mulf %max3A_38, %mul3A_42 : vector<1000x32xf32>
    %reduce_sum3A = arith.constant dense<0.000000e+00> : vector<1000xf32>
    %reduce_sum3A_44 = vector.multi_reduction <add>, %mul3A_43, %reduce_sum3A [1] : vector<1000x32xf32> to vector<1000xf32>
    %broadcast_in_dim3A = vector.shape_cast %reduce_sum3A_44 : vector<1000xf32> to vector<1000x1xf32>
    %get3A_45 = arith.constant 0 : index
    %get3A_46 = arith.constant 0 : index
    %get3A_47 = vector.load %arg9[%get3A_45, %get3A_46] : memref<1x1xf32, #tpu.memory_space<vmem>>, vector<1x1xf32>
    %add3A_48 = vector.broadcast %get3A_47 : vector<1x1xf32> to vector<1000x1xf32>
    %add3A_49 = arith.addf %broadcast_in_dim3A, %add3A_48 : vector<1000x1xf32>
    %neg3A = arith.constant 0.000000e+00 : f32
    %neg3A_50 = vector.broadcast %neg3A : f32 to vector<1000x1xf32>
    %neg3A_51 = arith.subf %neg3A_50, %add3A_49 : vector<1000x1xf32>
    %exp3A = math.exp %neg3A_51 : vector<1000x1xf32>
    %add3A_52 = arith.constant 1.000000e+00 : f32
    %add3A_53 = vector.broadcast %add3A_52 : f32 to vector<1000x1xf32>
    %add3A_54 = arith.addf %add3A_53, %exp3A : vector<1000x1xf32>
    %div3A_55 = arith.constant 1.000000e+00 : f32
    %div3A_56 = vector.broadcast %div3A_55 : f32 to vector<1000x1xf32>
    %div3A_57 = arith.divf %div3A_56, %add3A_54 : vector<1000x1xf32>
    %swap3A = arith.constant 0 : index
    %swap3A_58 = arith.constant 0 : index
    %swap3A_59 = vector.load %arg10[%swap3A, %swap3A_58] : memref<1000x1xf32, #tpu.memory_space<vmem>>, vector<1000x1xf32>
    tpu.vector_store %arg10[%swap3A, %swap3A_58], %div3A_57 {strides = array<i32>} : memref<1000x1xf32, #tpu.memory_space<vmem>>, vector<1000x1xf32>,
    return
  }
  func.func @transform_0(%arg0: i32) -> (i32, i32) {
    %c0_i32 = arith.constant 0 : i32
    %c0_i32_0 = arith.constant 0 : i32
    return %arg0, %c0_i32 : i32, i32
  }
  func.func @transform_1(%arg0: i32) -> (i32, i32) {
    %c0_i32 = arith.constant 0 : i32
    %c0_i32_0 = arith.constant 0 : i32
    return %arg0, %c0_i32 : i32, i32
  }
  func.func @transform_2(%arg0: i32) -> (i32, i32) {
    %c0_i32 = arith.constant 0 : i32
    %c0_i32_0 = arith.constant 0 : i32
    return %arg0, %c0_i32 : i32, i32
  }
  func.func @transform_3(%arg0: i32) -> (i32, i32) {
    %c0_i32 = arith.constant 0 : i32
    %c0_i32_0 = arith.constant 0 : i32
    return %arg0, %c0_i32 : i32, i32
  }
  func.func @transform_4(%arg0: i32) -> (i32, i32) {
    %c0_i32 = arith.constant 0 : i32
    %c0_i32_0 = arith.constant 0 : i32
    return %arg0, %c0_i32 : i32, i32
  }
  func.func @transform_5(%arg0: i32) -> (i32, i32) {
    %c0_i32 = arith.constant 0 : i32
    %c0_i32_0 = arith.constant 0 : i32
    %c0_i32_1 = arith.constant 0 : i32
    return %c0_i32, %c0_i32_0 : i32, i32
  }
  func.func @transform_6(%arg0: i32) -> (i32, i32) {
    %c0_i32 = arith.constant 0 : i32
    %c0_i32_0 = arith.constant 0 : i32
    %c0_i32_1 = arith.constant 0 : i32
    return %c0_i32, %c0_i32_0 : i32, i32
  }
  func.func @transform_7(%arg0: i32) -> (i32, i32) {
    %c0_i32 = arith.constant 0 : i32
    %c0_i32_0 = arith.constant 0 : i32
    %c0_i32_1 = arith.constant 0 : i32
    return %c0_i32, %c0_i32_0 : i32, i32
  }
  func.func @transform_8(%arg0: i32) -> (i32, i32) {
    %c0_i32 = arith.constant 0 : i32
    %c0_i32_0 = arith.constant 0 : i32
    %c0_i32_1 = arith.constant 0 : i32
    return %c0_i32, %c0_i32_0 : i32, i32
  }
  func.func @transform_9(%arg0: i32) -> (i32, i32) {
    %c0_i32 = arith.constant 0 : i32
    %c0_i32_0 = arith.constant 0 : i32
    return %arg0, %c0_i32 : i32, i32
  }
}

</mosaic_0001>

<sc_bundles>
// kernel: kernel.11.cloned.1.call-start
scs
__scs_entry_jumppad:
0x0: {  	(pc) =	sbr.rel $0x88, $3  }
0x1: {  	(tag) =	ssettag $0x0;
	lr =	simm.s32 $0x1  }
0x2: {  	[smem:$0x3F8F] =	sst lr;
	_ =	strace $0xD0000000  }
0x3: {  	_ = 	snop  }
0x4: {  	_ = 	snop  }
0x5: {  	_ = 	snop  }
0x6: {  	_ = 	snop  }
0x7: {  	_ = 	snop  }
__scs_overlays_trampoline_lowered:
0x8: {  	[smem:$0x3F9E] =	sst s0  }
0x9: {  	[smem:$0x3F9F] =	sst s1  }
0xa: {  	[smem:$0x3FA0] =	sst s2  }
0xb: {  	[smem:$0x3FA1] =	sst s3  }
0xc: {  	[smem:$0x3FA2] =	sst s4  }
0xd: {  	[smem:$0x3FA3] =	sst s5  }
0xe: {  	[smem:$0x3FA4] =	sst s6  }
0xf: {  	[smem:$0x3FA5] =	sst s7  }
0x10: {  	[smem:$0x3FA6] =	sst s8  }
0x11: {  	[smem:$0x3FA7] =	sst s9;
	s0 =	simm.s32 @!p0 $0x0  }
0x12: {  	s1 =	sld [smem:$0x3F8D];
	s0 =	simm.s32 @p0 $0x1  }
0x13: {  	[smem:$0x3FA8] =	sst s0;
	s0 =	simm.s32 @!p1 $0x0  }
0x14: {  	s2 =	sld [smem:$0x3F8C];
	s0 =	simm.s32 @p1 $0x1  }
0x15: {  	[smem:$0x3FA9] =	sst s0;
	s0 =	simm.s32 @!p2 $0x0  }
0x16: {  	s3 =	sld [smem:$0x3FDB];
	s0 =	simm.s32 @p2 $0x1  }
0x17: {  	s4 =	simm.s32 $0x1BF5;
	[smem:$0x3FAB] =	sst s0  }
0x18: {  	s0 =	sld [smem:$0x3F8E];
	_ =	swait.ge [sflag:s4], $0x0  }
0x19: {  	s7 =	sld [smem:$0x3F8F]  }
0x1a: {  	s8 =	sadd.s32 $0xFFFFE003, lr  }
0x1b: {  	s9 =	sadd.s32 $0xFFFFFEF7, lr;
	s5 =	simm.s32 $0xFFFFFFFF;
	p2 =	slt.u32 s8, $0xFFFFF086  }
0x1c: {  	p1 =	slt.u32 s9, $0xF7A;
	s5 =	simm.s32 @!p2 $0x0  }
0x1d: {  	s5 =	simm.s32 @p1 $0x1;
	p0 =	seq.s32 s7, s2  }
0x1e: {  	s7 =	smul.u32 @!p0 $0xF7A, s2;
	p2 =	seq.s32 @!p0 s5, $0x0  }
0x1f: {  	s9 =	smul.u32 $0xF7A, s1;
	s8 =	simm.s32 @!p0 $0x1BF5;
	p2 =	por !p2, p0  }
0x20: {  	[sflag:s8] =	ssyncset.s32 @!p0 $0xFFFFF086;
	s6 =	sadd.s32 @!p0 s3, s7;
	s7 =	simm.s32 @!p0 $0x108  }
0x21: {  	s3 =	sadd.s32 s3, s9;
	s6 =	sadd.s32 @!p0 $0x88, s6;
	s7 =	simm.s32 @p2 $0x1082  }
0x22: {  	[simem:s7], [sflag:s8] =	dma.local @!p0 [hbm:s6], $0xF7A  }
0x23: {  	s9 =	sor.u32 $0xD0000000, s2;
	s6 =	simm.s32 $0x108;
	_ =	swait.ge @!p0 [sflag:s8], $0x0  }
0x24: {  	s3 =	sadd.s32 $0x88, s3;
	s6 =	simm.s32 @!p1 $0x1082;
	[sflag:s4] =	ssyncset.s32 $0xFFFFF086  }
0x25: {  	[simem:s6], [sflag:s4] =	dma.local [hbm:s3], $0xF7A  }
0x26: {  	[smem:$0x3F8F] =	sst s1;
	(tag) =	ssettag s2;
	_ =	strace s9  }
0x27: {  	s1 =	sld [smem:$0x3F9F]  }
0x28: {  	s2 =	sld [smem:$0x3FA0]  }
0x29: {  	s4 =	sld [smem:$0x3FA2]  }
0x2a: {  	p0 =	seq.s32 s5, $0x0;
	s5 =	sld [smem:$0x3FA3]  }
0x2b: {  	s6 =	sld [smem:$0x3FA4]  }
0x2c: {  	s7 =	sld [smem:$0x3FA5]  }
0x2d: {  	s3 =	simm.s32 $0x108;
	s8 =	sld [smem:$0x3FA6]  }
0x2e: {  	s3 =	simm.s32 @!p0 $0x1082;
	s9 =	sld [smem:$0x3FA7]  }
0x2f: {  	lr =	sadd.s32 s0, s3;
	s0 =	sld [smem:$0x3F9E]  }
0x30: {  	s3 =	sld [smem:$0x3FA1]  }
0x31: {  	[smem:$0x3FAA] =	sst s10  }
0x32: {  	s10 =	sld [smem:$0x3FA8];
	_ =	sdelay $0x3  }
0x33: {  	p0 =	seq.s32 s10, $0x1;
	s10 =	sld [smem:$0x3FAA];
	_ =	sdelay $0x3  }
0x34: {  	[smem:$0x3FAA] =	sst s10  }
0x35: {  	s10 =	sld [smem:$0x3FA9];
	_ =	sdelay $0x3  }
0x36: {  	p1 =	seq.s32 s10, $0x1;
	s10 =	sld [smem:$0x3FAA];
	_ =	sdelay $0x3  }
0x37: {  	[smem:$0x3FAA] =	sst s10  }
0x38: {  	s10 =	sld [smem:$0x3FAB]  }
0x39: {  	_ = 	snop;
	(pc) =	sbr.ind lr, $3  }
0x3a: {  	_ = 	snop  }
0x3b: {  	_ = 	snop  }
0x3c: {  	p2 =	seq.s32 s10, $0x1;
	s10 =	sld [smem:$0x3FAA]  }
0x3d: {  	_ =	shalt  }
0x3e: {  	_ =	shalt  }
0x3f: {  	_ =	shalt  }
0x40: {  	_ =	shalt  }
0x41: {  	_ =	shalt  }
0x42: {  	_ =	shalt  }
0x43: {  	_ =	shalt  }
0x44: {  	_ =	shalt  }
0x45: {  	_ =	shalt  }
0x46: {  	_ =	shalt  }
0x47: {  	_ =	shalt  }
0x48: {  	_ =	shalt  }
0x49: {  	_ =	shalt  }
0x4a: {  	_ =	shalt  }
0x4b: {  	_ =	shalt  }
0x4c: {  	_ =	shalt  }
0x4d: {  	_ =	shalt  }
0x4e: {  	_ =	shalt  }
0x4f: {  	_ =	shalt  }
0x50: {  	_ =	shalt  }
0x51: {  	_ =	shalt  }
0x52: {  	_ =	shalt  }
0x53: {  	_ =	shalt  }
0x54: {  	_ =	shalt  }
0x55: {  	_ =	shalt  }
0x56: {  	_ =	shalt  }
0x57: {  	_ =	shalt  }
0x58: {  	_ =	shalt  }
0x59: {  	_ =	shalt  }
0x5a: {  	_ =	shalt  }
0x5b: {  	_ =	shalt  }
0x5c: {  	_ =	shalt  }
0x5d: {  	_ =	shalt  }
0x5e: {  	_ =	shalt  }
0x5f: {  	_ =	shalt  }
0x60: {  	_ =	shalt  }
0x61: {  	_ =	shalt  }
0x62: {  	_ =	shalt  }
0x63: {  	_ =	shalt  }
0x64: {  	_ =	shalt  }
0x65: {  	_ =	shalt  }
0x66: {  	_ =	shalt  }
0x67: {  	_ =	shalt  }
0x68: {  	_ =	shalt  }
0x69: {  	_ =	shalt  }
0x6a: {  	_ =	shalt  }
0x6b: {  	_ =	shalt  }
0x6c: {  	_ =	shalt  }
0x6d: {  	_ =	shalt  }
0x6e: {  	_ =	shalt  }
0x6f: {  	_ =	shalt  }
0x70: {  	_ =	shalt  }
0x71: {  	_ =	shalt  }
0x72: {  	_ =	shalt  }
0x73: {  	_ =	shalt  }
0x74: {  	_ =	shalt  }
0x75: {  	_ =	shalt  }
0x76: {  	_ =	shalt  }
0x77: {  	_ =	shalt  }
0x78: {  	_ =	shalt  }
0x79: {  	_ =	shalt  }
0x7a: {  	_ =	shalt  }
0x7b: {  	_ =	shalt  }
0x7c: {  	_ =	shalt  }
0x7d: {  	_ =	shalt  }
0x7e: {  	_ =	shalt  }
0x7f: {  	_ =	shalt  }
0x80: {  	_ =	shalt  }
0x81: {  	_ =	shalt  }
0x82: {  	_ =	shalt  }
0x83: {  	_ =	shalt  }
0x84: {  	_ =	shalt  }
0x85: {  	_ =	shalt  }
0x86: {  	_ =	shalt  }
0x87: {  	_ =	shalt  }
.Lfunc_end0:
.L_simem_size_0:
called_computation_lowered:
.L_overlay_start_0:
0x88: {  	s2 =	sld [smem:$0x3FD9]  }
0x89: {  	s3 =	sld [smem:$0x3FFE];
	_ =	sdelay $0x1  }
0x8a: {  	s1 =	srdreg.scid  }
0x8b: {  	s0 =	sand.u32 $0x1, s1  }
0x8c: {  	s16 =	sshll.u32 s0, $0xA;
	s2 =	sadd.s32 s3, s2  }
0x8d: {  	s2 =	sadd.s32 s2, s16  }
0x8e: {  	[smem:$0x3FB6] =	sst s2  }
0x8f: {  	_ = 	snop  }
0x90: {  	(tm) =	ssettm $0x1  }
0x91: {  	s17 =	sld [smem:$0x3FFB];
	_ =	sdelay $0x3  }
0x92: {  	_ =	strace s17  }
0x93: {  	s2 =	sld [smem:$0x3FFC];
	_ =	sdelay $0x3  }
0x94: {  	_ =	strace s2  }
0x95: {  	s2 =	sld [smem:$0x3FFD];
	_ =	sdelay $0x3  }
0x96: {  	_ =	strace s2  }
0x97: {  	_ =	strace $0x8FFFFFFF  }
0x98: {  	s18 =	sld [smem:$0x3FDB];
	_ =	sdelay $0x1  }
0x99: {  	s19 =	simm.s32 $_scs_section_size  }
0x9a: {  	s4 =	simm.s32 $_size__tile_overlayer_lowered;
	s5 =	simm.s32 $_tile_overlayer_lowered  }
0x9b: {  	s22 =	simm.s32 $0x1BFF;
	s21 =	sshll.u32 s5, $0x1;
	s2 =	sadd.s32 s19, s18  }
0x9c: {  	s6 =	simm.s32 $0x0;
	s20 =	sshll.u32 s4, $0x1;
	s4 =	sadd.s32 s21, s2  }
0x9d: {  	[timem:s6], [sflag:s22] =	dma.local [hbm:s4], s20  }
0x9e: {  	_ =	swait.ge [sflag:s22], s20  }
0x9f: {  	s3 =	ssub.s32 $0x0, s20;
	[sflag:s22] =	ssyncset.done $0x0  }
0xa0: {  	[sflag:s22] =	ssyncadd.s32 s3;
	_ =	sdelay $0x1  }
0xa1: {  	s23 =	simm.s32 $0x1B8B  }
0xa2: {  	_ =	swait.ge [sflag:s23], $0x1  }
0xa3: {  	[sflag:s23] =	ssyncset.done $0x0  }
0xa4: {  	s25 =	simm.s32 $0x1B8E;
	s24 =	sld [smem:$0x3FFE];
	[sflag:s23] =	ssyncadd.s32 $0xFFFFFFFF  }
0xa5: {  	s26 =	simm.s32 $execute0_lowered;
	[smem:$0x3FD2] =	sst s25  }
0xa6: {  	s4 =	sshll.u32 s26, $0x1;
	_ =	strace $0x80000046;
	[dreg:$0x1] =	wrdreg $0xFFFFFFFF  }
0xa7: {  	s28 =	simm.s32 $_size_execute0_lowered;
	s2 =	sadd.s32 s2, s4;
	[dreg:$0x0] =	wrdreg $0x0  }
0xa8: {  	s4 =	sshll.u32 s28, $0x1;
	[dreg:$0x2] =	wrdreg s2  }
0xa9: {  	[dreg:$0x3] =	wrdreg s4  }
0xaa: {  	[dreg:$0x4] =	wrdreg $0xC0  }
0xab: {  	_ =	task [dreg:s6], $0x5FFFF  }
0xac: {  	[dreg:$0x1] =	wrdreg $0xFFFFFFFF  }
0xad: {  	[dreg:$0x0] =	wrdreg $0x60  }
0xae: {  	[dreg:$0x2] =	wrdreg s24  }
0xaf: {  	[dreg:$0x3] =	wrdreg $0x82000  }
0xb0: {  	[dreg:$0x4] =	wrdreg $0x9  }
0xb1: {  	_ =	task.clear_ibuf [dreg:s6], $0x5FFFF;
	_ =	strace $0x90000046  }
0xb2: {  	s29 =	simm.s32 $0x9;
	_ =	strace $0x80000048  }
0xb3: {  	_ =	swait.ge [sflag:s29], $0x1  }
0xb4: {  	[sflag:s29] =	ssyncadd.s32 $0xFFFFFFFF  }
0xb5: {  	_ =	strace $0x90000048  }
0xb6: {  	_ =	sfence  }
0xb7: {  	s30 =	sld [smem:$0x0];
	_ =	sdelay $0x2  }
0xb8: {  	s31 =	sshll.u32 s1, $0xD;
	s1 =	sshrl.u32 s1, $0x2  }
0xb9: {  	s3 =	sand.u32 $0x4000, s31;
	s1 =	sadd.s32 s1, s30  }
0xba: {  	s0 =	sor.u32 s3, s0;
	s1 =	sshll.u32 s1, $0x11  }
0xbb: {  	s0 =	sor.u32 s1, s0  }
0xbc: {  	s0 =	sadd.s32 $0x8F2B, s0  }
0xbd: {  	[sflag:s0] =	ssyncadd.remote.s32 $0x1  }
0xbe: {  	_ =	sfence.sel $0xFFFF  }
0xbf: {  	[dreg:$0x0] =	wrdreg $0xFFFFFFFF;
	(pc) =	sbr.abs _section_cstart, $3  }
0xc0: {  	[dreg:$0x1] =	wrdreg $0xFFFFFFFF  }
0xc1: {  	_ =	task.clear_ibuf [dreg:s6], $0x2FFFF;
	_ =	strace $0x9FFFFFFF  }
0xc2: {  	(tm) =	ssettm $0x7FFFFFFF  }
0xc3: {  	_ =	shalt  }
tec
execute0_lowered:
.L_overlay_start_1:
0x0: {  	(tag) =	ssettag $0x1  }
0x1: {  	s7 =	rddreg [dreg:$0x0]  }
0x2: {  	s2 =	rddreg [dreg:$0x1];
	s3 =	simm.s32 $0x0;
	s1 =	stileid.u32  }
0x3: {  	s5 =	srdreg.scid;
	s20 =	simm.s32 $0x200;
	s21 =	simm.s32 $0x2  }
0x4: {  	s22 =	simm.s32 $0x4200;
	s23 =	simm.s32 $0x4;
	s24 =	simm.s32 $0x180  }
0x5: {  	s25 =	simm.s32 $0x0;
	[smem:$0x7FF] =	sst s3;
	s10 =	smul.u32 $0x2700, s1  }
0x6: {  	s4 =	sadd.s32 $0x19400, s7;
	s13 =	sadd.s32 $0x5400, s7;
	s11 =	smul.u32 $0x4E000, s1  }
0x7: {  	s9 =	sand.u32 $0x1, s5;
	s12 =	sadd.s32 $0x8EA00, s7;
	s18 =	smul.u32 $0x5000, s1  }
0x8: {  	s29 =	sshll.u32 s1, $0x6;
	s17 =	sadd.s32 $0x138000, s2;
	s16 =	smul.u32 $0x138800, s9  }
0x9: {  	p0 =	sne.s32 s1, $0xF;
	_ =	strace $0x80000047;
	s30 =	smul.u32 $0x50000, s9  }
0xa: {  	s5 =	ssub.s32 $0x2, s9;
	s8 =	sshll.u32 s9, $0x4;
	s19 =	smul.u32 $0x27100, s9  }
0xb: {  	s6 =	sadd.s32 s10, s7;
	s14 =	sshrl.u32 s5, $0x1;
	s8 =	sor.u32 s1, s8  }
0xc: {  	s28 =	sshrl.u32 s11, $0x2;
	s7 =	sadd.s32 $0x8E800, s7;
	s14 =	ssub.s32 s5, s14  }
0xd: {  	s8 =	smul.u32 $0x5000, s8;
	s15 =	sadd.s32 s28, s2;
	s5 =	sadd.s32 $0x67800, s6  }
0xe: {  	s6 =	sor.u32 $0x1C05, s29;
	s16 =	sshrl.u32 s16, $0x3;
	s11 =	sadd.s32 s18, s30  }
0xf: {  	s10 =	sadd.s32 s10, s19;
	s19 =	simm.s32 $0x7D;
	s16 =	sadd.s32 s12, s16  }
.Ltmp0:
0x10: {  	s18 =	sor.u32 $0x200, s11;
	s10 =	sadd.s32 s12, s10;
	(pc) =	sbr.rel .LBB2_1-.Ltmp0, $4  }
0x11: {  	s12 =	smax.u32 s14, $0x1;
	s14 =	sshrl.u32 s15, $0x3;
	s15 =	simm.s32 $0x5  }
0x12: {  	s8 =	sshrl.u32 s8, $0x3;
	s11 =	sadd.s32 $0x27000, s16;
	s31 =	sshrl.u32 s18, $0x3  }
0x13: {  	s16 =	sshrl.u32 @!p0 s17, $0x3;
	s17 =	simm.s32 $0x100;
	s8 =	sadd.s32 s13, s8  }
0x14: {  	s18 =	simm.s32 $0x1;
	s13 =	sadd.s32 s31, s13;
	s9 =	sadd.s32 $0x20, s8  }
.LBB2_5:
0x15: {  	[bflag:$0x0] =	sbarrier.arrive $0xFFFF  }
0x16: {  	[hbm:s10], [sflag:s6] =	dma.local [spmem:s14], $0x2700  }
0x17: {  	s25 =	sadd.s32 $0x1, s25;
	_ =	swait.ge [sflag:s15], $0x2700  }
0x18: {  	p1 =	sne.s32 s25, s12;
	[sflag:s15] =	ssyncset.done $0x0  }
.Ltmp1:
0x19: {  	s0 =	simm.s32 @!p0 $0x5;
	[sflag:s15] =	ssyncadd.s32 $0xFFFFD900;
	(pc) =	sbr.rel @!p1 .LBB2_6-.Ltmp1, $4  }
0x1a: {  	[hbm:s11], [sflag:s6] =	dma.local @!p0 [spmem:s16], $0x100  }
0x1b: {  	_ =	swait.ge @!p0 [sflag:s0], $0x100  }
0x1c: {  	[sflag:s0] =	ssyncset.done @!p0 $0x0  }
0x1d: {  	[sflag:s0] =	ssyncadd.s32 @!p0 $0xFFFFFF00  }
.LBB2_1:
0x1e: {  	[spmem:s14], [sflag:s6] =	dma.local [hbm:s5], $0x2700  }
0x1f: {  	_ =	swait.ge [sflag:s15], $0x2700  }
0x20: {  	[sflag:s15] =	ssyncset.done $0x0  }
0x21: {  	s26 =	simm.s32 @!p0 $0x5;
	[sflag:s15] =	ssyncadd.s32 $0xFFFFD900  }
0x22: {  	[spmem:s16], [sflag:s6] =	dma.local @!p0 [hbm:s7], $0x100  }
0x23: {  	_ =	swait.ge @!p0 [sflag:s26], $0x100  }
0x24: {  	[sflag:s26] =	ssyncset.done @!p0 $0x0  }
0x25: {  	[sflag:s26] =	ssyncadd.s32 @!p0 $0xFFFFFF00  }
0x26: {  	[bflag:$0x0] =	sbarrier.arrive $0xFFFF  }
0x27: {  	[tilespmem:s3], [sflag:$0x1] =	stream.linear.gather [hbm4b:s8+s3], $0x100, $0x38;
	[tilespmem:$0x1BA80] =	vst v63  }
0x28: {  	_ = 	snop  }
0x29: {  	[tilespmem:s17], [sflag:$0x2] =	stream.linear.gather [hbm4b:s9+s3], $0x100, $0x38;
	[tilespmem:$0x1BA80] =	vst v63  }
0x2a: {  	_ =	swait.ge [sflag:s18], $0x100  }
0x2b: {  	[sflag:s18] =	ssyncset.done $0x0  }
0x2c: {  	[sflag:s18] =	ssyncadd.s32 $0xFFFFFF00  }
0x2d: {  	[tilespmem:s20], [sflag:$0x3] =	stream.indirect.gather [hbm4b:s4+s19], $0x80, s3, s19, $0xb8;
	[tilespmem:$0x1BA80] =	vst v63  }
.Ltmp2:
0x2e: {  	_ = 	snop;
	(pc) =	sbr.rel .LBB2_2-.Ltmp2, $4  }
0x2f: {  	_ =	swait.ge [sflag:s21], $0x100  }
0x30: {  	[sflag:s21] =	ssyncset.done $0x0  }
0x31: {  	s28 =	simm.s32 $0x0;
	s26 =	smov.u32 s13;
	[sflag:s21] =	ssyncadd.s32 $0xFFFFFF00  }
0x32: {  	[tilespmem:s22], [sflag:$0x4] =	stream.indirect.gather [hbm4b:s4+s19], $0x80, s17, s19, $0xb8;
	[tilespmem:$0x1BA80] =	vst v63  }
.LBB2_4:
0x33: {  	s28 =	sadd.s32 $0x1, s28  }
0x34: {  	p1 =	sne.s32 s28, $0x50  }
.Ltmp3:
0x35: {  	_ = 	snop;
	(pc) =	sbr.rel @!p1 .LBB2_5-.Ltmp3, $2  }
0x36: {  	_ =	sdelay $0x2  }
0x37: {  	s26 =	sadd.s32 $0x20, s26  }
.LBB2_2:
0x38: {  	s29 =	sand.u32 $0x1, s28  }
0x39: {  	p1 =	seq.s32 s29, $0x1  }
0x3a: {  	s30 =	simm.s32 @!p1 $0x3  }
0x3b: {  	_ =	swait.ge @!p1 [sflag:s30], $0x3E80  }
0x3c: {  	s31 =	simm.s32 @!p1 $0x80;
	[sflag:s30] =	ssyncset.done @!p1 $0x0  }
0x3d: {  	s0 =	simm.s32 @!p1 $0x200;
	[sflag:s30] =	ssyncadd.s32 @!p1 $0xFFFFC180;
	s30 =	simm.s32 @!p1 $0x7D  }
0x3e: {  	[spmem:s2] =	stream.indirect.scatter.add.f32 @!p1 [tilespmem:s0], [sflag:$0x5], $0x80, s31, s30, $0xb8;
	[tilespmem:$0x1BA80] =	vst v63  }
0x3f: {  	s0 =	simm.s32 @!p1 $0x5  }
0x40: {  	p2 =	sgt.u32 @!p1 s28, $0x4D;
	_ =	swait.ge @!p1 [sflag:s0], $0x3E80  }
0x41: {  	p2 =	por p2, p1;
	[sflag:s0] =	ssyncset.done @!p1 $0x0  }
0x42: {  	s30 =	simm.s32 @!p2 $0x1;
	[sflag:s0] =	ssyncadd.s32 @!p1 $0xFFFFC180;
	s0 =	simm.s32 @!p2 $0x0  }
0x43: {  	[tilespmem:s0], [sflag:$0x1] =	stream.linear.gather @!p2 [hbm4b:s26+s0], $0x100, $0x38;
	[tilespmem:$0x1BA80] =	vst v63  }
0x44: {  	_ =	swait.ge @!p2 [sflag:s30], $0x100  }
0x45: {  	[sflag:s30] =	ssyncset.done @!p2 $0x0  }
0x46: {  	s31 =	simm.s32 @!p2 $0x200;
	[sflag:s30] =	ssyncadd.s32 @!p2 $0xFFFFFF00;
	s30 =	simm.s32 @!p2 $0x7D  }
0x47: {  	[tilespmem:s31], [sflag:$0x3] =	stream.indirect.gather @!p2 [hbm4b:s4+s30], $0x80, s0, s30, $0xb8;
	[tilespmem:$0x1BA80] =	vst v63  }
0x48: {  	p2 =	seq.s32 @!p1 s29, $0x0  }
0x49: {  	p1 =	por p1, !p2  }
.Ltmp4:
0x4a: {  	_ = 	snop;
	(pc) =	sbr.rel @!p1 .LBB2_4-.Ltmp4, $1  }
0x4b: {  	_ =	sdelay $0x3  }
0x4c: {  	_ =	swait.ge [sflag:s23], $0x3E80  }
0x4d: {  	[sflag:s23] =	ssyncset.done $0x0  }
0x4e: {  	[sflag:s23] =	ssyncadd.s32 $0xFFFFC180  }
0x4f: {  	[spmem:s2] =	stream.indirect.scatter.add.f32 [tilespmem:s22], [sflag:$0x5], $0x80, s24, s19, $0xb8;
	[tilespmem:$0x1BA80] =	vst v63  }
0x50: {  	_ =	swait.ge [sflag:s15], $0x3E80  }
0x51: {  	p1 =	sgt.u32 s28, $0x4D;
	[sflag:s15] =	ssyncset.done $0x0  }
0x52: {  	s0 =	simm.s32 @!p1 $0x0;
	s29 =	simm.s32 @!p1 $0x100;
	[sflag:s15] =	ssyncadd.s32 $0xFFFFC180  }
0x53: {  	[tilespmem:s29], [sflag:$0x2] =	stream.linear.gather @!p1 [hbm4b:s26+s0], $0x100, $0x38;
	[tilespmem:$0x1BA80] =	vst v63  }
.Ltmp5:
0x54: {  	s0 =	simm.s32 @!p1 $0x2;
	(pc) =	sbr.rel .LBB2_4-.Ltmp5, $4  }
0x55: {  	_ =	swait.ge @!p1 [sflag:s0], $0x100  }
0x56: {  	[sflag:s0] =	ssyncset.done @!p1 $0x0  }
0x57: {  	s30 =	simm.s32 @!p1 $0x4200;
	[sflag:s0] =	ssyncadd.s32 @!p1 $0xFFFFFF00;
	s0 =	simm.s32 @!p1 $0x7D  }
0x58: {  	[tilespmem:s30], [sflag:$0x4] =	stream.indirect.gather @!p1 [hbm4b:s4+s0], $0x80, s29, s0, $0xb8;
	[tilespmem:$0x1BA80] =	vst v63  }
.LBB2_6:
0x59: {  	_ =	sfence.sel $0x180000  }
0x5a: {  	[bflag:$0x0] =	sbarrier.arrive $0xFFFF  }
0x5b: {  	_ =	strace $0x90000047  }
0x5c: {  	[bflag:$0x2] =	sbarrier.arrive $0xFFFF  }
0x5d: {  	p0 =	sne.s32 s1, $0x0;
	s0 =	rddreg [dreg:$0x2]  }
0x5e: {  	s0 =	sadd.s32 @!p0 $0x100000, s0  }
0x5f: {  	[sflag:s0] =	ssyncadd.tile.s32 @!p0 $0x1;
	_ =	shalt  }
.Lfunc_end2:
_tile_overlayer_lowered:
.L_overlay_start_2:
0x60: {  	(tag) =	ssettag $0x2  }
0x61: {  	s0 =	rddreg [dreg:$0x0];
	s2 =	stileid.u32  }
0x62: {  	s1 =	rddreg [dreg:$0x1];
	p0 =	sne.s32 s2, $0x0  }
0x63: {  	s3 =	rddreg [dreg:$0x2];
	[bflag:$0x3] =	sbarrier.arrive $0xFFFF;
	s2 =	simm.s32 @!p0 $0x1C05  }
0x64: {  	[timem:s3], [sflag:s2] =	dma.local @!p0 [hbm:s0], s1  }
0x65: {  	s0 =	simm.s32 @!p0 $0x5  }
0x66: {  	_ =	swait.ge @!p0 [sflag:s0], s1  }
0x67: {  	s1 =	ssub.s32 @!p0 $0x0, s1;
	[sflag:s0] =	ssyncset.done @!p0 $0x0  }
0x68: {  	[sflag:s0] =	ssyncadd.s32 @!p0 s1  }
0x69: {  	[bflag:$0x3] =	sbarrier.arrive $0xFFFF  }
0x6a: {  	_ =	shalt  }

// kernel: kernel.14.cloned.1.call-start
scs
__scs_entry_jumppad:
0x0: {  	(pc) =	sbr.rel $0x88, $3  }
0x1: {  	(tag) =	ssettag $0x0;
	lr =	simm.s32 $0x1  }
0x2: {  	[smem:$0x3F8F] =	sst lr;
	_ =	strace $0xD0000000  }
0x3: {  	_ = 	snop  }
0x4: {  	_ = 	snop  }
0x5: {  	_ = 	snop  }
0x6: {  	_ = 	snop  }
0x7: {  	_ = 	snop  }
__scs_overlays_trampoline_lowered:
0x8: {  	[smem:$0x3F9E] =	sst s0  }
0x9: {  	[smem:$0x3F9F] =	sst s1  }
0xa: {  	[smem:$0x3FA0] =	sst s2  }
0xb: {  	[smem:$0x3FA1] =	sst s3  }
0xc: {  	[smem:$0x3FA2] =	sst s4  }
0xd: {  	[smem:$0x3FA3] =	sst s5  }
0xe: {  	[smem:$0x3FA4] =	sst s6  }
0xf: {  	[smem:$0x3FA5] =	sst s7  }
0x10: {  	[smem:$0x3FA6] =	sst s8  }
0x11: {  	[smem:$0x3FA7] =	sst s9;
	s0 =	simm.s32 @!p0 $0x0  }
0x12: {  	s1 =	sld [smem:$0x3F8D];
	s0 =	simm.s32 @p0 $0x1  }
0x13: {  	[smem:$0x3FA8] =	sst s0;
	s0 =	simm.s32 @!p1 $0x0  }
0x14: {  	s2 =	sld [smem:$0x3F8C];
	s0 =	simm.s32 @p1 $0x1  }
0x15: {  	[smem:$0x3FA9] =	sst s0;
	s0 =	simm.s32 @!p2 $0x0  }
0x16: {  	s3 =	sld [smem:$0x3FDB];
	s0 =	simm.s32 @p2 $0x1  }
0x17: {  	s4 =	simm.s32 $0x1BF5;
	[smem:$0x3FAB] =	sst s0  }
0x18: {  	s0 =	sld [smem:$0x3F8E];
	_ =	swait.ge [sflag:s4], $0x0  }
0x19: {  	s7 =	sld [smem:$0x3F8F]  }
0x1a: {  	s8 =	sadd.s32 $0xFFFFE003, lr  }
0x1b: {  	s9 =	sadd.s32 $0xFFFFFEF7, lr;
	s5 =	simm.s32 $0xFFFFFFFF;
	p2 =	slt.u32 s8, $0xFFFFF086  }
0x1c: {  	p1 =	slt.u32 s9, $0xF7A;
	s5 =	simm.s32 @!p2 $0x0  }
0x1d: {  	s5 =	simm.s32 @p1 $0x1;
	p0 =	seq.s32 s7, s2  }
0x1e: {  	s7 =	smul.u32 @!p0 $0xF7A, s2;
	p2 =	seq.s32 @!p0 s5, $0x0  }
0x1f: {  	s9 =	smul.u32 $0xF7A, s1;
	s8 =	simm.s32 @!p0 $0x1BF5;
	p2 =	por !p2, p0  }
0x20: {  	[sflag:s8] =	ssyncset.s32 @!p0 $0xFFFFF086;
	s6 =	sadd.s32 @!p0 s3, s7;
	s7 =	simm.s32 @!p0 $0x108  }
0x21: {  	s3 =	sadd.s32 s3, s9;
	s6 =	sadd.s32 @!p0 $0x88, s6;
	s7 =	simm.s32 @p2 $0x1082  }
0x22: {  	[simem:s7], [sflag:s8] =	dma.local @!p0 [hbm:s6], $0xF7A  }
0x23: {  	s9 =	sor.u32 $0xD0000000, s2;
	s6 =	simm.s32 $0x108;
	_ =	swait.ge @!p0 [sflag:s8], $0x0  }
0x24: {  	s3 =	sadd.s32 $0x88, s3;
	s6 =	simm.s32 @!p1 $0x1082;
	[sflag:s4] =	ssyncset.s32 $0xFFFFF086  }
0x25: {  	[simem:s6], [sflag:s4] =	dma.local [hbm:s3], $0xF7A  }
0x26: {  	[smem:$0x3F8F] =	sst s1;
	(tag) =	ssettag s2;
	_ =	strace s9  }
0x27: {  	s1 =	sld [smem:$0x3F9F]  }
0x28: {  	s2 =	sld [smem:$0x3FA0]  }
0x29: {  	s4 =	sld [smem:$0x3FA2]  }
0x2a: {  	p0 =	seq.s32 s5, $0x0;
	s5 =	sld [smem:$0x3FA3]  }
0x2b: {  	s6 =	sld [smem:$0x3FA4]  }
0x2c: {  	s7 =	sld [smem:$0x3FA5]  }
0x2d: {  	s3 =	simm.s32 $0x108;
	s8 =	sld [smem:$0x3FA6]  }
0x2e: {  	s3 =	simm.s32 @!p0 $0x1082;
	s9 =	sld [smem:$0x3FA7]  }
0x2f: {  	lr =	sadd.s32 s0, s3;
	s0 =	sld [smem:$0x3F9E]  }
0x30: {  	s3 =	sld [smem:$0x3FA1]  }
0x31: {  	[smem:$0x3FAA] =	sst s10  }
0x32: {  	s10 =	sld [smem:$0x3FA8];
	_ =	sdelay $0x3  }
0x33: {  	p0 =	seq.s32 s10, $0x1;
	s10 =	sld [smem:$0x3FAA];
	_ =	sdelay $0x3  }
0x34: {  	[smem:$0x3FAA] =	sst s10  }
0x35: {  	s10 =	sld [smem:$0x3FA9];
	_ =	sdelay $0x3  }
0x36: {  	p1 =	seq.s32 s10, $0x1;
	s10 =	sld [smem:$0x3FAA];
	_ =	sdelay $0x3  }
0x37: {  	[smem:$0x3FAA] =	sst s10  }
0x38: {  	s10 =	sld [smem:$0x3FAB]  }
0x39: {  	_ = 	snop;
	(pc) =	sbr.ind lr, $3  }
0x3a: {  	_ = 	snop  }
0x3b: {  	_ = 	snop  }
0x3c: {  	p2 =	seq.s32 s10, $0x1;
	s10 =	sld [smem:$0x3FAA]  }
0x3d: {  	_ =	shalt  }
0x3e: {  	_ =	shalt  }
0x3f: {  	_ =	shalt  }
0x40: {  	_ =	shalt  }
0x41: {  	_ =	shalt  }
0x42: {  	_ =	shalt  }
0x43: {  	_ =	shalt  }
0x44: {  	_ =	shalt  }
0x45: {  	_ =	shalt  }
0x46: {  	_ =	shalt  }
0x47: {  	_ =	shalt  }
0x48: {  	_ =	shalt  }
0x49: {  	_ =	shalt  }
0x4a: {  	_ =	shalt  }
0x4b: {  	_ =	shalt  }
0x4c: {  	_ =	shalt  }
0x4d: {  	_ =	shalt  }
0x4e: {  	_ =	shalt  }
0x4f: {  	_ =	shalt  }
0x50: {  	_ =	shalt  }
0x51: {  	_ =	shalt  }
0x52: {  	_ =	shalt  }
0x53: {  	_ =	shalt  }
0x54: {  	_ =	shalt  }
0x55: {  	_ =	shalt  }
0x56: {  	_ =	shalt  }
0x57: {  	_ =	shalt  }
0x58: {  	_ =	shalt  }
0x59: {  	_ =	shalt  }
0x5a: {  	_ =	shalt  }
0x5b: {  	_ =	shalt  }
0x5c: {  	_ =	shalt  }
0x5d: {  	_ =	shalt  }
0x5e: {  	_ =	shalt  }
0x5f: {  	_ =	shalt  }
0x60: {  	_ =	shalt  }
0x61: {  	_ =	shalt  }
0x62: {  	_ =	shalt  }
0x63: {  	_ =	shalt  }
0x64: {  	_ =	shalt  }
0x65: {  	_ =	shalt  }
0x66: {  	_ =	shalt  }
0x67: {  	_ =	shalt  }
0x68: {  	_ =	shalt  }
0x69: {  	_ =	shalt  }
0x6a: {  	_ =	shalt  }
0x6b: {  	_ =	shalt  }
0x6c: {  	_ =	shalt  }
0x6d: {  	_ =	shalt  }
0x6e: {  	_ =	shalt  }
0x6f: {  	_ =	shalt  }
0x70: {  	_ =	shalt  }
0x71: {  	_ =	shalt  }
0x72: {  	_ =	shalt  }
0x73: {  	_ =	shalt  }
0x74: {  	_ =	shalt  }
0x75: {  	_ =	shalt  }
0x76: {  	_ =	shalt  }
0x77: {  	_ =	shalt  }
0x78: {  	_ =	shalt  }
0x79: {  	_ =	shalt  }
0x7a: {  	_ =	shalt  }
0x7b: {  	_ =	shalt  }
0x7c: {  	_ =	shalt  }
0x7d: {  	_ =	shalt  }
0x7e: {  	_ =	shalt  }
0x7f: {  	_ =	shalt  }
0x80: {  	_ =	shalt  }
0x81: {  	_ =	shalt  }
0x82: {  	_ =	shalt  }
0x83: {  	_ =	shalt  }
0x84: {  	_ =	shalt  }
0x85: {  	_ =	shalt  }
0x86: {  	_ =	shalt  }
0x87: {  	_ =	shalt  }
.Lfunc_end0:
.L_simem_size_0:
called_computation.1_lowered:
.L_overlay_start_0:
0x88: {  	s2 =	sld [smem:$0x3FD9]  }
0x89: {  	s3 =	sld [smem:$0x3FFE];
	_ =	sdelay $0x1  }
0x8a: {  	s1 =	srdreg.scid  }
0x8b: {  	s0 =	sand.u32 $0x1, s1  }
0x8c: {  	s16 =	sshll.u32 s0, $0xA;
	s2 =	sadd.s32 s3, s2  }
0x8d: {  	s2 =	sadd.s32 s2, s16  }
0x8e: {  	[smem:$0x3FB6] =	sst s2  }
0x8f: {  	_ = 	snop  }
0x90: {  	(tm) =	ssettm $0x1  }
0x91: {  	s17 =	sld [smem:$0x3FFB];
	_ =	sdelay $0x3  }
0x92: {  	_ =	strace s17  }
0x93: {  	s2 =	sld [smem:$0x3FFC];
	_ =	sdelay $0x3  }
0x94: {  	_ =	strace s2  }
0x95: {  	s2 =	sld [smem:$0x3FFD];
	_ =	sdelay $0x3  }
0x96: {  	_ =	strace s2  }
0x97: {  	_ =	strace $0x8FFFFFFF  }
0x98: {  	s18 =	sld [smem:$0x3FDB];
	_ =	sdelay $0x1  }
0x99: {  	s19 =	simm.s32 $_scs_section_size  }
0x9a: {  	s4 =	simm.s32 $_size__tile_overlayer_lowered;
	s5 =	simm.s32 $_tile_overlayer_lowered  }
0x9b: {  	s22 =	simm.s32 $0x1BFF;
	s21 =	sshll.u32 s5, $0x1;
	s2 =	sadd.s32 s19, s18  }
0x9c: {  	s6 =	simm.s32 $0x0;
	s20 =	sshll.u32 s4, $0x1;
	s4 =	sadd.s32 s21, s2  }
0x9d: {  	[timem:s6], [sflag:s22] =	dma.local [hbm:s4], s20  }
0x9e: {  	_ =	swait.ge [sflag:s22], s20  }
0x9f: {  	s3 =	ssub.s32 $0x0, s20;
	[sflag:s22] =	ssyncset.done $0x0  }
0xa0: {  	[sflag:s22] =	ssyncadd.s32 s3;
	_ =	sdelay $0x1  }
0xa1: {  	s23 =	simm.s32 $0x1B8B  }
0xa2: {  	_ =	swait.ge [sflag:s23], $0x1  }
0xa3: {  	[sflag:s23] =	ssyncset.done $0x0  }
0xa4: {  	s25 =	simm.s32 $0x1B8E;
	s24 =	sld [smem:$0x3FFE];
	[sflag:s23] =	ssyncadd.s32 $0xFFFFFFFF  }
0xa5: {  	s26 =	simm.s32 $execute0_lowered;
	[smem:$0x3FD2] =	sst s25  }
0xa6: {  	s4 =	sshll.u32 s26, $0x1;
	_ =	strace $0x80000049;
	[dreg:$0x1] =	wrdreg $0xFFFFFFFF  }
0xa7: {  	s28 =	simm.s32 $_size_execute0_lowered;
	s2 =	sadd.s32 s2, s4;
	[dreg:$0x0] =	wrdreg $0x0  }
0xa8: {  	s4 =	sshll.u32 s28, $0x1;
	[dreg:$0x2] =	wrdreg s2  }
0xa9: {  	[dreg:$0x3] =	wrdreg s4  }
0xaa: {  	[dreg:$0x4] =	wrdreg $0xC0  }
0xab: {  	_ =	task [dreg:s6], $0x5FFFF  }
0xac: {  	[dreg:$0x1] =	wrdreg $0xFFFFFFFF  }
0xad: {  	[dreg:$0x0] =	wrdreg $0x60  }
0xae: {  	[dreg:$0x2] =	wrdreg s24  }
0xaf: {  	[dreg:$0x3] =	wrdreg $0x82000  }
0xb0: {  	[dreg:$0x4] =	wrdreg $0x9  }
0xb1: {  	_ =	task.clear_ibuf [dreg:s6], $0x5FFFF;
	_ =	strace $0x90000049  }
0xb2: {  	s29 =	simm.s32 $0x9;
	_ =	strace $0x8000004B  }
0xb3: {  	_ =	swait.ge [sflag:s29], $0x1  }
0xb4: {  	[sflag:s29] =	ssyncadd.s32 $0xFFFFFFFF  }
0xb5: {  	_ =	strace $0x9000004B  }
0xb6: {  	_ =	sfence  }
0xb7: {  	s30 =	sld [smem:$0x0];
	_ =	sdelay $0x2  }
0xb8: {  	s31 =	sshll.u32 s1, $0xD;
	s1 =	sshrl.u32 s1, $0x2  }
0xb9: {  	s3 =	sand.u32 $0x4000, s31;
	s1 =	sadd.s32 s1, s30  }
0xba: {  	s0 =	sor.u32 s3, s0;
	s1 =	sshll.u32 s1, $0x11  }
0xbb: {  	s0 =	sor.u32 s1, s0  }
0xbc: {  	s0 =	sadd.s32 $0x8F2B, s0  }
0xbd: {  	[sflag:s0] =	ssyncadd.remote.s32 $0x1  }
0xbe: {  	_ =	sfence.sel $0xFFFF  }
0xbf: {  	[dreg:$0x0] =	wrdreg $0xFFFFFFFF;
	(pc) =	sbr.abs _section_cstart, $3  }
0xc0: {  	[dreg:$0x1] =	wrdreg $0xFFFFFFFF  }
0xc1: {  	_ =	task.clear_ibuf [dreg:s6], $0x2FFFF;
	_ =	strace $0x9FFFFFFF  }
0xc2: {  	(tm) =	ssettm $0x7FFFFFFF  }
0xc3: {  	_ =	shalt  }
tec
execute0_lowered:
.L_overlay_start_1:
0x0: {  	(tag) =	ssettag $0x1  }
0x1: {  	s7 =	rddreg [dreg:$0x0]  }
0x2: {  	s2 =	rddreg [dreg:$0x1];
	s3 =	simm.s32 $0x0;
	s1 =	stileid.u32  }
0x3: {  	s5 =	srdreg.scid;
	s20 =	simm.s32 $0x200;
	s21 =	simm.s32 $0x2  }
0x4: {  	s22 =	simm.s32 $0x4200;
	s23 =	simm.s32 $0x4;
	s24 =	simm.s32 $0x180  }
0x5: {  	s25 =	simm.s32 $0x0;
	[smem:$0x7FF] =	sst s3;
	s10 =	smul.u32 $0x2700, s1  }
0x6: {  	s4 =	sadd.s32 $0x40600, s7;
	s13 =	sadd.s32 $0x5400, s7;
	s11 =	smul.u32 $0x4E000, s1  }
0x7: {  	s9 =	sand.u32 $0x1, s5;
	s12 =	sadd.s32 $0x103E00, s7;
	s18 =	smul.u32 $0x5000, s1  }
0x8: {  	s29 =	sshll.u32 s1, $0x6;
	s17 =	sadd.s32 $0x138000, s2;
	s16 =	smul.u32 $0x138800, s9  }
0x9: {  	p0 =	sne.s32 s1, $0xF;
	_ =	strace $0x8000004A;
	s30 =	smul.u32 $0x50000, s9  }
0xa: {  	s5 =	ssub.s32 $0x2, s9;
	s8 =	sshll.u32 s9, $0x4;
	s19 =	smul.u32 $0x27100, s9  }
0xb: {  	s6 =	sadd.s32 s10, s7;
	s14 =	sshrl.u32 s5, $0x1;
	s8 =	sor.u32 s1, s8  }
0xc: {  	s28 =	sshrl.u32 s11, $0x2;
	s7 =	sadd.s32 $0x8E800, s7;
	s14 =	ssub.s32 s5, s14  }
0xd: {  	s8 =	smul.u32 $0x5000, s8;
	s15 =	sadd.s32 s28, s2;
	s5 =	sadd.s32 $0x67800, s6  }
0xe: {  	s6 =	sor.u32 $0x1C05, s29;
	s16 =	sshrl.u32 s16, $0x3;
	s11 =	sadd.s32 s18, s30  }
0xf: {  	s10 =	sadd.s32 s10, s19;
	s19 =	simm.s32 $0x7D;
	s16 =	sadd.s32 s12, s16  }
.Ltmp0:
0x10: {  	s18 =	sor.u32 $0x200, s11;
	s10 =	sadd.s32 s12, s10;
	(pc) =	sbr.rel .LBB2_1-.Ltmp0, $4  }
0x11: {  	s12 =	smax.u32 s14, $0x1;
	s14 =	sshrl.u32 s15, $0x3;
	s15 =	simm.s32 $0x5  }
0x12: {  	s8 =	sshrl.u32 s8, $0x3;
	s11 =	sadd.s32 $0x27000, s16;
	s31 =	sshrl.u32 s18, $0x3  }
0x13: {  	s16 =	sshrl.u32 @!p0 s17, $0x3;
	s17 =	simm.s32 $0x100;
	s8 =	sadd.s32 s13, s8  }
0x14: {  	s18 =	simm.s32 $0x1;
	s13 =	sadd.s32 s31, s13;
	s9 =	sadd.s32 $0x20, s8  }
.LBB2_5:
0x15: {  	[bflag:$0x0] =	sbarrier.arrive $0xFFFF  }
0x16: {  	[hbm:s10], [sflag:s6] =	dma.local [spmem:s14], $0x2700  }
0x17: {  	s25 =	sadd.s32 $0x1, s25;
	_ =	swait.ge [sflag:s15], $0x2700  }
0x18: {  	p1 =	sne.s32 s25, s12;
	[sflag:s15] =	ssyncset.done $0x0  }
.Ltmp1:
0x19: {  	s0 =	simm.s32 @!p0 $0x5;
	[sflag:s15] =	ssyncadd.s32 $0xFFFFD900;
	(pc) =	sbr.rel @!p1 .LBB2_6-.Ltmp1, $4  }
0x1a: {  	[hbm:s11], [sflag:s6] =	dma.local @!p0 [spmem:s16], $0x100  }
0x1b: {  	_ =	swait.ge @!p0 [sflag:s0], $0x100  }
0x1c: {  	[sflag:s0] =	ssyncset.done @!p0 $0x0  }
0x1d: {  	[sflag:s0] =	ssyncadd.s32 @!p0 $0xFFFFFF00  }
.LBB2_1:
0x1e: {  	[spmem:s14], [sflag:s6] =	dma.local [hbm:s5], $0x2700  }
0x1f: {  	_ =	swait.ge [sflag:s15], $0x2700  }
0x20: {  	[sflag:s15] =	ssyncset.done $0x0  }
0x21: {  	s26 =	simm.s32 @!p0 $0x5;
	[sflag:s15] =	ssyncadd.s32 $0xFFFFD900  }
0x22: {  	[spmem:s16], [sflag:s6] =	dma.local @!p0 [hbm:s7], $0x100  }
0x23: {  	_ =	swait.ge @!p0 [sflag:s26], $0x100  }
0x24: {  	[sflag:s26] =	ssyncset.done @!p0 $0x0  }
0x25: {  	[sflag:s26] =	ssyncadd.s32 @!p0 $0xFFFFFF00  }
0x26: {  	[bflag:$0x0] =	sbarrier.arrive $0xFFFF  }
0x27: {  	[tilespmem:s3], [sflag:$0x1] =	stream.linear.gather [hbm4b:s8+s3], $0x100, $0x38;
	[tilespmem:$0x1BA80] =	vst v63  }
0x28: {  	_ = 	snop  }
0x29: {  	[tilespmem:s17], [sflag:$0x2] =	stream.linear.gather [hbm4b:s9+s3], $0x100, $0x38;
	[tilespmem:$0x1BA80] =	vst v63  }
0x2a: {  	_ =	swait.ge [sflag:s18], $0x100  }
0x2b: {  	[sflag:s18] =	ssyncset.done $0x0  }
0x2c: {  	[sflag:s18] =	ssyncadd.s32 $0xFFFFFF00  }
0x2d: {  	[tilespmem:s20], [sflag:$0x3] =	stream.indirect.gather [hbm4b:s4+s19], $0x80, s3, s19, $0xb8;
	[tilespmem:$0x1BA80] =	vst v63  }
.Ltmp2:
0x2e: {  	_ = 	snop;
	(pc) =	sbr.rel .LBB2_2-.Ltmp2, $4  }
0x2f: {  	_ =	swait.ge [sflag:s21], $0x100  }
0x30: {  	[sflag:s21] =	ssyncset.done $0x0  }
0x31: {  	s28 =	simm.s32 $0x0;
	s26 =	smov.u32 s13;
	[sflag:s21] =	ssyncadd.s32 $0xFFFFFF00  }
0x32: {  	[tilespmem:s22], [sflag:$0x4] =	stream.indirect.gather [hbm4b:s4+s19], $0x80, s17, s19, $0xb8;
	[tilespmem:$0x1BA80] =	vst v63  }
.LBB2_4:
0x33: {  	s28 =	sadd.s32 $0x1, s28  }
0x34: {  	p1 =	sne.s32 s28, $0x50  }
.Ltmp3:
0x35: {  	_ = 	snop;
	(pc) =	sbr.rel @!p1 .LBB2_5-.Ltmp3, $2  }
0x36: {  	_ =	sdelay $0x2  }
0x37: {  	s26 =	sadd.s32 $0x20, s26  }
.LBB2_2:
0x38: {  	s29 =	sand.u32 $0x1, s28  }
0x39: {  	p1 =	seq.s32 s29, $0x1  }
0x3a: {  	s30 =	simm.s32 @!p1 $0x3  }
0x3b: {  	_ =	swait.ge @!p1 [sflag:s30], $0x3E80  }
0x3c: {  	s31 =	simm.s32 @!p1 $0x80;
	[sflag:s30] =	ssyncset.done @!p1 $0x0  }
0x3d: {  	s0 =	simm.s32 @!p1 $0x200;
	[sflag:s30] =	ssyncadd.s32 @!p1 $0xFFFFC180;
	s30 =	simm.s32 @!p1 $0x7D  }
0x3e: {  	[spmem:s2] =	stream.indirect.scatter.add.f32 @!p1 [tilespmem:s0], [sflag:$0x5], $0x80, s31, s30, $0xb8;
	[tilespmem:$0x1BA80] =	vst v63  }
0x3f: {  	s0 =	simm.s32 @!p1 $0x5  }
0x40: {  	p2 =	sgt.u32 @!p1 s28, $0x4D;
	_ =	swait.ge @!p1 [sflag:s0], $0x3E80  }
0x41: {  	p2 =	por p2, p1;
	[sflag:s0] =	ssyncset.done @!p1 $0x0  }
0x42: {  	s30 =	simm.s32 @!p2 $0x1;
	[sflag:s0] =	ssyncadd.s32 @!p1 $0xFFFFC180;
	s0 =	simm.s32 @!p2 $0x0  }
0x43: {  	[tilespmem:s0], [sflag:$0x1] =	stream.linear.gather @!p2 [hbm4b:s26+s0], $0x100, $0x38;
	[tilespmem:$0x1BA80] =	vst v63  }
0x44: {  	_ =	swait.ge @!p2 [sflag:s30], $0x100  }
0x45: {  	[sflag:s30] =	ssyncset.done @!p2 $0x0  }
0x46: {  	s31 =	simm.s32 @!p2 $0x200;
	[sflag:s30] =	ssyncadd.s32 @!p2 $0xFFFFFF00;
	s30 =	simm.s32 @!p2 $0x7D  }
0x47: {  	[tilespmem:s31], [sflag:$0x3] =	stream.indirect.gather @!p2 [hbm4b:s4+s30], $0x80, s0, s30, $0xb8;
	[tilespmem:$0x1BA80] =	vst v63  }
0x48: {  	p2 =	seq.s32 @!p1 s29, $0x0  }
0x49: {  	p1 =	por p1, !p2  }
.Ltmp4:
0x4a: {  	_ = 	snop;
	(pc) =	sbr.rel @!p1 .LBB2_4-.Ltmp4, $1  }
0x4b: {  	_ =	sdelay $0x3  }
0x4c: {  	_ =	swait.ge [sflag:s23], $0x3E80  }
0x4d: {  	[sflag:s23] =	ssyncset.done $0x0  }
0x4e: {  	[sflag:s23] =	ssyncadd.s32 $0xFFFFC180  }
0x4f: {  	[spmem:s2] =	stream.indirect.scatter.add.f32 [tilespmem:s22], [sflag:$0x5], $0x80, s24, s19, $0xb8;
	[tilespmem:$0x1BA80] =	vst v63  }
0x50: {  	_ =	swait.ge [sflag:s15], $0x3E80  }
0x51: {  	p1 =	sgt.u32 s28, $0x4D;
	[sflag:s15] =	ssyncset.done $0x0  }
0x52: {  	s0 =	simm.s32 @!p1 $0x0;
	s29 =	simm.s32 @!p1 $0x100;
	[sflag:s15] =	ssyncadd.s32 $0xFFFFC180  }
0x53: {  	[tilespmem:s29], [sflag:$0x2] =	stream.linear.gather @!p1 [hbm4b:s26+s0], $0x100, $0x38;
	[tilespmem:$0x1BA80] =	vst v63  }
.Ltmp5:
0x54: {  	s0 =	simm.s32 @!p1 $0x2;
	(pc) =	sbr.rel .LBB2_4-.Ltmp5, $4  }
0x55: {  	_ =	swait.ge @!p1 [sflag:s0], $0x100  }
0x56: {  	[sflag:s0] =	ssyncset.done @!p1 $0x0  }
0x57: {  	s30 =	simm.s32 @!p1 $0x4200;
	[sflag:s0] =	ssyncadd.s32 @!p1 $0xFFFFFF00;
	s0 =	simm.s32 @!p1 $0x7D  }
0x58: {  	[tilespmem:s30], [sflag:$0x4] =	stream.indirect.gather @!p1 [hbm4b:s4+s0], $0x80, s29, s0, $0xb8;
	[tilespmem:$0x1BA80] =	vst v63  }
.LBB2_6:
0x59: {  	_ =	sfence.sel $0x180000  }
0x5a: {  	[bflag:$0x0] =	sbarrier.arrive $0xFFFF  }
0x5b: {  	_ =	strace $0x9000004A  }
0x5c: {  	[bflag:$0x2] =	sbarrier.arrive $0xFFFF  }
0x5d: {  	p0 =	sne.s32 s1, $0x0;
	s0 =	rddreg [dreg:$0x2]  }
0x5e: {  	s0 =	sadd.s32 @!p0 $0x100000, s0  }
0x5f: {  	[sflag:s0] =	ssyncadd.tile.s32 @!p0 $0x1;
	_ =	shalt  }
.Lfunc_end2:
_tile_overlayer_lowered:
.L_overlay_start_2:
0x60: {  	(tag) =	ssettag $0x2  }
0x61: {  	s0 =	rddreg [dreg:$0x0];
	s2 =	stileid.u32  }
0x62: {  	s1 =	rddreg [dreg:$0x1];
	p0 =	sne.s32 s2, $0x0  }
0x63: {  	s3 =	rddreg [dreg:$0x2];
	[bflag:$0x3] =	sbarrier.arrive $0xFFFF;
	s2 =	simm.s32 @!p0 $0x1C05  }
0x64: {  	[timem:s3], [sflag:s2] =	dma.local @!p0 [hbm:s0], s1  }
0x65: {  	s0 =	simm.s32 @!p0 $0x5  }
0x66: {  	_ =	swait.ge @!p0 [sflag:s0], s1  }
0x67: {  	s1 =	ssub.s32 @!p0 $0x0, s1;
	[sflag:s0] =	ssyncset.done @!p0 $0x0  }
0x68: {  	[sflag:s0] =	ssyncadd.s32 @!p0 s1  }
0x69: {  	[bflag:$0x3] =	sbarrier.arrive $0xFFFF  }
0x6a: {  	_ =	shalt  }

// kernel: kernel.17.cloned.1.call-start
scs
__scs_entry_jumppad:
0x0: {  	(pc) =	sbr.rel $0x88, $3  }
0x1: {  	(tag) =	ssettag $0x0;
	lr =	simm.s32 $0x1  }
0x2: {  	[smem:$0x3F8F] =	sst lr;
	_ =	strace $0xD0000000  }
0x3: {  	_ = 	snop  }
0x4: {  	_ = 	snop  }
0x5: {  	_ = 	snop  }
0x6: {  	_ = 	snop  }
0x7: {  	_ = 	snop  }
__scs_overlays_trampoline_lowered:
0x8: {  	[smem:$0x3F9E] =	sst s0  }
0x9: {  	[smem:$0x3F9F] =	sst s1  }
0xa: {  	[smem:$0x3FA0] =	sst s2  }
0xb: {  	[smem:$0x3FA1] =	sst s3  }
0xc: {  	[smem:$0x3FA2] =	sst s4  }
0xd: {  	[smem:$0x3FA3] =	sst s5  }
0xe: {  	[smem:$0x3FA4] =	sst s6  }
0xf: {  	[smem:$0x3FA5] =	sst s7  }
0x10: {  	[smem:$0x3FA6] =	sst s8  }
0x11: {  	[smem:$0x3FA7] =	sst s9;
	s0 =	simm.s32 @!p0 $0x0  }
0x12: {  	s1 =	sld [smem:$0x3F8D];
	s0 =	simm.s32 @p0 $0x1  }
0x13: {  	[smem:$0x3FA8] =	sst s0;
	s0 =	simm.s32 @!p1 $0x0  }
0x14: {  	s2 =	sld [smem:$0x3F8C];
	s0 =	simm.s32 @p1 $0x1  }
0x15: {  	[smem:$0x3FA9] =	sst s0;
	s0 =	simm.s32 @!p2 $0x0  }
0x16: {  	s3 =	sld [smem:$0x3FDB];
	s0 =	simm.s32 @p2 $0x1  }
0x17: {  	s4 =	simm.s32 $0x1BF5;
	[smem:$0x3FAB] =	sst s0  }
0x18: {  	s0 =	sld [smem:$0x3F8E];
	_ =	swait.ge [sflag:s4], $0x0  }
0x19: {  	s7 =	sld [smem:$0x3F8F]  }
0x1a: {  	s8 =	sadd.s32 $0xFFFFE003, lr  }
0x1b: {  	s9 =	sadd.s32 $0xFFFFFEF7, lr;
	s5 =	simm.s32 $0xFFFFFFFF;
	p2 =	slt.u32 s8, $0xFFFFF086  }
0x1c: {  	p1 =	slt.u32 s9, $0xF7A;
	s5 =	simm.s32 @!p2 $0x0  }
0x1d: {  	s5 =	simm.s32 @p1 $0x1;
	p0 =	seq.s32 s7, s2  }
0x1e: {  	s7 =	smul.u32 @!p0 $0xF7A, s2;
	p2 =	seq.s32 @!p0 s5, $0x0  }
0x1f: {  	s9 =	smul.u32 $0xF7A, s1;
	s8 =	simm.s32 @!p0 $0x1BF5;
	p2 =	por !p2, p0  }
0x20: {  	[sflag:s8] =	ssyncset.s32 @!p0 $0xFFFFF086;
	s6 =	sadd.s32 @!p0 s3, s7;
	s7 =	simm.s32 @!p0 $0x108  }
0x21: {  	s3 =	sadd.s32 s3, s9;
	s6 =	sadd.s32 @!p0 $0x88, s6;
	s7 =	simm.s32 @p2 $0x1082  }
0x22: {  	[simem:s7], [sflag:s8] =	dma.local @!p0 [hbm:s6], $0xF7A  }
0x23: {  	s9 =	sor.u32 $0xD0000000, s2;
	s6 =	simm.s32 $0x108;
	_ =	swait.ge @!p0 [sflag:s8], $0x0  }
0x24: {  	s3 =	sadd.s32 $0x88, s3;
	s6 =	simm.s32 @!p1 $0x1082;
	[sflag:s4] =	ssyncset.s32 $0xFFFFF086  }
0x25: {  	[simem:s6], [sflag:s4] =	dma.local [hbm:s3], $0xF7A  }
0x26: {  	[smem:$0x3F8F] =	sst s1;
	(tag) =	ssettag s2;
	_ =	strace s9  }
0x27: {  	s1 =	sld [smem:$0x3F9F]  }
0x28: {  	s2 =	sld [smem:$0x3FA0]  }
0x29: {  	s4 =	sld [smem:$0x3FA2]  }
0x2a: {  	p0 =	seq.s32 s5, $0x0;
	s5 =	sld [smem:$0x3FA3]  }
0x2b: {  	s6 =	sld [smem:$0x3FA4]  }
0x2c: {  	s7 =	sld [smem:$0x3FA5]  }
0x2d: {  	s3 =	simm.s32 $0x108;
	s8 =	sld [smem:$0x3FA6]  }
0x2e: {  	s3 =	simm.s32 @!p0 $0x1082;
	s9 =	sld [smem:$0x3FA7]  }
0x2f: {  	lr =	sadd.s32 s0, s3;
	s0 =	sld [smem:$0x3F9E]  }
0x30: {  	s3 =	sld [smem:$0x3FA1]  }
0x31: {  	[smem:$0x3FAA] =	sst s10  }
0x32: {  	s10 =	sld [smem:$0x3FA8];
	_ =	sdelay $0x3  }
0x33: {  	p0 =	seq.s32 s10, $0x1;
	s10 =	sld [smem:$0x3FAA];
	_ =	sdelay $0x3  }
0x34: {  	[smem:$0x3FAA] =	sst s10  }
0x35: {  	s10 =	sld [smem:$0x3FA9];
	_ =	sdelay $0x3  }
0x36: {  	p1 =	seq.s32 s10, $0x1;
	s10 =	sld [smem:$0x3FAA];
	_ =	sdelay $0x3  }
0x37: {  	[smem:$0x3FAA] =	sst s10  }
0x38: {  	s10 =	sld [smem:$0x3FAB]  }
0x39: {  	_ = 	snop;
	(pc) =	sbr.ind lr, $3  }
0x3a: {  	_ = 	snop  }
0x3b: {  	_ = 	snop  }
0x3c: {  	p2 =	seq.s32 s10, $0x1;
	s10 =	sld [smem:$0x3FAA]  }
0x3d: {  	_ =	shalt  }
0x3e: {  	_ =	shalt  }
0x3f: {  	_ =	shalt  }
0x40: {  	_ =	shalt  }
0x41: {  	_ =	shalt  }
0x42: {  	_ =	shalt  }
0x43: {  	_ =	shalt  }
0x44: {  	_ =	shalt  }
0x45: {  	_ =	shalt  }
0x46: {  	_ =	shalt  }
0x47: {  	_ =	shalt  }
0x48: {  	_ =	shalt  }
0x49: {  	_ =	shalt  }
0x4a: {  	_ =	shalt  }
0x4b: {  	_ =	shalt  }
0x4c: {  	_ =	shalt  }
0x4d: {  	_ =	shalt  }
0x4e: {  	_ =	shalt  }
0x4f: {  	_ =	shalt  }
0x50: {  	_ =	shalt  }
0x51: {  	_ =	shalt  }
0x52: {  	_ =	shalt  }
0x53: {  	_ =	shalt  }
0x54: {  	_ =	shalt  }
0x55: {  	_ =	shalt  }
0x56: {  	_ =	shalt  }
0x57: {  	_ =	shalt  }
0x58: {  	_ =	shalt  }
0x59: {  	_ =	shalt  }
0x5a: {  	_ =	shalt  }
0x5b: {  	_ =	shalt  }
0x5c: {  	_ =	shalt  }
0x5d: {  	_ =	shalt  }
0x5e: {  	_ =	shalt  }
0x5f: {  	_ =	shalt  }
0x60: {  	_ =	shalt  }
0x61: {  	_ =	shalt  }
0x62: {  	_ =	shalt  }
0x63: {  	_ =	shalt  }
0x64: {  	_ =	shalt  }
0x65: {  	_ =	shalt  }
0x66: {  	_ =	shalt  }
0x67: {  	_ =	shalt  }
0x68: {  	_ =	shalt  }
0x69: {  	_ =	shalt  }
0x6a: {  	_ =	shalt  }
0x6b: {  	_ =	shalt  }
0x6c: {  	_ =	shalt  }
0x6d: {  	_ =	shalt  }
0x6e: {  	_ =	shalt  }
0x6f: {  	_ =	shalt  }
0x70: {  	_ =	shalt  }
0x71: {  	_ =	shalt  }
0x72: {  	_ =	shalt  }
0x73: {  	_ =	shalt  }
0x74: {  	_ =	shalt  }
0x75: {  	_ =	shalt  }
0x76: {  	_ =	shalt  }
0x77: {  	_ =	shalt  }
0x78: {  	_ =	shalt  }
0x79: {  	_ =	shalt  }
0x7a: {  	_ =	shalt  }
0x7b: {  	_ =	shalt  }
0x7c: {  	_ =	shalt  }
0x7d: {  	_ =	shalt  }
0x7e: {  	_ =	shalt  }
0x7f: {  	_ =	shalt  }
0x80: {  	_ =	shalt  }
0x81: {  	_ =	shalt  }
0x82: {  	_ =	shalt  }
0x83: {  	_ =	shalt  }
0x84: {  	_ =	shalt  }
0x85: {  	_ =	shalt  }
0x86: {  	_ =	shalt  }
0x87: {  	_ =	shalt  }
.Lfunc_end0:
.L_simem_size_0:
called_computation.2_lowered:
.L_overlay_start_0:
0x88: {  	s2 =	sld [smem:$0x3FD9]  }
0x89: {  	s3 =	sld [smem:$0x3FFE];
	_ =	sdelay $0x1  }
0x8a: {  	s1 =	srdreg.scid  }
0x8b: {  	s0 =	sand.u32 $0x1, s1  }
0x8c: {  	s16 =	sshll.u32 s0, $0xA;
	s2 =	sadd.s32 s3, s2  }
0x8d: {  	s2 =	sadd.s32 s2, s16  }
0x8e: {  	[smem:$0x3FB6] =	sst s2  }
0x8f: {  	_ = 	snop  }
0x90: {  	(tm) =	ssettm $0x1  }
0x91: {  	s17 =	sld [smem:$0x3FFB];
	_ =	sdelay $0x3  }
0x92: {  	_ =	strace s17  }
0x93: {  	s2 =	sld [smem:$0x3FFC];
	_ =	sdelay $0x3  }
0x94: {  	_ =	strace s2  }
0x95: {  	s2 =	sld [smem:$0x3FFD];
	_ =	sdelay $0x3  }
0x96: {  	_ =	strace s2  }
0x97: {  	_ =	strace $0x8FFFFFFF  }
0x98: {  	s18 =	sld [smem:$0x3FDB];
	_ =	sdelay $0x1  }
0x99: {  	s19 =	simm.s32 $_scs_section_size  }
0x9a: {  	s4 =	simm.s32 $_size__tile_overlayer_lowered;
	s5 =	simm.s32 $_tile_overlayer_lowered  }
0x9b: {  	s22 =	simm.s32 $0x1BFF;
	s21 =	sshll.u32 s5, $0x1;
	s2 =	sadd.s32 s19, s18  }
0x9c: {  	s6 =	simm.s32 $0x0;
	s20 =	sshll.u32 s4, $0x1;
	s4 =	sadd.s32 s21, s2  }
0x9d: {  	[timem:s6], [sflag:s22] =	dma.local [hbm:s4], s20  }
0x9e: {  	_ =	swait.ge [sflag:s22], s20  }
0x9f: {  	s3 =	ssub.s32 $0x0, s20;
	[sflag:s22] =	ssyncset.done $0x0  }
0xa0: {  	[sflag:s22] =	ssyncadd.s32 s3;
	_ =	sdelay $0x1  }
0xa1: {  	s23 =	simm.s32 $0x1B8B  }
0xa2: {  	_ =	swait.ge [sflag:s23], $0x1  }
0xa3: {  	[sflag:s23] =	ssyncset.done $0x0  }
0xa4: {  	s25 =	simm.s32 $0x1B8E;
	s24 =	sld [smem:$0x3FFE];
	[sflag:s23] =	ssyncadd.s32 $0xFFFFFFFF  }
0xa5: {  	s26 =	simm.s32 $execute0_lowered;
	[smem:$0x3FD2] =	sst s25  }
0xa6: {  	s4 =	sshll.u32 s26, $0x1;
	_ =	strace $0x8000004C;
	[dreg:$0x1] =	wrdreg $0xFFFFFFFF  }
0xa7: {  	s28 =	simm.s32 $_size_execute0_lowered;
	s2 =	sadd.s32 s2, s4;
	[dreg:$0x0] =	wrdreg $0x0  }
0xa8: {  	s4 =	sshll.u32 s28, $0x1;
	[dreg:$0x2] =	wrdreg s2  }
0xa9: {  	[dreg:$0x3] =	wrdreg s4  }
0xaa: {  	[dreg:$0x4] =	wrdreg $0xC0  }
0xab: {  	_ =	task [dreg:s6], $0x5FFFF  }
0xac: {  	[dreg:$0x1] =	wrdreg $0xFFFFFFFF  }
0xad: {  	[dreg:$0x0] =	wrdreg $0x60  }
0xae: {  	[dreg:$0x2] =	wrdreg s24  }
0xaf: {  	[dreg:$0x3] =	wrdreg $0x82000  }
0xb0: {  	[dreg:$0x4] =	wrdreg $0x9  }
0xb1: {  	_ =	task.clear_ibuf [dreg:s6], $0x5FFFF;
	_ =	strace $0x9000004C  }
0xb2: {  	s29 =	simm.s32 $0x9;
	_ =	strace $0x8000004E  }
0xb3: {  	_ =	swait.ge [sflag:s29], $0x1  }
0xb4: {  	[sflag:s29] =	ssyncadd.s32 $0xFFFFFFFF  }
0xb5: {  	_ =	strace $0x9000004E  }
0xb6: {  	_ =	sfence  }
0xb7: {  	s30 =	sld [smem:$0x0];
	_ =	sdelay $0x2  }
0xb8: {  	s31 =	sshll.u32 s1, $0xD;
	s1 =	sshrl.u32 s1, $0x2  }
0xb9: {  	s3 =	sand.u32 $0x4000, s31;
	s1 =	sadd.s32 s1, s30  }
0xba: {  	s0 =	sor.u32 s3, s0;
	s1 =	sshll.u32 s1, $0x11  }
0xbb: {  	s0 =	sor.u32 s1, s0  }
0xbc: {  	s0 =	sadd.s32 $0x8F2B, s0  }
0xbd: {  	[sflag:s0] =	ssyncadd.remote.s32 $0x1  }
0xbe: {  	_ =	sfence.sel $0xFFFF  }
0xbf: {  	[dreg:$0x0] =	wrdreg $0xFFFFFFFF;
	(pc) =	sbr.abs _section_cstart, $3  }
0xc0: {  	[dreg:$0x1] =	wrdreg $0xFFFFFFFF  }
0xc1: {  	_ =	task.clear_ibuf [dreg:s6], $0x2FFFF;
	_ =	strace $0x9FFFFFFF  }
0xc2: {  	(tm) =	ssettm $0x7FFFFFFF  }
0xc3: {  	_ =	shalt  }
tec
execute0_lowered:
.L_overlay_start_1:
0x0: {  	(tag) =	ssettag $0x1  }
0x1: {  	s7 =	rddreg [dreg:$0x0]  }
0x2: {  	s2 =	rddreg [dreg:$0x1];
	s3 =	simm.s32 $0x0;
	s1 =	stileid.u32  }
0x3: {  	s5 =	srdreg.scid;
	s20 =	simm.s32 $0x200;
	s21 =	simm.s32 $0x2  }
0x4: {  	s22 =	simm.s32 $0x4200;
	s23 =	simm.s32 $0x4;
	s24 =	simm.s32 $0x180  }
0x5: {  	s25 =	simm.s32 $0x0;
	[smem:$0x7FF] =	sst s3;
	s10 =	smul.u32 $0x2700, s1  }
0x6: {  	s4 =	sadd.s32 $0x40600, s7;
	s13 =	sadd.s32 $0x5400, s7;
	s11 =	smul.u32 $0x4E000, s1  }
0x7: {  	s9 =	sand.u32 $0x1, s5;
	s12 =	sadd.s32 $0x103E00, s7;
	s18 =	smul.u32 $0x5000, s1  }
0x8: {  	s29 =	sshll.u32 s1, $0x6;
	s17 =	sadd.s32 $0x138000, s2;
	s16 =	smul.u32 $0x138800, s9  }
0x9: {  	p0 =	sne.s32 s1, $0xF;
	_ =	strace $0x8000004D;
	s30 =	smul.u32 $0x50000, s9  }
0xa: {  	s5 =	ssub.s32 $0x2, s9;
	s8 =	sshll.u32 s9, $0x4;
	s19 =	smul.u32 $0x27100, s9  }
0xb: {  	s6 =	sadd.s32 s10, s7;
	s14 =	sshrl.u32 s5, $0x1;
	s8 =	sor.u32 s1, s8  }
0xc: {  	s28 =	sshrl.u32 s11, $0x2;
	s7 =	sadd.s32 $0x8E800, s7;
	s14 =	ssub.s32 s5, s14  }
0xd: {  	s8 =	smul.u32 $0x5000, s8;
	s15 =	sadd.s32 s28, s2;
	s5 =	sadd.s32 $0x67800, s6  }
0xe: {  	s6 =	sor.u32 $0x1C05, s29;
	s16 =	sshrl.u32 s16, $0x3;
	s11 =	sadd.s32 s18, s30  }
0xf: {  	s10 =	sadd.s32 s10, s19;
	s19 =	simm.s32 $0x7D;
	s16 =	sadd.s32 s12, s16  }
.Ltmp0:
0x10: {  	s18 =	sor.u32 $0x200, s11;
	s10 =	sadd.s32 s12, s10;
	(pc) =	sbr.rel .LBB2_1-.Ltmp0, $4  }
0x11: {  	s12 =	smax.u32 s14, $0x1;
	s14 =	sshrl.u32 s15, $0x3;
	s15 =	simm.s32 $0x5  }
0x12: {  	s8 =	sshrl.u32 s8, $0x3;
	s11 =	sadd.s32 $0x27000, s16;
	s31 =	sshrl.u32 s18, $0x3  }
0x13: {  	s16 =	sshrl.u32 @!p0 s17, $0x3;
	s17 =	simm.s32 $0x100;
	s8 =	sadd.s32 s13, s8  }
0x14: {  	s18 =	simm.s32 $0x1;
	s13 =	sadd.s32 s31, s13;
	s9 =	sadd.s32 $0x20, s8  }
.LBB2_5:
0x15: {  	[bflag:$0x0] =	sbarrier.arrive $0xFFFF  }
0x16: {  	[hbm:s10], [sflag:s6] =	dma.local [spmem:s14], $0x2700  }
0x17: {  	s25 =	sadd.s32 $0x1, s25;
	_ =	swait.ge [sflag:s15], $0x2700  }
0x18: {  	p1 =	sne.s32 s25, s12;
	[sflag:s15] =	ssyncset.done $0x0  }
.Ltmp1:
0x19: {  	s0 =	simm.s32 @!p0 $0x5;
	[sflag:s15] =	ssyncadd.s32 $0xFFFFD900;
	(pc) =	sbr.rel @!p1 .LBB2_6-.Ltmp1, $4  }
0x1a: {  	[hbm:s11], [sflag:s6] =	dma.local @!p0 [spmem:s16], $0x100  }
0x1b: {  	_ =	swait.ge @!p0 [sflag:s0], $0x100  }
0x1c: {  	[sflag:s0] =	ssyncset.done @!p0 $0x0  }
0x1d: {  	[sflag:s0] =	ssyncadd.s32 @!p0 $0xFFFFFF00  }
.LBB2_1:
0x1e: {  	[spmem:s14], [sflag:s6] =	dma.local [hbm:s5], $0x2700  }
0x1f: {  	_ =	swait.ge [sflag:s15], $0x2700  }
0x20: {  	[sflag:s15] =	ssyncset.done $0x0  }
0x21: {  	s26 =	simm.s32 @!p0 $0x5;
	[sflag:s15] =	ssyncadd.s32 $0xFFFFD900  }
0x22: {  	[spmem:s16], [sflag:s6] =	dma.local @!p0 [hbm:s7], $0x100  }
0x23: {  	_ =	swait.ge @!p0 [sflag:s26], $0x100  }
0x24: {  	[sflag:s26] =	ssyncset.done @!p0 $0x0  }
0x25: {  	[sflag:s26] =	ssyncadd.s32 @!p0 $0xFFFFFF00  }
0x26: {  	[bflag:$0x0] =	sbarrier.arrive $0xFFFF  }
0x27: {  	[tilespmem:s3], [sflag:$0x1] =	stream.linear.gather [hbm4b:s8+s3], $0x100, $0x38;
	[tilespmem:$0x1BA80] =	vst v63  }
0x28: {  	_ = 	snop  }
0x29: {  	[tilespmem:s17], [sflag:$0x2] =	stream.linear.gather [hbm4b:s9+s3], $0x100, $0x38;
	[tilespmem:$0x1BA80] =	vst v63  }
0x2a: {  	_ =	swait.ge [sflag:s18], $0x100  }
0x2b: {  	[sflag:s18] =	ssyncset.done $0x0  }
0x2c: {  	[sflag:s18] =	ssyncadd.s32 $0xFFFFFF00  }
0x2d: {  	[tilespmem:s20], [sflag:$0x3] =	stream.indirect.gather [hbm4b:s4+s19], $0x80, s3, s19, $0xb8;
	[tilespmem:$0x1BA80] =	vst v63  }
.Ltmp2:
0x2e: {  	_ = 	snop;
	(pc) =	sbr.rel .LBB2_2-.Ltmp2, $4  }
0x2f: {  	_ =	swait.ge [sflag:s21], $0x100  }
0x30: {  	[sflag:s21] =	ssyncset.done $0x0  }
0x31: {  	s28 =	simm.s32 $0x0;
	s26 =	smov.u32 s13;
	[sflag:s21] =	ssyncadd.s32 $0xFFFFFF00  }
0x32: {  	[tilespmem:s22], [sflag:$0x4] =	stream.indirect.gather [hbm4b:s4+s19], $0x80, s17, s19, $0xb8;
	[tilespmem:$0x1BA80] =	vst v63  }
.LBB2_4:
0x33: {  	s28 =	sadd.s32 $0x1, s28  }
0x34: {  	p1 =	sne.s32 s28, $0x50  }
.Ltmp3:
0x35: {  	_ = 	snop;
	(pc) =	sbr.rel @!p1 .LBB2_5-.Ltmp3, $2  }
0x36: {  	_ =	sdelay $0x2  }
0x37: {  	s26 =	sadd.s32 $0x20, s26  }
.LBB2_2:
0x38: {  	s29 =	sand.u32 $0x1, s28  }
0x39: {  	p1 =	seq.s32 s29, $0x1  }
0x3a: {  	s30 =	simm.s32 @!p1 $0x3  }
0x3b: {  	_ =	swait.ge @!p1 [sflag:s30], $0x3E80  }
0x3c: {  	s31 =	simm.s32 @!p1 $0x80;
	[sflag:s30] =	ssyncset.done @!p1 $0x0  }
0x3d: {  	s0 =	simm.s32 @!p1 $0x200;
	[sflag:s30] =	ssyncadd.s32 @!p1 $0xFFFFC180;
	s30 =	simm.s32 @!p1 $0x7D  }
0x3e: {  	[spmem:s2] =	stream.indirect.scatter.add.f32 @!p1 [tilespmem:s0], [sflag:$0x5], $0x80, s31, s30, $0xb8;
	[tilespmem:$0x1BA80] =	vst v63  }
0x3f: {  	s0 =	simm.s32 @!p1 $0x5  }
0x40: {  	p2 =	sgt.u32 @!p1 s28, $0x4D;
	_ =	swait.ge @!p1 [sflag:s0], $0x3E80  }
0x41: {  	p2 =	por p2, p1;
	[sflag:s0] =	ssyncset.done @!p1 $0x0  }
0x42: {  	s30 =	simm.s32 @!p2 $0x1;
	[sflag:s0] =	ssyncadd.s32 @!p1 $0xFFFFC180;
	s0 =	simm.s32 @!p2 $0x0  }
0x43: {  	[tilespmem:s0], [sflag:$0x1] =	stream.linear.gather @!p2 [hbm4b:s26+s0], $0x100, $0x38;
	[tilespmem:$0x1BA80] =	vst v63  }
0x44: {  	_ =	swait.ge @!p2 [sflag:s30], $0x100  }
0x45: {  	[sflag:s30] =	ssyncset.done @!p2 $0x0  }
0x46: {  	s31 =	simm.s32 @!p2 $0x200;
	[sflag:s30] =	ssyncadd.s32 @!p2 $0xFFFFFF00;
	s30 =	simm.s32 @!p2 $0x7D  }
0x47: {  	[tilespmem:s31], [sflag:$0x3] =	stream.indirect.gather @!p2 [hbm4b:s4+s30], $0x80, s0, s30, $0xb8;
	[tilespmem:$0x1BA80] =	vst v63  }
0x48: {  	p2 =	seq.s32 @!p1 s29, $0x0  }
0x49: {  	p1 =	por p1, !p2  }
.Ltmp4:
0x4a: {  	_ = 	snop;
	(pc) =	sbr.rel @!p1 .LBB2_4-.Ltmp4, $1  }
0x4b: {  	_ =	sdelay $0x3  }
0x4c: {  	_ =	swait.ge [sflag:s23], $0x3E80  }
0x4d: {  	[sflag:s23] =	ssyncset.done $0x0  }
0x4e: {  	[sflag:s23] =	ssyncadd.s32 $0xFFFFC180  }
0x4f: {  	[spmem:s2] =	stream.indirect.scatter.add.f32 [tilespmem:s22], [sflag:$0x5], $0x80, s24, s19, $0xb8;
	[tilespmem:$0x1BA80] =	vst v63  }
0x50: {  	_ =	swait.ge [sflag:s15], $0x3E80  }
0x51: {  	p1 =	sgt.u32 s28, $0x4D;
	[sflag:s15] =	ssyncset.done $0x0  }
0x52: {  	s0 =	simm.s32 @!p1 $0x0;
	s29 =	simm.s32 @!p1 $0x100;
	[sflag:s15] =	ssyncadd.s32 $0xFFFFC180  }
0x53: {  	[tilespmem:s29], [sflag:$0x2] =	stream.linear.gather @!p1 [hbm4b:s26+s0], $0x100, $0x38;
	[tilespmem:$0x1BA80] =	vst v63  }
.Ltmp5:
0x54: {  	s0 =	simm.s32 @!p1 $0x2;
	(pc) =	sbr.rel .LBB2_4-.Ltmp5, $4  }
0x55: {  	_ =	swait.ge @!p1 [sflag:s0], $0x100  }
0x56: {  	[sflag:s0] =	ssyncset.done @!p1 $0x0  }
0x57: {  	s30 =	simm.s32 @!p1 $0x4200;
	[sflag:s0] =	ssyncadd.s32 @!p1 $0xFFFFFF00;
	s0 =	simm.s32 @!p1 $0x7D  }
0x58: {  	[tilespmem:s30], [sflag:$0x4] =	stream.indirect.gather @!p1 [hbm4b:s4+s0], $0x80, s29, s0, $0xb8;
	[tilespmem:$0x1BA80] =	vst v63  }
.LBB2_6:
0x59: {  	_ =	sfence.sel $0x180000  }
0x5a: {  	[bflag:$0x0] =	sbarrier.arrive $0xFFFF  }
0x5b: {  	_ =	strace $0x9000004D  }
0x5c: {  	[bflag:$0x2] =	sbarrier.arrive $0xFFFF  }
0x5d: {  	p0 =	sne.s32 s1, $0x0;
	s0 =	rddreg [dreg:$0x2]  }
0x5e: {  	s0 =	sadd.s32 @!p0 $0x100000, s0  }
0x5f: {  	[sflag:s0] =	ssyncadd.tile.s32 @!p0 $0x1;
	_ =	shalt  }
.Lfunc_end2:
_tile_overlayer_lowered:
.L_overlay_start_2:
0x60: {  	(tag) =	ssettag $0x2  }
0x61: {  	s0 =	rddreg [dreg:$0x0];
	s2 =	stileid.u32  }
0x62: {  	s1 =	rddreg [dreg:$0x1];
	p0 =	sne.s32 s2, $0x0  }
0x63: {  	s3 =	rddreg [dreg:$0x2];
	[bflag:$0x3] =	sbarrier.arrive $0xFFFF;
	s2 =	simm.s32 @!p0 $0x1C05  }
0x64: {  	[timem:s3], [sflag:s2] =	dma.local @!p0 [hbm:s0], s1  }
0x65: {  	s0 =	simm.s32 @!p0 $0x5  }
0x66: {  	_ =	swait.ge @!p0 [sflag:s0], s1  }
0x67: {  	s1 =	ssub.s32 @!p0 $0x0, s1;
	[sflag:s0] =	ssyncset.done @!p0 $0x0  }
0x68: {  	[sflag:s0] =	ssyncadd.s32 @!p0 s1  }
0x69: {  	[bflag:$0x3] =	sbarrier.arrive $0xFFFF  }
0x6a: {  	_ =	shalt  }

// kernel: kernel.20.cloned.1.call-start
scs
__scs_entry_jumppad:
0x0: {  	(pc) =	sbr.rel $0x88, $3  }
0x1: {  	(tag) =	ssettag $0x0;
	lr =	simm.s32 $0x1  }
0x2: {  	[smem:$0x3F8F] =	sst lr;
	_ =	strace $0xD0000000  }
0x3: {  	_ = 	snop  }
0x4: {  	_ = 	snop  }
0x5: {  	_ = 	snop  }
0x6: {  	_ = 	snop  }
0x7: {  	_ = 	snop  }
__scs_overlays_trampoline_lowered:
0x8: {  	[smem:$0x3F9E] =	sst s0  }
0x9: {  	[smem:$0x3F9F] =	sst s1  }
0xa: {  	[smem:$0x3FA0] =	sst s2  }
0xb: {  	[smem:$0x3FA1] =	sst s3  }
0xc: {  	[smem:$0x3FA2] =	sst s4  }
0xd: {  	[smem:$0x3FA3] =	sst s5  }
0xe: {  	[smem:$0x3FA4] =	sst s6  }
0xf: {  	[smem:$0x3FA5] =	sst s7  }
0x10: {  	[smem:$0x3FA6] =	sst s8  }
0x11: {  	[smem:$0x3FA7] =	sst s9;
	s0 =	simm.s32 @!p0 $0x0  }
0x12: {  	s1 =	sld [smem:$0x3F8D];
	s0 =	simm.s32 @p0 $0x1  }
0x13: {  	[smem:$0x3FA8] =	sst s0;
	s0 =	simm.s32 @!p1 $0x0  }
0x14: {  	s2 =	sld [smem:$0x3F8C];
	s0 =	simm.s32 @p1 $0x1  }
0x15: {  	[smem:$0x3FA9] =	sst s0;
	s0 =	simm.s32 @!p2 $0x0  }
0x16: {  	s3 =	sld [smem:$0x3FDB];
	s0 =	simm.s32 @p2 $0x1  }
0x17: {  	s4 =	simm.s32 $0x1BF5;
	[smem:$0x3FAB] =	sst s0  }
0x18: {  	s0 =	sld [smem:$0x3F8E];
	_ =	swait.ge [sflag:s4], $0x0  }
0x19: {  	s7 =	sld [smem:$0x3F8F]  }
0x1a: {  	s8 =	sadd.s32 $0xFFFFE003, lr  }
0x1b: {  	s9 =	sadd.s32 $0xFFFFFEF7, lr;
	s5 =	simm.s32 $0xFFFFFFFF;
	p2 =	slt.u32 s8, $0xFFFFF086  }
0x1c: {  	p1 =	slt.u32 s9, $0xF7A;
	s5 =	simm.s32 @!p2 $0x0  }
0x1d: {  	s5 =	simm.s32 @p1 $0x1;
	p0 =	seq.s32 s7, s2  }
0x1e: {  	s7 =	smul.u32 @!p0 $0xF7A, s2;
	p2 =	seq.s32 @!p0 s5, $0x0  }
0x1f: {  	s9 =	smul.u32 $0xF7A, s1;
	s8 =	simm.s32 @!p0 $0x1BF5;
	p2 =	por !p2, p0  }
0x20: {  	[sflag:s8] =	ssyncset.s32 @!p0 $0xFFFFF086;
	s6 =	sadd.s32 @!p0 s3, s7;
	s7 =	simm.s32 @!p0 $0x108  }
0x21: {  	s3 =	sadd.s32 s3, s9;
	s6 =	sadd.s32 @!p0 $0x88, s6;
	s7 =	simm.s32 @p2 $0x1082  }
0x22: {  	[simem:s7], [sflag:s8] =	dma.local @!p0 [hbm:s6], $0xF7A  }
0x23: {  	s9 =	sor.u32 $0xD0000000, s2;
	s6 =	simm.s32 $0x108;
	_ =	swait.ge @!p0 [sflag:s8], $0x0  }
0x24: {  	s3 =	sadd.s32 $0x88, s3;
	s6 =	simm.s32 @!p1 $0x1082;
	[sflag:s4] =	ssyncset.s32 $0xFFFFF086  }
0x25: {  	[simem:s6], [sflag:s4] =	dma.local [hbm:s3], $0xF7A  }
0x26: {  	[smem:$0x3F8F] =	sst s1;
	(tag) =	ssettag s2;
	_ =	strace s9  }
0x27: {  	s1 =	sld [smem:$0x3F9F]  }
0x28: {  	s2 =	sld [smem:$0x3FA0]  }
0x29: {  	s4 =	sld [smem:$0x3FA2]  }
0x2a: {  	p0 =	seq.s32 s5, $0x0;
	s5 =	sld [smem:$0x3FA3]  }
0x2b: {  	s6 =	sld [smem:$0x3FA4]  }
0x2c: {  	s7 =	sld [smem:$0x3FA5]  }
0x2d: {  	s3 =	simm.s32 $0x108;
	s8 =	sld [smem:$0x3FA6]  }
0x2e: {  	s3 =	simm.s32 @!p0 $0x1082;
	s9 =	sld [smem:$0x3FA7]  }
0x2f: {  	lr =	sadd.s32 s0, s3;
	s0 =	sld [smem:$0x3F9E]  }
0x30: {  	s3 =	sld [smem:$0x3FA1]  }
0x31: {  	[smem:$0x3FAA] =	sst s10  }
0x32: {  	s10 =	sld [smem:$0x3FA8];
	_ =	sdelay $0x3  }
0x33: {  	p0 =	seq.s32 s10, $0x1;
	s10 =	sld [smem:$0x3FAA];
	_ =	sdelay $0x3  }
0x34: {  	[smem:$0x3FAA] =	sst s10  }
0x35: {  	s10 =	sld [smem:$0x3FA9];
	_ =	sdelay $0x3  }
0x36: {  	p1 =	seq.s32 s10, $0x1;
	s10 =	sld [smem:$0x3FAA];
	_ =	sdelay $0x3  }
0x37: {  	[smem:$0x3FAA] =	sst s10  }
0x38: {  	s10 =	sld [smem:$0x3FAB]  }
0x39: {  	_ = 	snop;
	(pc) =	sbr.ind lr, $3  }
0x3a: {  	_ = 	snop  }
0x3b: {  	_ = 	snop  }
0x3c: {  	p2 =	seq.s32 s10, $0x1;
	s10 =	sld [smem:$0x3FAA]  }
0x3d: {  	_ =	shalt  }
0x3e: {  	_ =	shalt  }
0x3f: {  	_ =	shalt  }
0x40: {  	_ =	shalt  }
0x41: {  	_ =	shalt  }
0x42: {  	_ =	shalt  }
0x43: {  	_ =	shalt  }
0x44: {  	_ =	shalt  }
0x45: {  	_ =	shalt  }
0x46: {  	_ =	shalt  }
0x47: {  	_ =	shalt  }
0x48: {  	_ =	shalt  }
0x49: {  	_ =	shalt  }
0x4a: {  	_ =	shalt  }
0x4b: {  	_ =	shalt  }
0x4c: {  	_ =	shalt  }
0x4d: {  	_ =	shalt  }
0x4e: {  	_ =	shalt  }
0x4f: {  	_ =	shalt  }
0x50: {  	_ =	shalt  }
0x51: {  	_ =	shalt  }
0x52: {  	_ =	shalt  }
0x53: {  	_ =	shalt  }
0x54: {  	_ =	shalt  }
0x55: {  	_ =	shalt  }
0x56: {  	_ =	shalt  }
0x57: {  	_ =	shalt  }
0x58: {  	_ =	shalt  }
0x59: {  	_ =	shalt  }
0x5a: {  	_ =	shalt  }
0x5b: {  	_ =	shalt  }
0x5c: {  	_ =	shalt  }
0x5d: {  	_ =	shalt  }
0x5e: {  	_ =	shalt  }
0x5f: {  	_ =	shalt  }
0x60: {  	_ =	shalt  }
0x61: {  	_ =	shalt  }
0x62: {  	_ =	shalt  }
0x63: {  	_ =	shalt  }
0x64: {  	_ =	shalt  }
0x65: {  	_ =	shalt  }
0x66: {  	_ =	shalt  }
0x67: {  	_ =	shalt  }
0x68: {  	_ =	shalt  }
0x69: {  	_ =	shalt  }
0x6a: {  	_ =	shalt  }
0x6b: {  	_ =	shalt  }
0x6c: {  	_ =	shalt  }
0x6d: {  	_ =	shalt  }
0x6e: {  	_ =	shalt  }
0x6f: {  	_ =	shalt  }
0x70: {  	_ =	shalt  }
0x71: {  	_ =	shalt  }
0x72: {  	_ =	shalt  }
0x73: {  	_ =	shalt  }
0x74: {  	_ =	shalt  }
0x75: {  	_ =	shalt  }
0x76: {  	_ =	shalt  }
0x77: {  	_ =	shalt  }
0x78: {  	_ =	shalt  }
0x79: {  	_ =	shalt  }
0x7a: {  	_ =	shalt  }
0x7b: {  	_ =	shalt  }
0x7c: {  	_ =	shalt  }
0x7d: {  	_ =	shalt  }
0x7e: {  	_ =	shalt  }
0x7f: {  	_ =	shalt  }
0x80: {  	_ =	shalt  }
0x81: {  	_ =	shalt  }
0x82: {  	_ =	shalt  }
0x83: {  	_ =	shalt  }
0x84: {  	_ =	shalt  }
0x85: {  	_ =	shalt  }
0x86: {  	_ =	shalt  }
0x87: {  	_ =	shalt  }
.Lfunc_end0:
.L_simem_size_0:
called_computation.3_lowered:
.L_overlay_start_0:
0x88: {  	s2 =	sld [smem:$0x3FD9]  }
0x89: {  	s3 =	sld [smem:$0x3FFE];
	_ =	sdelay $0x1  }
0x8a: {  	s1 =	srdreg.scid  }
0x8b: {  	s0 =	sand.u32 $0x1, s1  }
0x8c: {  	s16 =	sshll.u32 s0, $0xA;
	s2 =	sadd.s32 s3, s2  }
0x8d: {  	s2 =	sadd.s32 s2, s16  }
0x8e: {  	[smem:$0x3FB6] =	sst s2  }
0x8f: {  	_ = 	snop  }
0x90: {  	(tm) =	ssettm $0x1  }
0x91: {  	s17 =	sld [smem:$0x3FFB];
	_ =	sdelay $0x3  }
0x92: {  	_ =	strace s17  }
0x93: {  	s2 =	sld [smem:$0x3FFC];
	_ =	sdelay $0x3  }
0x94: {  	_ =	strace s2  }
0x95: {  	s2 =	sld [smem:$0x3FFD];
	_ =	sdelay $0x3  }
0x96: {  	_ =	strace s2  }
0x97: {  	_ =	strace $0x8FFFFFFF  }
0x98: {  	s18 =	sld [smem:$0x3FDB];
	_ =	sdelay $0x1  }
0x99: {  	s19 =	simm.s32 $_scs_section_size  }
0x9a: {  	s4 =	simm.s32 $_size__tile_overlayer_lowered;
	s5 =	simm.s32 $_tile_overlayer_lowered  }
0x9b: {  	s22 =	simm.s32 $0x1BFF;
	s21 =	sshll.u32 s5, $0x1;
	s2 =	sadd.s32 s19, s18  }
0x9c: {  	s6 =	simm.s32 $0x0;
	s20 =	sshll.u32 s4, $0x1;
	s4 =	sadd.s32 s21, s2  }
0x9d: {  	[timem:s6], [sflag:s22] =	dma.local [hbm:s4], s20  }
0x9e: {  	_ =	swait.ge [sflag:s22], s20  }
0x9f: {  	s3 =	ssub.s32 $0x0, s20;
	[sflag:s22] =	ssyncset.done $0x0  }
0xa0: {  	[sflag:s22] =	ssyncadd.s32 s3;
	_ =	sdelay $0x1  }
0xa1: {  	s23 =	simm.s32 $0x1B8B  }
0xa2: {  	_ =	swait.ge [sflag:s23], $0x1  }
0xa3: {  	[sflag:s23] =	ssyncset.done $0x0  }
0xa4: {  	s25 =	simm.s32 $0x1B8E;
	s24 =	sld [smem:$0x3FFE];
	[sflag:s23] =	ssyncadd.s32 $0xFFFFFFFF  }
0xa5: {  	s26 =	simm.s32 $execute0_lowered;
	[smem:$0x3FD2] =	sst s25  }
0xa6: {  	s4 =	sshll.u32 s26, $0x1;
	_ =	strace $0x8000004F;
	[dreg:$0x1] =	wrdreg $0xFFFFFFFF  }
0xa7: {  	s28 =	simm.s32 $_size_execute0_lowered;
	s2 =	sadd.s32 s2, s4;
	[dreg:$0x0] =	wrdreg $0x0  }
0xa8: {  	s4 =	sshll.u32 s28, $0x1;
	[dreg:$0x2] =	wrdreg s2  }
0xa9: {  	[dreg:$0x3] =	wrdreg s4  }
0xaa: {  	[dreg:$0x4] =	wrdreg $0xC0  }
0xab: {  	_ =	task [dreg:s6], $0x5FFFF  }
0xac: {  	[dreg:$0x1] =	wrdreg $0xFFFFFFFF  }
0xad: {  	[dreg:$0x0] =	wrdreg $0x60  }
0xae: {  	[dreg:$0x2] =	wrdreg s24  }
0xaf: {  	[dreg:$0x3] =	wrdreg $0x82000  }
0xb0: {  	[dreg:$0x4] =	wrdreg $0x9  }
0xb1: {  	_ =	task.clear_ibuf [dreg:s6], $0x5FFFF;
	_ =	strace $0x9000004F  }
0xb2: {  	s29 =	simm.s32 $0x9;
	_ =	strace $0x80000051  }
0xb3: {  	_ =	swait.ge [sflag:s29], $0x1  }
0xb4: {  	[sflag:s29] =	ssyncadd.s32 $0xFFFFFFFF  }
0xb5: {  	_ =	strace $0x90000051  }
0xb6: {  	_ =	sfence  }
0xb7: {  	s30 =	sld [smem:$0x0];
	_ =	sdelay $0x2  }
0xb8: {  	s31 =	sshll.u32 s1, $0xD;
	s1 =	sshrl.u32 s1, $0x2  }
0xb9: {  	s3 =	sand.u32 $0x4000, s31;
	s1 =	sadd.s32 s1, s30  }
0xba: {  	s0 =	sor.u32 s3, s0;
	s1 =	sshll.u32 s1, $0x11  }
0xbb: {  	s0 =	sor.u32 s1, s0  }
0xbc: {  	s0 =	sadd.s32 $0x8F2B, s0  }
0xbd: {  	[sflag:s0] =	ssyncadd.remote.s32 $0x1  }
0xbe: {  	_ =	sfence.sel $0xFFFF  }
0xbf: {  	[dreg:$0x0] =	wrdreg $0xFFFFFFFF;
	(pc) =	sbr.abs _section_cstart, $3  }
0xc0: {  	[dreg:$0x1] =	wrdreg $0xFFFFFFFF  }
0xc1: {  	_ =	task.clear_ibuf [dreg:s6], $0x2FFFF;
	_ =	strace $0x9FFFFFFF  }
0xc2: {  	(tm) =	ssettm $0x7FFFFFFF  }
0xc3: {  	_ =	shalt  }
tec
execute0_lowered:
.L_overlay_start_1:
0x0: {  	(tag) =	ssettag $0x1  }
0x1: {  	s7 =	rddreg [dreg:$0x0]  }
0x2: {  	s2 =	rddreg [dreg:$0x1];
	s3 =	simm.s32 $0x0;
	s1 =	stileid.u32  }
0x3: {  	s5 =	srdreg.scid;
	s20 =	simm.s32 $0x200;
	s21 =	simm.s32 $0x2  }
0x4: {  	s22 =	simm.s32 $0x4200;
	s23 =	simm.s32 $0x4;
	s24 =	simm.s32 $0x180  }
0x5: {  	s25 =	simm.s32 $0x0;
	[smem:$0x7FF] =	sst s3;
	s10 =	smul.u32 $0x2700, s1  }
0x6: {  	s4 =	sadd.s32 $0x40600, s7;
	s13 =	sadd.s32 $0x5400, s7;
	s11 =	smul.u32 $0x4E000, s1  }
0x7: {  	s9 =	sand.u32 $0x1, s5;
	s12 =	sadd.s32 $0x103E00, s7;
	s18 =	smul.u32 $0x5000, s1  }
0x8: {  	s29 =	sshll.u32 s1, $0x6;
	s17 =	sadd.s32 $0x138000, s2;
	s16 =	smul.u32 $0x138800, s9  }
0x9: {  	p0 =	sne.s32 s1, $0xF;
	_ =	strace $0x80000050;
	s30 =	smul.u32 $0x50000, s9  }
0xa: {  	s5 =	ssub.s32 $0x2, s9;
	s8 =	sshll.u32 s9, $0x4;
	s19 =	smul.u32 $0x27100, s9  }
0xb: {  	s6 =	sadd.s32 s10, s7;
	s14 =	sshrl.u32 s5, $0x1;
	s8 =	sor.u32 s1, s8  }
0xc: {  	s28 =	sshrl.u32 s11, $0x2;
	s7 =	sadd.s32 $0x8E800, s7;
	s14 =	ssub.s32 s5, s14  }
0xd: {  	s8 =	smul.u32 $0x5000, s8;
	s15 =	sadd.s32 s28, s2;
	s5 =	sadd.s32 $0x67800, s6  }
0xe: {  	s6 =	sor.u32 $0x1C05, s29;
	s16 =	sshrl.u32 s16, $0x3;
	s11 =	sadd.s32 s18, s30  }
0xf: {  	s10 =	sadd.s32 s10, s19;
	s19 =	simm.s32 $0x7D;
	s16 =	sadd.s32 s12, s16  }
.Ltmp0:
0x10: {  	s18 =	sor.u32 $0x200, s11;
	s10 =	sadd.s32 s12, s10;
	(pc) =	sbr.rel .LBB2_1-.Ltmp0, $4  }
0x11: {  	s12 =	smax.u32 s14, $0x1;
	s14 =	sshrl.u32 s15, $0x3;
	s15 =	simm.s32 $0x5  }
0x12: {  	s8 =	sshrl.u32 s8, $0x3;
	s11 =	sadd.s32 $0x27000, s16;
	s31 =	sshrl.u32 s18, $0x3  }
0x13: {  	s16 =	sshrl.u32 @!p0 s17, $0x3;
	s17 =	simm.s32 $0x100;
	s8 =	sadd.s32 s13, s8  }
0x14: {  	s18 =	simm.s32 $0x1;
	s13 =	sadd.s32 s31, s13;
	s9 =	sadd.s32 $0x20, s8  }
.LBB2_5:
0x15: {  	[bflag:$0x0] =	sbarrier.arrive $0xFFFF  }
0x16: {  	[hbm:s10], [sflag:s6] =	dma.local [spmem:s14], $0x2700  }
0x17: {  	s25 =	sadd.s32 $0x1, s25;
	_ =	swait.ge [sflag:s15], $0x2700  }
0x18: {  	p1 =	sne.s32 s25, s12;
	[sflag:s15] =	ssyncset.done $0x0  }
.Ltmp1:
0x19: {  	s0 =	simm.s32 @!p0 $0x5;
	[sflag:s15] =	ssyncadd.s32 $0xFFFFD900;
	(pc) =	sbr.rel @!p1 .LBB2_6-.Ltmp1, $4  }
0x1a: {  	[hbm:s11], [sflag:s6] =	dma.local @!p0 [spmem:s16], $0x100  }
0x1b: {  	_ =	swait.ge @!p0 [sflag:s0], $0x100  }
0x1c: {  	[sflag:s0] =	ssyncset.done @!p0 $0x0  }
0x1d: {  	[sflag:s0] =	ssyncadd.s32 @!p0 $0xFFFFFF00  }
.LBB2_1:
0x1e: {  	[spmem:s14], [sflag:s6] =	dma.local [hbm:s5], $0x2700  }
0x1f: {  	_ =	swait.ge [sflag:s15], $0x2700  }
0x20: {  	[sflag:s15] =	ssyncset.done $0x0  }
0x21: {  	s26 =	simm.s32 @!p0 $0x5;
	[sflag:s15] =	ssyncadd.s32 $0xFFFFD900  }
0x22: {  	[spmem:s16], [sflag:s6] =	dma.local @!p0 [hbm:s7], $0x100  }
0x23: {  	_ =	swait.ge @!p0 [sflag:s26], $0x100  }
0x24: {  	[sflag:s26] =	ssyncset.done @!p0 $0x0  }
0x25: {  	[sflag:s26] =	ssyncadd.s32 @!p0 $0xFFFFFF00  }
0x26: {  	[bflag:$0x0] =	sbarrier.arrive $0xFFFF  }
0x27: {  	[tilespmem:s3], [sflag:$0x1] =	stream.linear.gather [hbm4b:s8+s3], $0x100, $0x38;
	[tilespmem:$0x1BA80] =	vst v63  }
0x28: {  	_ = 	snop  }
0x29: {  	[tilespmem:s17], [sflag:$0x2] =	stream.linear.gather [hbm4b:s9+s3], $0x100, $0x38;
	[tilespmem:$0x1BA80] =	vst v63  }
0x2a: {  	_ =	swait.ge [sflag:s18], $0x100  }
0x2b: {  	[sflag:s18] =	ssyncset.done $0x0  }
0x2c: {  	[sflag:s18] =	ssyncadd.s32 $0xFFFFFF00  }
0x2d: {  	[tilespmem:s20], [sflag:$0x3] =	stream.indirect.gather [hbm4b:s4+s19], $0x80, s3, s19, $0xb8;
	[tilespmem:$0x1BA80] =	vst v63  }
.Ltmp2:
0x2e: {  	_ = 	snop;
	(pc) =	sbr.rel .LBB2_2-.Ltmp2, $4  }
0x2f: {  	_ =	swait.ge [sflag:s21], $0x100  }
0x30: {  	[sflag:s21] =	ssyncset.done $0x0  }
0x31: {  	s28 =	simm.s32 $0x0;
	s26 =	smov.u32 s13;
	[sflag:s21] =	ssyncadd.s32 $0xFFFFFF00  }
0x32: {  	[tilespmem:s22], [sflag:$0x4] =	stream.indirect.gather [hbm4b:s4+s19], $0x80, s17, s19, $0xb8;
	[tilespmem:$0x1BA80] =	vst v63  }
.LBB2_4:
0x33: {  	s28 =	sadd.s32 $0x1, s28  }
0x34: {  	p1 =	sne.s32 s28, $0x50  }
.Ltmp3:
0x35: {  	_ = 	snop;
	(pc) =	sbr.rel @!p1 .LBB2_5-.Ltmp3, $2  }
0x36: {  	_ =	sdelay $0x2  }
0x37: {  	s26 =	sadd.s32 $0x20, s26  }
.LBB2_2:
0x38: {  	s29 =	sand.u32 $0x1, s28  }
0x39: {  	p1 =	seq.s32 s29, $0x1  }
0x3a: {  	s30 =	simm.s32 @!p1 $0x3  }
0x3b: {  	_ =	swait.ge @!p1 [sflag:s30], $0x3E80  }
0x3c: {  	s31 =	simm.s32 @!p1 $0x80;
	[sflag:s30] =	ssyncset.done @!p1 $0x0  }
0x3d: {  	s0 =	simm.s32 @!p1 $0x200;
	[sflag:s30] =	ssyncadd.s32 @!p1 $0xFFFFC180;
	s30 =	simm.s32 @!p1 $0x7D  }
0x3e: {  	[spmem:s2] =	stream.indirect.scatter.add.f32 @!p1 [tilespmem:s0], [sflag:$0x5], $0x80, s31, s30, $0xb8;
	[tilespmem:$0x1BA80] =	vst v63  }
0x3f: {  	s0 =	simm.s32 @!p1 $0x5  }
0x40: {  	p2 =	sgt.u32 @!p1 s28, $0x4D;
	_ =	swait.ge @!p1 [sflag:s0], $0x3E80  }
0x41: {  	p2 =	por p2, p1;
	[sflag:s0] =	ssyncset.done @!p1 $0x0  }
0x42: {  	s30 =	simm.s32 @!p2 $0x1;
	[sflag:s0] =	ssyncadd.s32 @!p1 $0xFFFFC180;
	s0 =	simm.s32 @!p2 $0x0  }
0x43: {  	[tilespmem:s0], [sflag:$0x1] =	stream.linear.gather @!p2 [hbm4b:s26+s0], $0x100, $0x38;
	[tilespmem:$0x1BA80] =	vst v63  }
0x44: {  	_ =	swait.ge @!p2 [sflag:s30], $0x100  }
0x45: {  	[sflag:s30] =	ssyncset.done @!p2 $0x0  }
0x46: {  	s31 =	simm.s32 @!p2 $0x200;
	[sflag:s30] =	ssyncadd.s32 @!p2 $0xFFFFFF00;
	s30 =	simm.s32 @!p2 $0x7D  }
0x47: {  	[tilespmem:s31], [sflag:$0x3] =	stream.indirect.gather @!p2 [hbm4b:s4+s30], $0x80, s0, s30, $0xb8;
	[tilespmem:$0x1BA80] =	vst v63  }
0x48: {  	p2 =	seq.s32 @!p1 s29, $0x0  }
0x49: {  	p1 =	por p1, !p2  }
.Ltmp4:
0x4a: {  	_ = 	snop;
	(pc) =	sbr.rel @!p1 .LBB2_4-.Ltmp4, $1  }
0x4b: {  	_ =	sdelay $0x3  }
0x4c: {  	_ =	swait.ge [sflag:s23], $0x3E80  }
0x4d: {  	[sflag:s23] =	ssyncset.done $0x0  }
0x4e: {  	[sflag:s23] =	ssyncadd.s32 $0xFFFFC180  }
0x4f: {  	[spmem:s2] =	stream.indirect.scatter.add.f32 [tilespmem:s22], [sflag:$0x5], $0x80, s24, s19, $0xb8;
	[tilespmem:$0x1BA80] =	vst v63  }
0x50: {  	_ =	swait.ge [sflag:s15], $0x3E80  }
0x51: {  	p1 =	sgt.u32 s28, $0x4D;
	[sflag:s15] =	ssyncset.done $0x0  }
0x52: {  	s0 =	simm.s32 @!p1 $0x0;
	s29 =	simm.s32 @!p1 $0x100;
	[sflag:s15] =	ssyncadd.s32 $0xFFFFC180  }
0x53: {  	[tilespmem:s29], [sflag:$0x2] =	stream.linear.gather @!p1 [hbm4b:s26+s0], $0x100, $0x38;
	[tilespmem:$0x1BA80] =	vst v63  }
.Ltmp5:
0x54: {  	s0 =	simm.s32 @!p1 $0x2;
	(pc) =	sbr.rel .LBB2_4-.Ltmp5, $4  }
0x55: {  	_ =	swait.ge @!p1 [sflag:s0], $0x100  }
0x56: {  	[sflag:s0] =	ssyncset.done @!p1 $0x0  }
0x57: {  	s30 =	simm.s32 @!p1 $0x4200;
	[sflag:s0] =	ssyncadd.s32 @!p1 $0xFFFFFF00;
	s0 =	simm.s32 @!p1 $0x7D  }
0x58: {  	[tilespmem:s30], [sflag:$0x4] =	stream.indirect.gather @!p1 [hbm4b:s4+s0], $0x80, s29, s0, $0xb8;
	[tilespmem:$0x1BA80] =	vst v63  }
.LBB2_6:
0x59: {  	_ =	sfence.sel $0x180000  }
0x5a: {  	[bflag:$0x0] =	sbarrier.arrive $0xFFFF  }
0x5b: {  	_ =	strace $0x90000050  }
0x5c: {  	[bflag:$0x2] =	sbarrier.arrive $0xFFFF  }
0x5d: {  	p0 =	sne.s32 s1, $0x0;
	s0 =	rddreg [dreg:$0x2]  }
0x5e: {  	s0 =	sadd.s32 @!p0 $0x100000, s0  }
0x5f: {  	[sflag:s0] =	ssyncadd.tile.s32 @!p0 $0x1;
	_ =	shalt  }
.Lfunc_end2:
_tile_overlayer_lowered:
.L_overlay_start_2:
0x60: {  	(tag) =	ssettag $0x2  }
0x61: {  	s0 =	rddreg [dreg:$0x0];
	s2 =	stileid.u32  }
0x62: {  	s1 =	rddreg [dreg:$0x1];
	p0 =	sne.s32 s2, $0x0  }
0x63: {  	s3 =	rddreg [dreg:$0x2];
	[bflag:$0x3] =	sbarrier.arrive $0xFFFF;
	s2 =	simm.s32 @!p0 $0x1C05  }
0x64: {  	[timem:s3], [sflag:s2] =	dma.local @!p0 [hbm:s0], s1  }
0x65: {  	s0 =	simm.s32 @!p0 $0x5  }
0x66: {  	_ =	swait.ge @!p0 [sflag:s0], s1  }
0x67: {  	s1 =	ssub.s32 @!p0 $0x0, s1;
	[sflag:s0] =	ssyncset.done @!p0 $0x0  }
0x68: {  	[sflag:s0] =	ssyncadd.s32 @!p0 s1  }
0x69: {  	[bflag:$0x3] =	sbarrier.arrive $0xFFFF  }
0x6a: {  	_ =	shalt  }

</sc_bundles>
